<compile_context>
chip_gen: v7x
topology: tpu7x:2x2x1
jax: 0.10.2.dev20260603
libtpu: 0.0.44.dev20260713+nightly
codegen_flags: <defaults>
</compile_context>

<pallas_src>
import functools

import jax
import jax.numpy as jnp
from jax import lax
from jax.experimental import pallas as pl
from jax.experimental.pallas import tpu as pltpu
from jax.experimental.pallas import tpu_sc as plsc

N_NODES = 10000
NPAD = 10240
D = 256
DH = 128
E = 160000
EPAD = 163840
DCHUNK = 128
CHUNK = 128
NS = 16
NC = 2
ROWS_PER_TILE = NPAD // NS
DEG_CHUNKS = EPAD // (NS * NC) // DCHUNK
AGG_CHUNKS = EPAD // NS // CHUNK

_mesh = plsc.VectorSubcoreMesh(core_axis_name="c", subcore_axis_name="s")


@functools.partial(
    pl.kernel,
    out_type=(
        jax.ShapeDtypeStruct((NPAD,), jnp.float32),
        jax.ShapeDtypeStruct((NPAD,), jnp.float32),
    ),
    mesh=_mesh,
    scratch_types=[
        pltpu.VMEM((DEG_CHUNKS, DCHUNK), jnp.int32),
        pltpu.VMEM((DCHUNK,), jnp.float32),
        pltpu.VMEM((ROWS_PER_TILE,), jnp.float32),
        pltpu.VMEM_SHARED((NPAD,), jnp.float32),
    ],
)
def _deg_call(dst_hbm, deg0_hbm, deg1_hbm, idx_v, ones_v, zeros_v, acc):
    c = lax.axis_index("c")
    s = lax.axis_index("s")
    wid = c * NS + s

    def fill(i, _):
        ones_v[pl.ds(i * 16, 16)] = jnp.full((16,), 1.0, jnp.float32)
        return 0

    lax.fori_loop(0, DCHUNK // 16, fill, 0)

    def zfill(i, _):
        zeros_v[pl.ds(i * 16, 16)] = jnp.zeros((16,), jnp.float32)
        return 0

    lax.fori_loop(0, ROWS_PER_TILE // 16, zfill, 0)
    pltpu.sync_copy(zeros_v, acc.at[pl.ds(s * ROWS_PER_TILE, ROWS_PER_TILE)])
    pltpu.sync_copy(dst_hbm.at[pl.ds(wid * DEG_CHUNKS, DEG_CHUNKS)], idx_v)
    plsc.subcore_barrier()

    def chunk(j, _):
        pltpu.sync_copy(ones_v, acc.at[idx_v.at[j]], add=True)
        return 0

    lax.fori_loop(0, DEG_CHUNKS, chunk, 0)
    plsc.subcore_barrier()

    @pl.when(c == 0)
    def _():
        pltpu.sync_copy(acc.at[pl.ds(s * ROWS_PER_TILE, ROWS_PER_TILE)],
                        deg0_hbm.at[pl.ds(s * ROWS_PER_TILE, ROWS_PER_TILE)])

    @pl.when(c == 1)
    def _():
        pltpu.sync_copy(acc.at[pl.ds(s * ROWS_PER_TILE, ROWS_PER_TILE)],
                        deg1_hbm.at[pl.ds(s * ROWS_PER_TILE, ROWS_PER_TILE)])


NBUF = 2
PKW = 16
IDX_MASK = 16383
IDX_SHIFT = 14


@functools.partial(
    pl.kernel,
    out_type=(
        jax.ShapeDtypeStruct((NPAD, DH), jnp.float32),
        jax.ShapeDtypeStruct((NPAD, DH), jnp.float32),
    ),
    mesh=_mesh,
    scratch_types=[
        pltpu.VMEM((PKW, CHUNK), jnp.int32),
        pltpu.VMEM((2 * NBUF, CHUNK), jnp.int32),
        pltpu.VMEM((NBUF * CHUNK, DH), jnp.float32),
        [pltpu.SemaphoreType.DMA] * NBUF,
        [pltpu.SemaphoreType.DMA] * NBUF,
        pltpu.VMEM_SHARED((NPAD, DH), jnp.float32),
    ],
)
def _agg_call(xw0_hbm, xw1_hbm, pk_hbm, out0_hbm, out1_hbm,
              pk_v, uidx, bufs, gsems, ssems, acc):
    c = lax.axis_index("c")
    s = lax.axis_index("s")
    rows = pl.ds(s * ROWS_PER_TILE, ROWS_PER_TILE)

    @pl.when(c == 0)
    def _():
        pltpu.sync_copy(xw0_hbm.at[rows], acc.at[rows])

    @pl.when(c == 1)
    def _():
        pltpu.sync_copy(xw1_hbm.at[rows], acc.at[rows])

    pltpu.sync_copy(pk_hbm.at[pl.ds(s * AGG_CHUNKS, PKW)], pk_v)
    plsc.subcore_barrier()

    def buf(b):
        return bufs.at[pl.ds(b * CHUNK, CHUNK)]

    def unpack(j, b):
        row = pk_v.at[jnp.bitwise_and(j, PKW - 1)]

        def u(i, _):
            sl = pl.ds(i * 16, 16)
            v = row[sl]
            uidx[2 * b, sl] = v & IDX_MASK
            uidx[2 * b + 1, sl] = lax.shift_right_logical(v, IDX_SHIFT)
            return 0

        lax.fori_loop(0, CHUNK // 16, u, 0)

    def gather_start(b):
        @pl.when(c == 0)
        def _():
            pltpu.make_async_copy(
                xw0_hbm.at[uidx.at[2 * b]], buf(b), gsems[b]).start()

        @pl.when(c == 1)
        def _():
            pltpu.make_async_copy(
                xw1_hbm.at[uidx.at[2 * b]], buf(b), gsems[b]).start()

    def gather_wait(b):
        @pl.when(c == 0)
        def _():
            pltpu.make_async_copy(
                xw0_hbm.at[uidx.at[2 * b]], buf(b), gsems[b]).wait()

        @pl.when(c == 1)
        def _():
            pltpu.make_async_copy(
                xw1_hbm.at[uidx.at[2 * b]], buf(b), gsems[b]).wait()

    def scatter_start(b):
        pltpu.async_copy(buf(b), acc.at[uidx.at[2 * b + 1]], ssems[b],
                         add=True)

    def scatter_wait(b):
        pltpu.make_async_copy(buf(b), acc.at[uidx.at[2 * b + 1]],
                              ssems[b]).wait()

    def body(kk, _):
        for b in range(NBUF):
            k = kk * NBUF + b

            if b == 0:
                @pl.when((kk == 8) | (kk == 16) | (kk == 24) | (kk == 32))
                def _():
                    off = pl.multiple_of(s * AGG_CHUNKS + k, PKW)
                    pltpu.sync_copy(pk_hbm.at[pl.ds(off, PKW)], pk_v)

            @pl.when(k >= NBUF)
            def _():
                scatter_wait(b)

            unpack(k, b)
            gather_start(b)

            @pl.when(k >= 1)
            def _():
                b2 = 1 - b
                gather_wait(b2)
                scatter_start(b2)

        return 0

    lax.fori_loop(0, AGG_CHUNKS // NBUF, body, 0)
    gather_wait((AGG_CHUNKS - 1) % NBUF)
    scatter_start((AGG_CHUNKS - 1) % NBUF)
    for b in range(NBUF):
        scatter_wait(b)
    plsc.subcore_barrier()

    @pl.when(c == 0)
    def _():
        pltpu.sync_copy(acc.at[rows], out0_hbm.at[rows])

    @pl.when(c == 1)
    def _():
        pltpu.sync_copy(acc.at[rows], out1_hbm.at[rows])


_RB = 1024
_GRID = (NPAD // _RB,)


def _dinv(d0, d1):
    return lax.rsqrt(d0 + d1 + 1.0)


def _mm1_body(x_ref, w_ref, d0_ref, d1_ref, o0_ref, o1_ref):
    dinv = _dinv(d0_ref[...], d1_ref[...])
    xw = jnp.dot(x_ref[...], w_ref[...], preferred_element_type=jnp.float32)
    xw = xw * dinv[:, None]
    o0_ref[...] = xw[:, :DH]
    o1_ref[...] = xw[:, DH:]


def _mm2_body(a0_ref, a1_ref, d0_ref, d1_ref, b_ref, w_ref, o0_ref, o1_ref):
    dinv = _dinv(d0_ref[...], d1_ref[...])
    h = jnp.concatenate([a0_ref[...], a1_ref[...]], axis=1)
    h = jnp.maximum(h * dinv[:, None] + b_ref[...][None, :], 0.0)
    xw = jnp.dot(h, w_ref[...], preferred_element_type=jnp.float32)
    xw = xw * dinv[:, None]
    o0_ref[...] = xw[:, :DH]
    o1_ref[...] = xw[:, DH:]


def _final_body(a0_ref, a1_ref, d0_ref, d1_ref, b_ref, o_ref):
    dinv = _dinv(d0_ref[...], d1_ref[...])
    z = jnp.concatenate([a0_ref[...], a1_ref[...]], axis=1)
    z = z * dinv[:, None] + b_ref[...][None, :]
    m = jnp.max(z, axis=1, keepdims=True)
    lse = jnp.log(jnp.sum(jnp.exp(z - m), axis=1, keepdims=True)) + m
    o_ref[...] = z - lse


_row = pl.BlockSpec((_RB,), lambda r: (r,))
_rowh = pl.BlockSpec((_RB, DH), lambda r: (r, 0))
_rowf = pl.BlockSpec((_RB, D), lambda r: (r, 0))
_wsp = pl.BlockSpec((D, D), lambda r: (0, 0))
_bsp = pl.BlockSpec((D,), lambda r: (0,))

_mm1 = pl.pallas_call(
    _mm1_body,
    grid=_GRID,
    in_specs=[_rowf, _wsp, _row, _row],
    out_specs=[_rowh, _rowh],
    out_shape=(
        jax.ShapeDtypeStruct((NPAD, DH), jnp.float32),
        jax.ShapeDtypeStruct((NPAD, DH), jnp.float32),
    ),
)

_mm2 = pl.pallas_call(
    _mm2_body,
    grid=_GRID,
    in_specs=[_rowh, _rowh, _row, _row, _bsp, _wsp],
    out_specs=[_rowh, _rowh],
    out_shape=(
        jax.ShapeDtypeStruct((NPAD, DH), jnp.float32),
        jax.ShapeDtypeStruct((NPAD, DH), jnp.float32),
    ),
)

_final = pl.pallas_call(
    _final_body,
    grid=_GRID,
    in_specs=[_rowh, _rowh, _row, _row, _bsp],
    out_specs=_rowf,
    out_shape=jax.ShapeDtypeStruct((NPAD, D), jnp.float32),
)


def kernel(graph, nfeat, W1, b1, W2, b2, W3, b3):
    src = graph[0].astype(jnp.int32)
    dst = graph[1].astype(jnp.int32)
    srcp = jnp.concatenate([src, jnp.zeros((EPAD - E,), jnp.int32)])
    dstp = jnp.concatenate([dst, jnp.full((EPAD - E,), N_NODES, jnp.int32)])
    packed = (dstp * (IDX_MASK + 1) + srcp).reshape(EPAD // CHUNK, CHUNK)
    x = jnp.concatenate(
        [nfeat, jnp.zeros((NPAD - N_NODES, D), jnp.float32)], axis=0)

    deg0, deg1 = _deg_call(dstp.reshape(EPAD // DCHUNK, DCHUNK))
    xw0, xw1 = _mm1(x, W1, deg0, deg1)
    a0, a1 = _agg_call(xw0, xw1, packed)
    xw0, xw1 = _mm2(a0, a1, deg0, deg1, b1, W2)
    a0, a1 = _agg_call(xw0, xw1, packed)
    xw0, xw1 = _mm2(a0, a1, deg0, deg1, b2, W3)
    a0, a1 = _agg_call(xw0, xw1, packed)
    out = _final(a0, a1, deg0, deg1, b3)
    return out[:N_NODES]

# --- scband reference (transcript-rebuilt; emitter-appended) ---
"""Pipeline reference for scband-gcn-32160715112813 (READ-ONLY COPY).

The authoritative reference and input builder live on the scoring server;
editing this copy changes nothing except your own understanding.
"""

import jax, jax.numpy as jnp
import numpy as np

N_NODES = 10000
N_EDGES = 160000
D_IN = 256
D_HID = 256
D_OUT = 256


def glorot(key, shape):
    lim = jnp.sqrt(6.0 / (shape[0] + shape[1]))
    return jax.random.uniform(key, shape, jnp.float32, -lim, lim)


def setup_inputs(seed: int = 0) -> dict:
    key = jax.random.key(seed)
    k1, k2, k3, k4, k5 = jax.random.split(key, 5)
    edge_index = jax.random.randint(k1, (2, N_EDGES), 0, N_NODES, dtype=jnp.int64) if jax.config.jax_enable_x64 else jax.random.randint(k1, (2, N_EDGES), 0, N_NODES, dtype=jnp.int32)
    nfeat = jax.random.normal(k2, (N_NODES, D_IN), dtype=jnp.float32)
    W1 = glorot(k3, (D_IN, D_HID))
    W2 = glorot(k4, (D_HID, D_HID))
    W3 = glorot(k5, (D_HID, D_OUT))
    b1 = jnp.zeros((D_HID,), jnp.float32)
    b2 = jnp.zeros((D_HID,), jnp.float32)
    b3 = jnp.zeros((D_OUT,), jnp.float32)
    return {"graph": edge_index, "nfeat": nfeat, "W1": W1, "b1": b1, "W2": W2, "b2": b2, "W3": W3, "b3": b3}


def gcn_conv(x, src, dst, norm, W, b, n):
    xw = x @ W
    msg = xw[src] * norm[:, None]
    out = jnp.zeros((n, W.shape[1]), xw.dtype).at[dst].add(msg)
    return out + b


def reference(graph, nfeat, W1, b1, W2, b2, W3, b3):
    n = nfeat.shape[0]
    loop = jnp.arange(n, dtype=graph.dtype)
    src = jnp.concatenate([graph[0], loop])
    dst = jnp.concatenate([graph[1], loop])
    deg = jnp.zeros((n,), jnp.float32).at[dst].add(1.0)
    dinv = 1.0 / jnp.sqrt(jnp.clip(deg, 1.0))
    norm = dinv[src] * dinv[dst]
    # layer 1 (dropout is identity in eval mode)
    h = gcn_conv(nfeat, src, dst, norm, W1, b1, n)
    h = jax.nn.relu(h)
    # layer 2
    h = gcn_conv(h, src, dst, norm, W2, b2, n)
    h = jax.nn.relu(h)
    # layer 3
    h = gcn_conv(h, src, dst, norm, W3, b3, n)
    return jax.nn.log_softmax(h, axis=-1)

if __name__ == "__main__":
    import jax
    _d = setup_inputs()
    print(jax.jit(kernel)(*tuple(_d.values())))

</pallas_src>

<mosaic_0001>
#map = affine_map<(d0, d1) -> (0, 0)>
#map1 = affine_map<(d0, d1) -> (0)>
module attributes {stable_mosaic.version = 14 : i64} {
  func.func @_deg_call(%arg0: i32, %arg1: i32, %arg2: memref<1280x128xi32, #tpu.memory_space<hbm>>, %arg3: memref<10240xf32, #tpu.memory_space<hbm>>, %arg4: memref<10240xf32, #tpu.memory_space<hbm>>, %arg5: memref<40x128xi32, #tpu.memory_space<vmem>>, %arg6: memref<128xf32, #tpu.memory_space<vmem>>, %arg7: memref<640xf32, #tpu.memory_space<vmem>>, %arg8: memref<10240xf32, #tpu.memory_space<vmem_shared>>) attributes {dimension_semantics = [#tpu.dimension_semantics<core_parallel>, #tpu.dimension_semantics<subcore_parallel>], iteration_bounds = array<i64: 2, 16>, scalar_prefetch = 0 : i64, scratch_operands = 4 : i64, tpu.core_type = #tpu.core_type<sc_vector_subcore>, window_params = [{transform_indices = #map}, {transform_indices = #map1}, {transform_indices = #map1}]} {
    %mul3A = arith.constant 16 : i32
    %mul3A_0 = arith.muli %arg0, %mul3A : i32
    %add3A = arith.addi %mul3A_0, %arg1 : i32
    %scan3A = arith.constant 0 : i32
    %scan3A_1 = arith.constant 0 : i32
    %scan3A_2 = arith.constant 8 : i32
    %scan3A_3 = arith.addi %scan3A_1, %scan3A_2 : i32
    %scan3A_4 = arith.constant 1 : i32
    %scan3A_5 = scf.for %scan3A_33 = %scan3A_1 to %scan3A_3 step %scan3A_4 iter_args(%scan3A_34 = %scan3A) -> (i32)  : i32 {
      %broadcast_in_dim3A = arith.constant 1.000000e+00 : f32
      %broadcast_in_dim3A_35 = vector.broadcast %broadcast_in_dim3A : f32 to vector<16xf32>
      %mul3A_36 = arith.constant 16 : i32
      %mul3A_37 = arith.muli %scan3A_33, %mul3A_36 : i32
      %swap3A = arith.index_cast %mul3A_37 : i32 to index
      %swap3A_38 = tpu.vector_load %arg6[%swap3A] {strides = array<i32>} : memref<128xf32, #tpu.memory_space<vmem>>, vector<16xf32>,
      %swap3A_39 = vector.shape_cast %swap3A_38 : vector<16xf32> to vector<16xf32>
      %swap3A_40 = vector.shape_cast %broadcast_in_dim3A_35 : vector<16xf32> to vector<16xf32>
      tpu.vector_store %arg6[%swap3A], %swap3A_40 {strides = array<i32>} : memref<128xf32, #tpu.memory_space<vmem>>, vector<16xf32>,
      %scan3A_41 = arith.constant 0 : i32
      scf.yield %scan3A_41 : i32
    }
    %scan3A_6 = arith.constant 8 : i32
    %scan3A_7 = arith.constant 0 : i32
    %scan3A_8 = arith.constant 0 : i32
    %scan3A_9 = arith.constant 40 : i32
    %scan3A_10 = arith.addi %scan3A_8, %scan3A_9 : i32
    %scan3A_11 = arith.constant 1 : i32
    %scan3A_12 = scf.for %scan3A_33 = %scan3A_8 to %scan3A_10 step %scan3A_11 iter_args(%scan3A_34 = %scan3A_7) -> (i32)  : i32 {
      %broadcast_in_dim3A = arith.constant 0.000000e+00 : f32
      %broadcast_in_dim3A_35 = vector.broadcast %broadcast_in_dim3A : f32 to vector<16xf32>
      %mul3A_36 = arith.constant 16 : i32
      %mul3A_37 = arith.muli %scan3A_33, %mul3A_36 : i32
      %swap3A = arith.index_cast %mul3A_37 : i32 to index
      %swap3A_38 = tpu.vector_load %arg7[%swap3A] {strides = array<i32>} : memref<640xf32, #tpu.memory_space<vmem>>, vector<16xf32>,
      %swap3A_39 = vector.shape_cast %swap3A_38 : vector<16xf32> to vector<16xf32>
      %swap3A_40 = vector.shape_cast %broadcast_in_dim3A_35 : vector<16xf32> to vector<16xf32>
      tpu.vector_store %arg7[%swap3A], %swap3A_40 {strides = array<i32>} : memref<640xf32, #tpu.memory_space<vmem>>, vector<16xf32>,
      %scan3A_41 = arith.constant 0 : i32
      scf.yield %scan3A_41 : i32
    }
    %scan3A_13 = arith.constant 40 : i32
    %mul3A_14 = arith.constant 640 : i32
    %mul3A_15 = arith.muli %arg1, %mul3A_14 : i32
    "tpu.region"() ({
      %run_scoped3A = tpu.sem_alloc : memref<!tpu.dma_semaphore, #tpu.memory_space<semaphore_mem>>
      %dma_start3A = tpu.memref_slice %arg8[%mul3A_15] : memref<10240xf32, #tpu.memory_space<vmem_shared>> -> memref<640xf32, #tpu.memory_space<vmem_shared>>
      %dma_start3A_33 = tpu.memref_slice %arg8[%mul3A_15] : memref<10240xf32, #tpu.memory_space<vmem_shared>> -> memref<640xf32, #tpu.memory_space<vmem_shared>>
      tpu.enqueue_dma source(%arg7 : memref<640xf32, #tpu.memory_space<vmem>>) target(%dma_start3A_33 : memref<640xf32, #tpu.memory_space<vmem_shared>>) target_semaphore(%run_scoped3A : memref<!tpu.dma_semaphore, #tpu.memory_space<semaphore_mem>>)
      %dma_wait3A = tpu.memref_slice %arg8[%mul3A_15] : memref<10240xf32, #tpu.memory_space<vmem_shared>> -> memref<640xf32, #tpu.memory_space<vmem_shared>>
      %dma_wait3A_34 = tpu.memref_slice %arg8[%mul3A_15] : memref<10240xf32, #tpu.memory_space<vmem_shared>> -> memref<640xf32, #tpu.memory_space<vmem_shared>>
      tpu.wait_dma2 semaphore(%run_scoped3A : memref<!tpu.dma_semaphore, #tpu.memory_space<semaphore_mem>>) src(%arg7 : memref<640xf32, #tpu.memory_space<vmem>>) dst(%dma_wait3A_34 : memref<640xf32, #tpu.memory_space<vmem_shared>>)
      tpu.yield
    }) : () -> ()
    %mul3A_16 = arith.constant 40 : i32
    %mul3A_17 = arith.muli %add3A, %mul3A_16 : i32
    "tpu.region"() ({
      %run_scoped3A = tpu.sem_alloc : memref<!tpu.dma_semaphore, #tpu.memory_space<semaphore_mem>>
      %dma_start3A = arith.constant 0 : i32
      %dma_start3A_33 = tpu.memref_slice %arg2[%mul3A_17, %dma_start3A] : memref<1280x128xi32, #tpu.memory_space<hbm>> -> memref<40x128xi32, #tpu.memory_space<hbm>>
      %dma_start3A_34 = arith.constant 0 : i32
      %dma_start3A_35 = tpu.memref_slice %arg2[%mul3A_17, %dma_start3A_34] : memref<1280x128xi32, #tpu.memory_space<hbm>> -> memref<40x128xi32, #tpu.memory_space<hbm>>
      tpu.enqueue_dma source(%dma_start3A_35 : memref<40x128xi32, #tpu.memory_space<hbm>>) target(%arg5 : memref<40x128xi32, #tpu.memory_space<vmem>>) target_semaphore(%run_scoped3A : memref<!tpu.dma_semaphore, #tpu.memory_space<semaphore_mem>>)
      %dma_wait3A = arith.constant 0 : i32
      %dma_wait3A_36 = tpu.memref_slice %arg2[%mul3A_17, %dma_wait3A] : memref<1280x128xi32, #tpu.memory_space<hbm>> -> memref<40x128xi32, #tpu.memory_space<hbm>>
      %dma_wait3A_37 = arith.constant 0 : i32
      %dma_wait3A_38 = tpu.memref_slice %arg2[%mul3A_17, %dma_wait3A_37] : memref<1280x128xi32, #tpu.memory_space<hbm>> -> memref<40x128xi32, #tpu.memory_space<hbm>>
      tpu.wait_dma2 semaphore(%run_scoped3A : memref<!tpu.dma_semaphore, #tpu.memory_space<semaphore_mem>>) src(%dma_wait3A_38 : memref<40x128xi32, #tpu.memory_space<hbm>>) dst(%arg5 : memref<40x128xi32, #tpu.memory_space<vmem>>)
      tpu.yield
    }) : () -> ()
    %barrier3A = arith.constant 0 : index
    tpu.barrier barrier_id(%barrier3A)
    %scan3A_18 = arith.constant 0 : i32
    %scan3A_19 = arith.constant 0 : i32
    %scan3A_20 = arith.constant 40 : i32
    %scan3A_21 = arith.addi %scan3A_19, %scan3A_20 : i32
    %scan3A_22 = arith.constant 1 : i32
    %scan3A_23 = scf.for %scan3A_33 = %scan3A_19 to %scan3A_21 step %scan3A_22 iter_args(%scan3A_34 = %scan3A_18) -> (i32)  : i32 {
      "tpu.region"() ({
        %run_scoped3A = tpu.sem_alloc : memref<!tpu.dma_semaphore, #tpu.memory_space<semaphore_mem>>
        %dma_start3A = arith.constant 0 : i32
        %dma_start3A_36 = tpu.memref_slice %arg5[%scan3A_33, %dma_start3A] : memref<40x128xi32, #tpu.memory_space<vmem>> -> memref<1x128xi32, #tpu.memory_space<vmem>>
        %dma_start3A_37 = tpu.memref_squeeze %dma_start3A_36 : memref<1x128xi32, #tpu.memory_space<vmem>> -> memref<128xi32, #tpu.memory_space<vmem>>
        %dma_start3A_38 = arith.constant 0 : i32
        %dma_start3A_39 = tpu.memref_slice %arg8[%dma_start3A_38] : memref<10240xf32, #tpu.memory_space<vmem_shared>> -> memref<10240xf32, #tpu.memory_space<vmem_shared>>
        tpu.enqueue_indirect_dma source(%arg6 : memref<128xf32, #tpu.memory_space<vmem>>) target(%dma_start3A_39 : memref<10240xf32, #tpu.memory_space<vmem_shared>>) offsets(%dma_start3A_37 : memref<128xi32, #tpu.memory_space<vmem>>) semaphore(%run_scoped3A : memref<!tpu.dma_semaphore, #tpu.memory_space<semaphore_mem>>) {add = true}
        %dma_wait3A = arith.constant 0 : i32
        %dma_wait3A_40 = tpu.memref_slice %arg5[%scan3A_33, %dma_wait3A] : memref<40x128xi32, #tpu.memory_space<vmem>> -> memref<1x128xi32, #tpu.memory_space<vmem>>
        %dma_wait3A_41 = tpu.memref_squeeze %dma_wait3A_40 : memref<1x128xi32, #tpu.memory_space<vmem>> -> memref<128xi32, #tpu.memory_space<vmem>>
        %dma_wait3A_42 = arith.constant 0 : i32
        %dma_wait3A_43 = tpu.memref_slice %arg8[%dma_wait3A_42] : memref<10240xf32, #tpu.memory_space<vmem_shared>> -> memref<10240xf32, #tpu.memory_space<vmem_shared>>
        tpu.wait_indirect_dma semaphore(%run_scoped3A : memref<!tpu.dma_semaphore, #tpu.memory_space<semaphore_mem>>) src(%arg6 : memref<128xf32, #tpu.memory_space<vmem>>) dst(%dma_wait3A_43 : memref<10240xf32, #tpu.memory_space<vmem_shared>>)
        tpu.yield
      }) : () -> ()
      %scan3A_35 = arith.constant 0 : i32
      scf.yield %scan3A_35 : i32
    }
    %scan3A_24 = arith.constant 40 : i32
    %barrier3A_25 = arith.constant 0 : index
    tpu.barrier barrier_id(%barrier3A_25)
    %eq3A = arith.constant 0 : i32
    %eq3A_26 = arith.cmpi eq, %arg0, %eq3A : i32
    %convert_element_type3A = arith.extui %eq3A_26 : i1 to i32
    %cond3A = arith.constant 0 : i32
    %cond3A_27 = arith.cmpi ne, %convert_element_type3A, %cond3A : i32
    scf.if %cond3A_27 {
      %mul3A_33 = arith.constant 640 : i32
      %mul3A_34 = arith.muli %arg1, %mul3A_33 : i32
      %mul3A_35 = arith.constant 640 : i32
      %mul3A_36 = arith.muli %arg1, %mul3A_35 : i32
      "tpu.region"() ({
        %run_scoped3A = tpu.sem_alloc : memref<!tpu.dma_semaphore, #tpu.memory_space<semaphore_mem>>
        %dma_start3A = tpu.memref_slice %arg3[%mul3A_36] : memref<10240xf32, #tpu.memory_space<hbm>> -> memref<640xf32, #tpu.memory_space<hbm>>
        %dma_start3A_37 = tpu.memref_slice %arg8[%mul3A_34] : memref<10240xf32, #tpu.memory_space<vmem_shared>> -> memref<640xf32, #tpu.memory_space<vmem_shared>>
        tpu.enqueue_dma source(%dma_start3A_37 : memref<640xf32, #tpu.memory_space<vmem_shared>>) target(%dma_start3A : memref<640xf32, #tpu.memory_space<hbm>>) target_semaphore(%run_scoped3A : memref<!tpu.dma_semaphore, #tpu.memory_space<semaphore_mem>>)
        %dma_wait3A = tpu.memref_slice %arg3[%mul3A_36] : memref<10240xf32, #tpu.memory_space<hbm>> -> memref<640xf32, #tpu.memory_space<hbm>>
        %dma_wait3A_38 = tpu.memref_slice %arg8[%mul3A_34] : memref<10240xf32, #tpu.memory_space<vmem_shared>> -> memref<640xf32, #tpu.memory_space<vmem_shared>>
        tpu.wait_dma2 semaphore(%run_scoped3A : memref<!tpu.dma_semaphore, #tpu.memory_space<semaphore_mem>>) src(%dma_wait3A_38 : memref<640xf32, #tpu.memory_space<vmem_shared>>) dst(%dma_wait3A : memref<640xf32, #tpu.memory_space<hbm>>)
        tpu.yield
      }) : () -> ()
    } else {
    }
    %eq3A_28 = arith.constant 1 : i32
    %eq3A_29 = arith.cmpi eq, %arg0, %eq3A_28 : i32
    %convert_element_type3A_30 = arith.extui %eq3A_29 : i1 to i32
    %cond3A_31 = arith.constant 0 : i32
    %cond3A_32 = arith.cmpi ne, %convert_element_type3A_30, %cond3A_31 : i32
    scf.if %cond3A_32 {
      %mul3A_33 = arith.constant 640 : i32
      %mul3A_34 = arith.muli %arg1, %mul3A_33 : i32
      %mul3A_35 = arith.constant 640 : i32
      %mul3A_36 = arith.muli %arg1, %mul3A_35 : i32
      "tpu.region"() ({
        %run_scoped3A = tpu.sem_alloc : memref<!tpu.dma_semaphore, #tpu.memory_space<semaphore_mem>>
        %dma_start3A = tpu.memref_slice %arg4[%mul3A_36] : memref<10240xf32, #tpu.memory_space<hbm>> -> memref<640xf32, #tpu.memory_space<hbm>>
        %dma_start3A_37 = tpu.memref_slice %arg8[%mul3A_34] : memref<10240xf32, #tpu.memory_space<vmem_shared>> -> memref<640xf32, #tpu.memory_space<vmem_shared>>
        tpu.enqueue_dma source(%dma_start3A_37 : memref<640xf32, #tpu.memory_space<vmem_shared>>) target(%dma_start3A : memref<640xf32, #tpu.memory_space<hbm>>) target_semaphore(%run_scoped3A : memref<!tpu.dma_semaphore, #tpu.memory_space<semaphore_mem>>)
        %dma_wait3A = tpu.memref_slice %arg4[%mul3A_36] : memref<10240xf32, #tpu.memory_space<hbm>> -> memref<640xf32, #tpu.memory_space<hbm>>
        %dma_wait3A_38 = tpu.memref_slice %arg8[%mul3A_34] : memref<10240xf32, #tpu.memory_space<vmem_shared>> -> memref<640xf32, #tpu.memory_space<vmem_shared>>
        tpu.wait_dma2 semaphore(%run_scoped3A : memref<!tpu.dma_semaphore, #tpu.memory_space<semaphore_mem>>) src(%dma_wait3A_38 : memref<640xf32, #tpu.memory_space<vmem_shared>>) dst(%dma_wait3A : memref<640xf32, #tpu.memory_space<hbm>>)
        tpu.yield
      }) : () -> ()
    } else {
    }
    return
  }
}

#map = affine_map<(d0, d1) -> (0, 0)>
module attributes {stable_mosaic.version = 14 : i64} {
  func.func @_agg_call(%arg0: i32, %arg1: i32, %arg2: memref<10240x128xf32, #tpu.memory_space<hbm>>, %arg3: memref<10240x128xf32, #tpu.memory_space<hbm>>, %arg4: memref<1280x128xi32, #tpu.memory_space<hbm>>, %arg5: memref<10240x128xf32, #tpu.memory_space<hbm>>, %arg6: memref<10240x128xf32, #tpu.memory_space<hbm>>, %arg7: memref<16x128xi32, #tpu.memory_space<vmem>>, %arg8: memref<4x128xi32, #tpu.memory_space<vmem>>, %arg9: memref<256x128xf32, #tpu.memory_space<vmem>>, %arg10: memref<!tpu.dma_semaphore, #tpu.memory_space<semaphore_mem>>, %arg11: memref<!tpu.dma_semaphore, #tpu.memory_space<semaphore_mem>>, %arg12: memref<!tpu.dma_semaphore, #tpu.memory_space<semaphore_mem>>, %arg13: memref<!tpu.dma_semaphore, #tpu.memory_space<semaphore_mem>>, %arg14: memref<10240x128xf32, #tpu.memory_space<vmem_shared>>) attributes {dimension_semantics = [#tpu.dimension_semantics<core_parallel>, #tpu.dimension_semantics<subcore_parallel>], iteration_bounds = array<i64: 2, 16>, scalar_prefetch = 0 : i64, scratch_operands = 8 : i64, tpu.core_type = #tpu.core_type<sc_vector_subcore>, window_params = [{transform_indices = #map}, {transform_indices = #map}, {transform_indices = #map}, {transform_indices = #map}, {transform_indices = #map}]} {
    %mul3A = arith.constant 640 : i32
    %mul3A_0 = arith.muli %arg1, %mul3A : i32
    %eq3A = arith.constant 0 : i32
    %eq3A_1 = arith.cmpi eq, %arg0, %eq3A : i32
    %convert_element_type3A = arith.extui %eq3A_1 : i1 to i32
    %cond3A = arith.constant 0 : i32
    %cond3A_2 = arith.cmpi ne, %convert_element_type3A, %cond3A : i32
    scf.if %cond3A_2 {
      "tpu.region"() ({
        %run_scoped3A = tpu.sem_alloc : memref<!tpu.dma_semaphore, #tpu.memory_space<semaphore_mem>>
        %dma_start3A_65 = arith.constant 0 : i32
        %dma_start3A_66 = tpu.memref_slice %arg14[%mul3A_0, %dma_start3A_65] : memref<10240x128xf32, #tpu.memory_space<vmem_shared>> -> memref<640x128xf32, #tpu.memory_space<vmem_shared>>
        %dma_start3A_67 = arith.constant 0 : i32
        %dma_start3A_68 = tpu.memref_slice %arg2[%mul3A_0, %dma_start3A_67] : memref<10240x128xf32, #tpu.memory_space<hbm>> -> memref<640x128xf32, #tpu.memory_space<hbm>>
        tpu.enqueue_dma source(%dma_start3A_68 : memref<640x128xf32, #tpu.memory_space<hbm>>) target(%dma_start3A_66 : memref<640x128xf32, #tpu.memory_space<vmem_shared>>) target_semaphore(%run_scoped3A : memref<!tpu.dma_semaphore, #tpu.memory_space<semaphore_mem>>)
        %dma_wait3A_69 = arith.constant 0 : i32
        %dma_wait3A_70 = tpu.memref_slice %arg14[%mul3A_0, %dma_wait3A_69] : memref<10240x128xf32, #tpu.memory_space<vmem_shared>> -> memref<640x128xf32, #tpu.memory_space<vmem_shared>>
        %dma_wait3A_71 = arith.constant 0 : i32
        %dma_wait3A_72 = tpu.memref_slice %arg2[%mul3A_0, %dma_wait3A_71] : memref<10240x128xf32, #tpu.memory_space<hbm>> -> memref<640x128xf32, #tpu.memory_space<hbm>>
        tpu.wait_dma2 semaphore(%run_scoped3A : memref<!tpu.dma_semaphore, #tpu.memory_space<semaphore_mem>>) src(%dma_wait3A_72 : memref<640x128xf32, #tpu.memory_space<hbm>>) dst(%dma_wait3A_70 : memref<640x128xf32, #tpu.memory_space<vmem_shared>>)
        tpu.yield
      }) : () -> ()
    } else {
    }
    %eq3A_3 = arith.constant 1 : i32
    %eq3A_4 = arith.cmpi eq, %arg0, %eq3A_3 : i32
    %convert_element_type3A_5 = arith.extui %eq3A_4 : i1 to i32
    %cond3A_6 = arith.constant 0 : i32
    %cond3A_7 = arith.cmpi ne, %convert_element_type3A_5, %cond3A_6 : i32
    scf.if %cond3A_7 {
      "tpu.region"() ({
        %run_scoped3A = tpu.sem_alloc : memref<!tpu.dma_semaphore, #tpu.memory_space<semaphore_mem>>
        %dma_start3A_65 = arith.constant 0 : i32
        %dma_start3A_66 = tpu.memref_slice %arg14[%mul3A_0, %dma_start3A_65] : memref<10240x128xf32, #tpu.memory_space<vmem_shared>> -> memref<640x128xf32, #tpu.memory_space<vmem_shared>>
        %dma_start3A_67 = arith.constant 0 : i32
        %dma_start3A_68 = tpu.memref_slice %arg3[%mul3A_0, %dma_start3A_67] : memref<10240x128xf32, #tpu.memory_space<hbm>> -> memref<640x128xf32, #tpu.memory_space<hbm>>
        tpu.enqueue_dma source(%dma_start3A_68 : memref<640x128xf32, #tpu.memory_space<hbm>>) target(%dma_start3A_66 : memref<640x128xf32, #tpu.memory_space<vmem_shared>>) target_semaphore(%run_scoped3A : memref<!tpu.dma_semaphore, #tpu.memory_space<semaphore_mem>>)
        %dma_wait3A_69 = arith.constant 0 : i32
        %dma_wait3A_70 = tpu.memref_slice %arg14[%mul3A_0, %dma_wait3A_69] : memref<10240x128xf32, #tpu.memory_space<vmem_shared>> -> memref<640x128xf32, #tpu.memory_space<vmem_shared>>
        %dma_wait3A_71 = arith.constant 0 : i32
        %dma_wait3A_72 = tpu.memref_slice %arg3[%mul3A_0, %dma_wait3A_71] : memref<10240x128xf32, #tpu.memory_space<hbm>> -> memref<640x128xf32, #tpu.memory_space<hbm>>
        tpu.wait_dma2 semaphore(%run_scoped3A : memref<!tpu.dma_semaphore, #tpu.memory_space<semaphore_mem>>) src(%dma_wait3A_72 : memref<640x128xf32, #tpu.memory_space<hbm>>) dst(%dma_wait3A_70 : memref<640x128xf32, #tpu.memory_space<vmem_shared>>)
        tpu.yield
      }) : () -> ()
    } else {
    }
    %mul3A_8 = arith.constant 80 : i32
    %mul3A_9 = arith.muli %arg1, %mul3A_8 : i32
    "tpu.region"() ({
      %run_scoped3A = tpu.sem_alloc : memref<!tpu.dma_semaphore, #tpu.memory_space<semaphore_mem>>
      %dma_start3A_65 = arith.constant 0 : i32
      %dma_start3A_66 = tpu.memref_slice %arg4[%mul3A_9, %dma_start3A_65] : memref<1280x128xi32, #tpu.memory_space<hbm>> -> memref<16x128xi32, #tpu.memory_space<hbm>>
      %dma_start3A_67 = arith.constant 0 : i32
      %dma_start3A_68 = tpu.memref_slice %arg4[%mul3A_9, %dma_start3A_67] : memref<1280x128xi32, #tpu.memory_space<hbm>> -> memref<16x128xi32, #tpu.memory_space<hbm>>
      tpu.enqueue_dma source(%dma_start3A_68 : memref<16x128xi32, #tpu.memory_space<hbm>>) target(%arg7 : memref<16x128xi32, #tpu.memory_space<vmem>>) target_semaphore(%run_scoped3A : memref<!tpu.dma_semaphore, #tpu.memory_space<semaphore_mem>>)
      %dma_wait3A_69 = arith.constant 0 : i32
      %dma_wait3A_70 = tpu.memref_slice %arg4[%mul3A_9, %dma_wait3A_69] : memref<1280x128xi32, #tpu.memory_space<hbm>> -> memref<16x128xi32, #tpu.memory_space<hbm>>
      %dma_wait3A_71 = arith.constant 0 : i32
      %dma_wait3A_72 = tpu.memref_slice %arg4[%mul3A_9, %dma_wait3A_71] : memref<1280x128xi32, #tpu.memory_space<hbm>> -> memref<16x128xi32, #tpu.memory_space<hbm>>
      tpu.wait_dma2 semaphore(%run_scoped3A : memref<!tpu.dma_semaphore, #tpu.memory_space<semaphore_mem>>) src(%dma_wait3A_72 : memref<16x128xi32, #tpu.memory_space<hbm>>) dst(%arg7 : memref<16x128xi32, #tpu.memory_space<vmem>>)
      tpu.yield
    }) : () -> ()
    %barrier3A = arith.constant 0 : index
    tpu.barrier barrier_id(%barrier3A)
    %scan3A = arith.constant 0 : i32
    %scan3A_10 = arith.constant 0 : i32
    %scan3A_11 = arith.constant 40 : i32
    %scan3A_12 = arith.addi %scan3A_10, %scan3A_11 : i32
    %scan3A_13 = arith.constant 1 : i32
    %scan3A_14 = scf.for %scan3A_65 = %scan3A_10 to %scan3A_12 step %scan3A_13 iter_args(%scan3A_66 = %scan3A) -> (i32)  : i32 {
      %mul3A_67 = arith.constant 2 : i32
      %mul3A_68 = arith.muli %scan3A_65, %mul3A_67 : i32
      %add3A = arith.constant 0 : i32
      %add3A_69 = arith.addi %mul3A_68, %add3A : i32
      %eq3A_70 = arith.constant 8 : i32
      %eq3A_71 = arith.cmpi eq, %scan3A_65, %eq3A_70 : i32
      %eq3A_72 = arith.constant 16 : i32
      %eq3A_73 = arith.cmpi eq, %scan3A_65, %eq3A_72 : i32
      %or3A = arith.ori %eq3A_71, %eq3A_73 : i1
      %eq3A_74 = arith.constant 24 : i32
      %eq3A_75 = arith.cmpi eq, %scan3A_65, %eq3A_74 : i32
      %or3A_76 = arith.ori %or3A, %eq3A_75 : i1
      %eq3A_77 = arith.constant 32 : i32
      %eq3A_78 = arith.cmpi eq, %scan3A_65, %eq3A_77 : i32
      %or3A_79 = arith.ori %or3A_76, %eq3A_78 : i1
      %convert_element_type3A_80 = arith.extui %or3A_79 : i1 to i32
      %cond3A_81 = arith.constant 0 : i32
      %cond3A_82 = arith.cmpi ne, %convert_element_type3A_80, %cond3A_81 : i32
      scf.if %cond3A_82 {
        %mul3A_144 = arith.constant 80 : i32
        %mul3A_145 = arith.muli %arg1, %mul3A_144 : i32
        %add3A_146 = arith.addi %mul3A_145, %add3A_69 : i32
        %multiple_of3A = tpu.assume_multiple %add3A_146, 16 : i32
        "tpu.region"() ({
          %run_scoped3A = tpu.sem_alloc : memref<!tpu.dma_semaphore, #tpu.memory_space<semaphore_mem>>
          %dma_start3A_147 = arith.constant 0 : i32
          %dma_start3A_148 = tpu.memref_slice %arg4[%multiple_of3A, %dma_start3A_147] : memref<1280x128xi32, #tpu.memory_space<hbm>> -> memref<16x128xi32, #tpu.memory_space<hbm>>
          %dma_start3A_149 = arith.constant 0 : i32
          %dma_start3A_150 = tpu.memref_slice %arg4[%multiple_of3A, %dma_start3A_149] : memref<1280x128xi32, #tpu.memory_space<hbm>> -> memref<16x128xi32, #tpu.memory_space<hbm>>
          tpu.enqueue_dma source(%dma_start3A_150 : memref<16x128xi32, #tpu.memory_space<hbm>>) target(%arg7 : memref<16x128xi32, #tpu.memory_space<vmem>>) target_semaphore(%run_scoped3A : memref<!tpu.dma_semaphore, #tpu.memory_space<semaphore_mem>>)
          %dma_wait3A_151 = arith.constant 0 : i32
          %dma_wait3A_152 = tpu.memref_slice %arg4[%multiple_of3A, %dma_wait3A_151] : memref<1280x128xi32, #tpu.memory_space<hbm>> -> memref<16x128xi32, #tpu.memory_space<hbm>>
          %dma_wait3A_153 = arith.constant 0 : i32
          %dma_wait3A_154 = tpu.memref_slice %arg4[%multiple_of3A, %dma_wait3A_153] : memref<1280x128xi32, #tpu.memory_space<hbm>> -> memref<16x128xi32, #tpu.memory_space<hbm>>
          tpu.wait_dma2 semaphore(%run_scoped3A : memref<!tpu.dma_semaphore, #tpu.memory_space<semaphore_mem>>) src(%dma_wait3A_154 : memref<16x128xi32, #tpu.memory_space<hbm>>) dst(%arg7 : memref<16x128xi32, #tpu.memory_space<vmem>>)
          tpu.yield
        }) : () -> ()
      } else {
      }
      %ge3A = arith.constant 2 : i32
      %ge3A_83 = arith.cmpi sge, %add3A_69, %ge3A : i32
      %convert_element_type3A_84 = arith.extui %ge3A_83 : i1 to i32
      %cond3A_85 = arith.constant 0 : i32
      %cond3A_86 = arith.cmpi ne, %convert_element_type3A_84, %cond3A_85 : i32
      scf.if %cond3A_86 {
        %dma_wait3A_144 = arith.constant 1 : i32
        %dma_wait3A_145 = arith.constant 0 : i32
        %dma_wait3A_146 = arith.constant 0 : i32
        %dma_wait3A_147 = tpu.memref_slice %arg9[%dma_wait3A_145, %dma_wait3A_146] : memref<256x128xf32, #tpu.memory_space<vmem>> -> memref<128x128xf32, #tpu.memory_space<vmem>>
        %dma_wait3A_148 = arith.constant 0 : i32
        %dma_wait3A_149 = tpu.memref_slice %arg8[%dma_wait3A_144, %dma_wait3A_148] : memref<4x128xi32, #tpu.memory_space<vmem>> -> memref<1x128xi32, #tpu.memory_space<vmem>>
        %dma_wait3A_150 = tpu.memref_squeeze %dma_wait3A_149 : memref<1x128xi32, #tpu.memory_space<vmem>> -> memref<128xi32, #tpu.memory_space<vmem>>
        %dma_wait3A_151 = arith.constant 0 : i32
        %dma_wait3A_152 = arith.constant 0 : i32
        %dma_wait3A_153 = tpu.memref_slice %arg14[%dma_wait3A_151, %dma_wait3A_152] : memref<10240x128xf32, #tpu.memory_space<vmem_shared>> -> memref<10240x128xf32, #tpu.memory_space<vmem_shared>>
        tpu.wait_indirect_dma semaphore(%arg12 : memref<!tpu.dma_semaphore, #tpu.memory_space<semaphore_mem>>) src(%dma_wait3A_147 : memref<128x128xf32, #tpu.memory_space<vmem>>) dst(%dma_wait3A_153 : memref<10240x128xf32, #tpu.memory_space<vmem_shared>>)
      } else {
      }
      %and3A = arith.constant 15 : i32
      %and3A_87 = arith.andi %add3A_69, %and3A : i32
      %scan3A_88 = arith.constant 0 : i32
      %scan3A_89 = arith.constant 0 : i32
      %scan3A_90 = arith.constant 8 : i32
      %scan3A_91 = arith.addi %scan3A_89, %scan3A_90 : i32
      %scan3A_92 = arith.constant 1 : i32
      %scan3A_93 = scf.for %scan3A_144 = %scan3A_89 to %scan3A_91 step %scan3A_92 iter_args(%scan3A_145 = %scan3A_88) -> (i32)  : i32 {
        %mul3A_146 = arith.constant 16 : i32
        %mul3A_147 = arith.muli %scan3A_144, %mul3A_146 : i32
        %get3A = arith.constant 0 : i32
        %get3A_148 = tpu.memref_slice %arg7[%and3A_87, %get3A] : memref<16x128xi32, #tpu.memory_space<vmem>> -> memref<1x128xi32, #tpu.memory_space<vmem>>
        %get3A_149 = tpu.memref_squeeze %get3A_148 : memref<1x128xi32, #tpu.memory_space<vmem>> -> memref<128xi32, #tpu.memory_space<vmem>>
        %get3A_150 = arith.index_cast %mul3A_147 : i32 to index
        %get3A_151 = tpu.vector_load %get3A_149[%get3A_150] {strides = array<i32>} : memref<128xi32, #tpu.memory_space<vmem>>, vector<16xi32>,
        %get3A_152 = vector.shape_cast %get3A_151 : vector<16xi32> to vector<16xi32>
        %and3A_153 = arith.constant 16383 : i32
        %and3A_154 = vector.broadcast %and3A_153 : i32 to vector<16xi32>
        %and3A_155 = arith.andi %get3A_152, %and3A_154 : vector<16xi32>
        %swap3A = arith.constant 0 : i32
        %swap3A_156 = arith.index_cast %swap3A : i32 to index
        %swap3A_157 = arith.index_cast %mul3A_147 : i32 to index
        %swap3A_158 = tpu.vector_load %arg8[%swap3A_156, %swap3A_157] {strides = array<i32>} : memref<4x128xi32, #tpu.memory_space<vmem>>, vector<1x16xi32>,
        %swap3A_159 = vector.shape_cast %swap3A_158 : vector<1x16xi32> to vector<16xi32>
        %swap3A_160 = vector.shape_cast %and3A_155 : vector<16xi32> to vector<1x16xi32>
        tpu.vector_store %arg8[%swap3A_156, %swap3A_157], %swap3A_160 {strides = array<i32>} : memref<4x128xi32, #tpu.memory_space<vmem>>, vector<1x16xi32>,
        %shift_right_logical3A = arith.constant 14 : i32
        %shift_right_logical3A_161 = vector.broadcast %shift_right_logical3A : i32 to vector<16xi32>
        %shift_right_logical3A_162 = arith.shrui %get3A_152, %shift_right_logical3A_161 : vector<16xi32>
        %swap3A_163 = arith.constant 1 : i32
        %swap3A_164 = arith.index_cast %swap3A_163 : i32 to index
        %swap3A_165 = arith.index_cast %mul3A_147 : i32 to index
        %swap3A_166 = tpu.vector_load %arg8[%swap3A_164, %swap3A_165] {strides = array<i32>} : memref<4x128xi32, #tpu.memory_space<vmem>>, vector<1x16xi32>,
        %swap3A_167 = vector.shape_cast %swap3A_166 : vector<1x16xi32> to vector<16xi32>
        %swap3A_168 = vector.shape_cast %shift_right_logical3A_162 : vector<16xi32> to vector<1x16xi32>
        tpu.vector_store %arg8[%swap3A_164, %swap3A_165], %swap3A_168 {strides = array<i32>} : memref<4x128xi32, #tpu.memory_space<vmem>>, vector<1x16xi32>,
        %scan3A_169 = arith.constant 0 : i32
        scf.yield %scan3A_169 : i32
      }
      %scan3A_94 = arith.constant 8 : i32
      %eq3A_95 = arith.constant 0 : i32
      %eq3A_96 = arith.cmpi eq, %arg0, %eq3A_95 : i32
      %convert_element_type3A_97 = arith.extui %eq3A_96 : i1 to i32
      %cond3A_98 = arith.constant 0 : i32
      %cond3A_99 = arith.cmpi ne, %convert_element_type3A_97, %cond3A_98 : i32
      scf.if %cond3A_99 {
        %dma_start3A_144 = arith.constant 0 : i32
        %dma_start3A_145 = arith.constant 0 : i32
        %dma_start3A_146 = arith.constant 0 : i32
        %dma_start3A_147 = tpu.memref_slice %arg9[%dma_start3A_145, %dma_start3A_146] : memref<256x128xf32, #tpu.memory_space<vmem>> -> memref<128x128xf32, #tpu.memory_space<vmem>>
        %dma_start3A_148 = arith.constant 0 : i32
        %dma_start3A_149 = tpu.memref_slice %arg8[%dma_start3A_144, %dma_start3A_148] : memref<4x128xi32, #tpu.memory_space<vmem>> -> memref<1x128xi32, #tpu.memory_space<vmem>>
        %dma_start3A_150 = tpu.memref_squeeze %dma_start3A_149 : memref<1x128xi32, #tpu.memory_space<vmem>> -> memref<128xi32, #tpu.memory_space<vmem>>
        %dma_start3A_151 = arith.constant 0 : i32
        %dma_start3A_152 = arith.constant 0 : i32
        %dma_start3A_153 = tpu.memref_slice %arg2[%dma_start3A_151, %dma_start3A_152] : memref<10240x128xf32, #tpu.memory_space<hbm>> -> memref<10240x128xf32, #tpu.memory_space<hbm>>
        tpu.enqueue_indirect_dma source(%dma_start3A_153 : memref<10240x128xf32, #tpu.memory_space<hbm>>) target(%dma_start3A_147 : memref<128x128xf32, #tpu.memory_space<vmem>>) offsets(%dma_start3A_150 : memref<128xi32, #tpu.memory_space<vmem>>) semaphore(%arg10 : memref<!tpu.dma_semaphore, #tpu.memory_space<semaphore_mem>>)
      } else {
      }
      %eq3A_100 = arith.constant 1 : i32
      %eq3A_101 = arith.cmpi eq, %arg0, %eq3A_100 : i32
      %convert_element_type3A_102 = arith.extui %eq3A_101 : i1 to i32
      %cond3A_103 = arith.constant 0 : i32
      %cond3A_104 = arith.cmpi ne, %convert_element_type3A_102, %cond3A_103 : i32
      scf.if %cond3A_104 {
        %dma_start3A_144 = arith.constant 0 : i32
        %dma_start3A_145 = arith.constant 0 : i32
        %dma_start3A_146 = arith.constant 0 : i32
        %dma_start3A_147 = tpu.memref_slice %arg9[%dma_start3A_145, %dma_start3A_146] : memref<256x128xf32, #tpu.memory_space<vmem>> -> memref<128x128xf32, #tpu.memory_space<vmem>>
        %dma_start3A_148 = arith.constant 0 : i32
        %dma_start3A_149 = tpu.memref_slice %arg8[%dma_start3A_144, %dma_start3A_148] : memref<4x128xi32, #tpu.memory_space<vmem>> -> memref<1x128xi32, #tpu.memory_space<vmem>>
        %dma_start3A_150 = tpu.memref_squeeze %dma_start3A_149 : memref<1x128xi32, #tpu.memory_space<vmem>> -> memref<128xi32, #tpu.memory_space<vmem>>
        %dma_start3A_151 = arith.constant 0 : i32
        %dma_start3A_152 = arith.constant 0 : i32
        %dma_start3A_153 = tpu.memref_slice %arg3[%dma_start3A_151, %dma_start3A_152] : memref<10240x128xf32, #tpu.memory_space<hbm>> -> memref<10240x128xf32, #tpu.memory_space<hbm>>
        tpu.enqueue_indirect_dma source(%dma_start3A_153 : memref<10240x128xf32, #tpu.memory_space<hbm>>) target(%dma_start3A_147 : memref<128x128xf32, #tpu.memory_space<vmem>>) offsets(%dma_start3A_150 : memref<128xi32, #tpu.memory_space<vmem>>) semaphore(%arg10 : memref<!tpu.dma_semaphore, #tpu.memory_space<semaphore_mem>>)
      } else {
      }
      %ge3A_105 = arith.constant 1 : i32
      %ge3A_106 = arith.cmpi sge, %add3A_69, %ge3A_105 : i32
      %convert_element_type3A_107 = arith.extui %ge3A_106 : i1 to i32
      %cond3A_108 = arith.constant 0 : i32
      %cond3A_109 = arith.cmpi ne, %convert_element_type3A_107, %cond3A_108 : i32
      scf.if %cond3A_109 {
        %eq3A_144 = arith.constant 0 : i32
        %eq3A_145 = arith.cmpi eq, %arg0, %eq3A_144 : i32
        %convert_element_type3A_146 = arith.extui %eq3A_145 : i1 to i32
        %cond3A_147 = arith.constant 0 : i32
        %cond3A_148 = arith.cmpi ne, %convert_element_type3A_146, %cond3A_147 : i32
        scf.if %cond3A_148 {
          %dma_wait3A_164 = arith.constant 2 : i32
          %dma_wait3A_165 = arith.constant 128 : i32
          %dma_wait3A_166 = arith.constant 0 : i32
          %dma_wait3A_167 = tpu.memref_slice %arg9[%dma_wait3A_165, %dma_wait3A_166] : memref<256x128xf32, #tpu.memory_space<vmem>> -> memref<128x128xf32, #tpu.memory_space<vmem>>
          %dma_wait3A_168 = arith.constant 0 : i32
          %dma_wait3A_169 = tpu.memref_slice %arg8[%dma_wait3A_164, %dma_wait3A_168] : memref<4x128xi32, #tpu.memory_space<vmem>> -> memref<1x128xi32, #tpu.memory_space<vmem>>
          %dma_wait3A_170 = tpu.memref_squeeze %dma_wait3A_169 : memref<1x128xi32, #tpu.memory_space<vmem>> -> memref<128xi32, #tpu.memory_space<vmem>>
          %dma_wait3A_171 = arith.constant 0 : i32
          %dma_wait3A_172 = arith.constant 0 : i32
          %dma_wait3A_173 = tpu.memref_slice %arg2[%dma_wait3A_171, %dma_wait3A_172] : memref<10240x128xf32, #tpu.memory_space<hbm>> -> memref<10240x128xf32, #tpu.memory_space<hbm>>
          tpu.wait_indirect_dma semaphore(%arg11 : memref<!tpu.dma_semaphore, #tpu.memory_space<semaphore_mem>>) src(%dma_wait3A_173 : memref<10240x128xf32, #tpu.memory_space<hbm>>) dst(%dma_wait3A_167 : memref<128x128xf32, #tpu.memory_space<vmem>>)
        } else {
        }
        %eq3A_149 = arith.constant 1 : i32
        %eq3A_150 = arith.cmpi eq, %arg0, %eq3A_149 : i32
        %convert_element_type3A_151 = arith.extui %eq3A_150 : i1 to i32
        %cond3A_152 = arith.constant 0 : i32
        %cond3A_153 = arith.cmpi ne, %convert_element_type3A_151, %cond3A_152 : i32
        scf.if %cond3A_153 {
          %dma_wait3A_164 = arith.constant 2 : i32
          %dma_wait3A_165 = arith.constant 128 : i32
          %dma_wait3A_166 = arith.constant 0 : i32
          %dma_wait3A_167 = tpu.memref_slice %arg9[%dma_wait3A_165, %dma_wait3A_166] : memref<256x128xf32, #tpu.memory_space<vmem>> -> memref<128x128xf32, #tpu.memory_space<vmem>>
          %dma_wait3A_168 = arith.constant 0 : i32
          %dma_wait3A_169 = tpu.memref_slice %arg8[%dma_wait3A_164, %dma_wait3A_168] : memref<4x128xi32, #tpu.memory_space<vmem>> -> memref<1x128xi32, #tpu.memory_space<vmem>>
          %dma_wait3A_170 = tpu.memref_squeeze %dma_wait3A_169 : memref<1x128xi32, #tpu.memory_space<vmem>> -> memref<128xi32, #tpu.memory_space<vmem>>
          %dma_wait3A_171 = arith.constant 0 : i32
          %dma_wait3A_172 = arith.constant 0 : i32
          %dma_wait3A_173 = tpu.memref_slice %arg3[%dma_wait3A_171, %dma_wait3A_172] : memref<10240x128xf32, #tpu.memory_space<hbm>> -> memref<10240x128xf32, #tpu.memory_space<hbm>>
          tpu.wait_indirect_dma semaphore(%arg11 : memref<!tpu.dma_semaphore, #tpu.memory_space<semaphore_mem>>) src(%dma_wait3A_173 : memref<10240x128xf32, #tpu.memory_space<hbm>>) dst(%dma_wait3A_167 : memref<128x128xf32, #tpu.memory_space<vmem>>)
        } else {
        }
        %dma_start3A_154 = arith.constant 3 : i32
        %dma_start3A_155 = arith.constant 128 : i32
        %dma_start3A_156 = arith.constant 0 : i32
        %dma_start3A_157 = tpu.memref_slice %arg9[%dma_start3A_155, %dma_start3A_156] : memref<256x128xf32, #tpu.memory_space<vmem>> -> memref<128x128xf32, #tpu.memory_space<vmem>>
        %dma_start3A_158 = arith.constant 0 : i32
        %dma_start3A_159 = tpu.memref_slice %arg8[%dma_start3A_154, %dma_start3A_158] : memref<4x128xi32, #tpu.memory_space<vmem>> -> memref<1x128xi32, #tpu.memory_space<vmem>>
        %dma_start3A_160 = tpu.memref_squeeze %dma_start3A_159 : memref<1x128xi32, #tpu.memory_space<vmem>> -> memref<128xi32, #tpu.memory_space<vmem>>
        %dma_start3A_161 = arith.constant 0 : i32
        %dma_start3A_162 = arith.constant 0 : i32
        %dma_start3A_163 = tpu.memref_slice %arg14[%dma_start3A_161, %dma_start3A_162] : memref<10240x128xf32, #tpu.memory_space<vmem_shared>> -> memref<10240x128xf32, #tpu.memory_space<vmem_shared>>
        tpu.enqueue_indirect_dma source(%dma_start3A_157 : memref<128x128xf32, #tpu.memory_space<vmem>>) target(%dma_start3A_163 : memref<10240x128xf32, #tpu.memory_space<vmem_shared>>) offsets(%dma_start3A_160 : memref<128xi32, #tpu.memory_space<vmem>>) semaphore(%arg13 : memref<!tpu.dma_semaphore, #tpu.memory_space<semaphore_mem>>) {add = true}
      } else {
      }
      %mul3A_110 = arith.constant 2 : i32
      %mul3A_111 = arith.muli %scan3A_65, %mul3A_110 : i32
      %add3A_112 = arith.constant 1 : i32
      %add3A_113 = arith.addi %mul3A_111, %add3A_112 : i32
      %ge3A_114 = arith.constant 2 : i32
      %ge3A_115 = arith.cmpi sge, %add3A_113, %ge3A_114 : i32
      %convert_element_type3A_116 = arith.extui %ge3A_115 : i1 to i32
      %cond3A_117 = arith.constant 0 : i32
      %cond3A_118 = arith.cmpi ne, %convert_element_type3A_116, %cond3A_117 : i32
      scf.if %cond3A_118 {
        %dma_wait3A_144 = arith.constant 3 : i32
        %dma_wait3A_145 = arith.constant 128 : i32
        %dma_wait3A_146 = arith.constant 0 : i32
        %dma_wait3A_147 = tpu.memref_slice %arg9[%dma_wait3A_145, %dma_wait3A_146] : memref<256x128xf32, #tpu.memory_space<vmem>> -> memref<128x128xf32, #tpu.memory_space<vmem>>
        %dma_wait3A_148 = arith.constant 0 : i32
        %dma_wait3A_149 = tpu.memref_slice %arg8[%dma_wait3A_144, %dma_wait3A_148] : memref<4x128xi32, #tpu.memory_space<vmem>> -> memref<1x128xi32, #tpu.memory_space<vmem>>
        %dma_wait3A_150 = tpu.memref_squeeze %dma_wait3A_149 : memref<1x128xi32, #tpu.memory_space<vmem>> -> memref<128xi32, #tpu.memory_space<vmem>>
        %dma_wait3A_151 = arith.constant 0 : i32
        %dma_wait3A_152 = arith.constant 0 : i32
        %dma_wait3A_153 = tpu.memref_slice %arg14[%dma_wait3A_151, %dma_wait3A_152] : memref<10240x128xf32, #tpu.memory_space<vmem_shared>> -> memref<10240x128xf32, #tpu.memory_space<vmem_shared>>
        tpu.wait_indirect_dma semaphore(%arg13 : memref<!tpu.dma_semaphore, #tpu.memory_space<semaphore_mem>>) src(%dma_wait3A_147 : memref<128x128xf32, #tpu.memory_space<vmem>>) dst(%dma_wait3A_153 : memref<10240x128xf32, #tpu.memory_space<vmem_shared>>)
      } else {
      }
      %and3A_119 = arith.constant 15 : i32
      %and3A_120 = arith.andi %add3A_113, %and3A_119 : i32
      %scan3A_121 = arith.constant 0 : i32
      %scan3A_122 = arith.constant 0 : i32
      %scan3A_123 = arith.constant 8 : i32
      %scan3A_124 = arith.addi %scan3A_122, %scan3A_123 : i32
      %scan3A_125 = arith.constant 1 : i32
      %scan3A_126 = scf.for %scan3A_144 = %scan3A_122 to %scan3A_124 step %scan3A_125 iter_args(%scan3A_145 = %scan3A_121) -> (i32)  : i32 {
        %mul3A_146 = arith.constant 16 : i32
        %mul3A_147 = arith.muli %scan3A_144, %mul3A_146 : i32
        %get3A = arith.constant 0 : i32
        %get3A_148 = tpu.memref_slice %arg7[%and3A_120, %get3A] : memref<16x128xi32, #tpu.memory_space<vmem>> -> memref<1x128xi32, #tpu.memory_space<vmem>>
        %get3A_149 = tpu.memref_squeeze %get3A_148 : memref<1x128xi32, #tpu.memory_space<vmem>> -> memref<128xi32, #tpu.memory_space<vmem>>
        %get3A_150 = arith.index_cast %mul3A_147 : i32 to index
        %get3A_151 = tpu.vector_load %get3A_149[%get3A_150] {strides = array<i32>} : memref<128xi32, #tpu.memory_space<vmem>>, vector<16xi32>,
        %get3A_152 = vector.shape_cast %get3A_151 : vector<16xi32> to vector<16xi32>
        %and3A_153 = arith.constant 16383 : i32
        %and3A_154 = vector.broadcast %and3A_153 : i32 to vector<16xi32>
        %and3A_155 = arith.andi %get3A_152, %and3A_154 : vector<16xi32>
        %swap3A = arith.constant 2 : i32
        %swap3A_156 = arith.index_cast %swap3A : i32 to index
        %swap3A_157 = arith.index_cast %mul3A_147 : i32 to index
        %swap3A_158 = tpu.vector_load %arg8[%swap3A_156, %swap3A_157] {strides = array<i32>} : memref<4x128xi32, #tpu.memory_space<vmem>>, vector<1x16xi32>,
        %swap3A_159 = vector.shape_cast %swap3A_158 : vector<1x16xi32> to vector<16xi32>
        %swap3A_160 = vector.shape_cast %and3A_155 : vector<16xi32> to vector<1x16xi32>
        tpu.vector_store %arg8[%swap3A_156, %swap3A_157], %swap3A_160 {strides = array<i32>} : memref<4x128xi32, #tpu.memory_space<vmem>>, vector<1x16xi32>,
        %shift_right_logical3A = arith.constant 14 : i32
        %shift_right_logical3A_161 = vector.broadcast %shift_right_logical3A : i32 to vector<16xi32>
        %shift_right_logical3A_162 = arith.shrui %get3A_152, %shift_right_logical3A_161 : vector<16xi32>
        %swap3A_163 = arith.constant 3 : i32
        %swap3A_164 = arith.index_cast %swap3A_163 : i32 to index
        %swap3A_165 = arith.index_cast %mul3A_147 : i32 to index
        %swap3A_166 = tpu.vector_load %arg8[%swap3A_164, %swap3A_165] {strides = array<i32>} : memref<4x128xi32, #tpu.memory_space<vmem>>, vector<1x16xi32>,
        %swap3A_167 = vector.shape_cast %swap3A_166 : vector<1x16xi32> to vector<16xi32>
        %swap3A_168 = vector.shape_cast %shift_right_logical3A_162 : vector<16xi32> to vector<1x16xi32>
        tpu.vector_store %arg8[%swap3A_164, %swap3A_165], %swap3A_168 {strides = array<i32>} : memref<4x128xi32, #tpu.memory_space<vmem>>, vector<1x16xi32>,
        %scan3A_169 = arith.constant 0 : i32
        scf.yield %scan3A_169 : i32
      }
      %scan3A_127 = arith.constant 8 : i32
      %eq3A_128 = arith.constant 0 : i32
      %eq3A_129 = arith.cmpi eq, %arg0, %eq3A_128 : i32
      %convert_element_type3A_130 = arith.extui %eq3A_129 : i1 to i32
      %cond3A_131 = arith.constant 0 : i32
      %cond3A_132 = arith.cmpi ne, %convert_element_type3A_130, %cond3A_131 : i32
      scf.if %cond3A_132 {
        %dma_start3A_144 = arith.constant 2 : i32
        %dma_start3A_145 = arith.constant 128 : i32
        %dma_start3A_146 = arith.constant 0 : i32
        %dma_start3A_147 = tpu.memref_slice %arg9[%dma_start3A_145, %dma_start3A_146] : memref<256x128xf32, #tpu.memory_space<vmem>> -> memref<128x128xf32, #tpu.memory_space<vmem>>
        %dma_start3A_148 = arith.constant 0 : i32
        %dma_start3A_149 = tpu.memref_slice %arg8[%dma_start3A_144, %dma_start3A_148] : memref<4x128xi32, #tpu.memory_space<vmem>> -> memref<1x128xi32, #tpu.memory_space<vmem>>
        %dma_start3A_150 = tpu.memref_squeeze %dma_start3A_149 : memref<1x128xi32, #tpu.memory_space<vmem>> -> memref<128xi32, #tpu.memory_space<vmem>>
        %dma_start3A_151 = arith.constant 0 : i32
        %dma_start3A_152 = arith.constant 0 : i32
        %dma_start3A_153 = tpu.memref_slice %arg2[%dma_start3A_151, %dma_start3A_152] : memref<10240x128xf32, #tpu.memory_space<hbm>> -> memref<10240x128xf32, #tpu.memory_space<hbm>>
        tpu.enqueue_indirect_dma source(%dma_start3A_153 : memref<10240x128xf32, #tpu.memory_space<hbm>>) target(%dma_start3A_147 : memref<128x128xf32, #tpu.memory_space<vmem>>) offsets(%dma_start3A_150 : memref<128xi32, #tpu.memory_space<vmem>>) semaphore(%arg11 : memref<!tpu.dma_semaphore, #tpu.memory_space<semaphore_mem>>)
      } else {
      }
      %eq3A_133 = arith.constant 1 : i32
      %eq3A_134 = arith.cmpi eq, %arg0, %eq3A_133 : i32
      %convert_element_type3A_135 = arith.extui %eq3A_134 : i1 to i32
      %cond3A_136 = arith.constant 0 : i32
      %cond3A_137 = arith.cmpi ne, %convert_element_type3A_135, %cond3A_136 : i32
      scf.if %cond3A_137 {
        %dma_start3A_144 = arith.constant 2 : i32
        %dma_start3A_145 = arith.constant 128 : i32
        %dma_start3A_146 = arith.constant 0 : i32
        %dma_start3A_147 = tpu.memref_slice %arg9[%dma_start3A_145, %dma_start3A_146] : memref<256x128xf32, #tpu.memory_space<vmem>> -> memref<128x128xf32, #tpu.memory_space<vmem>>
        %dma_start3A_148 = arith.constant 0 : i32
        %dma_start3A_149 = tpu.memref_slice %arg8[%dma_start3A_144, %dma_start3A_148] : memref<4x128xi32, #tpu.memory_space<vmem>> -> memref<1x128xi32, #tpu.memory_space<vmem>>
        %dma_start3A_150 = tpu.memref_squeeze %dma_start3A_149 : memref<1x128xi32, #tpu.memory_space<vmem>> -> memref<128xi32, #tpu.memory_space<vmem>>
        %dma_start3A_151 = arith.constant 0 : i32
        %dma_start3A_152 = arith.constant 0 : i32
        %dma_start3A_153 = tpu.memref_slice %arg3[%dma_start3A_151, %dma_start3A_152] : memref<10240x128xf32, #tpu.memory_space<hbm>> -> memref<10240x128xf32, #tpu.memory_space<hbm>>
        tpu.enqueue_indirect_dma source(%dma_start3A_153 : memref<10240x128xf32, #tpu.memory_space<hbm>>) target(%dma_start3A_147 : memref<128x128xf32, #tpu.memory_space<vmem>>) offsets(%dma_start3A_150 : memref<128xi32, #tpu.memory_space<vmem>>) semaphore(%arg11 : memref<!tpu.dma_semaphore, #tpu.memory_space<semaphore_mem>>)
      } else {
      }
      %ge3A_138 = arith.constant 1 : i32
      %ge3A_139 = arith.cmpi sge, %add3A_113, %ge3A_138 : i32
      %convert_element_type3A_140 = arith.extui %ge3A_139 : i1 to i32
      %cond3A_141 = arith.constant 0 : i32
      %cond3A_142 = arith.cmpi ne, %convert_element_type3A_140, %cond3A_141 : i32
      scf.if %cond3A_142 {
        %eq3A_144 = arith.constant 0 : i32
        %eq3A_145 = arith.cmpi eq, %arg0, %eq3A_144 : i32
        %convert_element_type3A_146 = arith.extui %eq3A_145 : i1 to i32
        %cond3A_147 = arith.constant 0 : i32
        %cond3A_148 = arith.cmpi ne, %convert_element_type3A_146, %cond3A_147 : i32
        scf.if %cond3A_148 {
          %dma_wait3A_164 = arith.constant 0 : i32
          %dma_wait3A_165 = arith.constant 0 : i32
          %dma_wait3A_166 = arith.constant 0 : i32
          %dma_wait3A_167 = tpu.memref_slice %arg9[%dma_wait3A_165, %dma_wait3A_166] : memref<256x128xf32, #tpu.memory_space<vmem>> -> memref<128x128xf32, #tpu.memory_space<vmem>>
          %dma_wait3A_168 = arith.constant 0 : i32
          %dma_wait3A_169 = tpu.memref_slice %arg8[%dma_wait3A_164, %dma_wait3A_168] : memref<4x128xi32, #tpu.memory_space<vmem>> -> memref<1x128xi32, #tpu.memory_space<vmem>>
          %dma_wait3A_170 = tpu.memref_squeeze %dma_wait3A_169 : memref<1x128xi32, #tpu.memory_space<vmem>> -> memref<128xi32, #tpu.memory_space<vmem>>
          %dma_wait3A_171 = arith.constant 0 : i32
          %dma_wait3A_172 = arith.constant 0 : i32
          %dma_wait3A_173 = tpu.memref_slice %arg2[%dma_wait3A_171, %dma_wait3A_172] : memref<10240x128xf32, #tpu.memory_space<hbm>> -> memref<10240x128xf32, #tpu.memory_space<hbm>>
          tpu.wait_indirect_dma semaphore(%arg10 : memref<!tpu.dma_semaphore, #tpu.memory_space<semaphore_mem>>) src(%dma_wait3A_173 : memref<10240x128xf32, #tpu.memory_space<hbm>>) dst(%dma_wait3A_167 : memref<128x128xf32, #tpu.memory_space<vmem>>)
        } else {
        }
        %eq3A_149 = arith.constant 1 : i32
        %eq3A_150 = arith.cmpi eq, %arg0, %eq3A_149 : i32
        %convert_element_type3A_151 = arith.extui %eq3A_150 : i1 to i32
        %cond3A_152 = arith.constant 0 : i32
        %cond3A_153 = arith.cmpi ne, %convert_element_type3A_151, %cond3A_152 : i32
        scf.if %cond3A_153 {
          %dma_wait3A_164 = arith.constant 0 : i32
          %dma_wait3A_165 = arith.constant 0 : i32
          %dma_wait3A_166 = arith.constant 0 : i32
          %dma_wait3A_167 = tpu.memref_slice %arg9[%dma_wait3A_165, %dma_wait3A_166] : memref<256x128xf32, #tpu.memory_space<vmem>> -> memref<128x128xf32, #tpu.memory_space<vmem>>
          %dma_wait3A_168 = arith.constant 0 : i32
          %dma_wait3A_169 = tpu.memref_slice %arg8[%dma_wait3A_164, %dma_wait3A_168] : memref<4x128xi32, #tpu.memory_space<vmem>> -> memref<1x128xi32, #tpu.memory_space<vmem>>
          %dma_wait3A_170 = tpu.memref_squeeze %dma_wait3A_169 : memref<1x128xi32, #tpu.memory_space<vmem>> -> memref<128xi32, #tpu.memory_space<vmem>>
          %dma_wait3A_171 = arith.constant 0 : i32
          %dma_wait3A_172 = arith.constant 0 : i32
          %dma_wait3A_173 = tpu.memref_slice %arg3[%dma_wait3A_171, %dma_wait3A_172] : memref<10240x128xf32, #tpu.memory_space<hbm>> -> memref<10240x128xf32, #tpu.memory_space<hbm>>
          tpu.wait_indirect_dma semaphore(%arg10 : memref<!tpu.dma_semaphore, #tpu.memory_space<semaphore_mem>>) src(%dma_wait3A_173 : memref<10240x128xf32, #tpu.memory_space<hbm>>) dst(%dma_wait3A_167 : memref<128x128xf32, #tpu.memory_space<vmem>>)
        } else {
        }
        %dma_start3A_154 = arith.constant 1 : i32
        %dma_start3A_155 = arith.constant 0 : i32
        %dma_start3A_156 = arith.constant 0 : i32
        %dma_start3A_157 = tpu.memref_slice %arg9[%dma_start3A_155, %dma_start3A_156] : memref<256x128xf32, #tpu.memory_space<vmem>> -> memref<128x128xf32, #tpu.memory_space<vmem>>
        %dma_start3A_158 = arith.constant 0 : i32
        %dma_start3A_159 = tpu.memref_slice %arg8[%dma_start3A_154, %dma_start3A_158] : memref<4x128xi32, #tpu.memory_space<vmem>> -> memref<1x128xi32, #tpu.memory_space<vmem>>
        %dma_start3A_160 = tpu.memref_squeeze %dma_start3A_159 : memref<1x128xi32, #tpu.memory_space<vmem>> -> memref<128xi32, #tpu.memory_space<vmem>>
        %dma_start3A_161 = arith.constant 0 : i32
        %dma_start3A_162 = arith.constant 0 : i32
        %dma_start3A_163 = tpu.memref_slice %arg14[%dma_start3A_161, %dma_start3A_162] : memref<10240x128xf32, #tpu.memory_space<vmem_shared>> -> memref<10240x128xf32, #tpu.memory_space<vmem_shared>>
        tpu.enqueue_indirect_dma source(%dma_start3A_157 : memref<128x128xf32, #tpu.memory_space<vmem>>) target(%dma_start3A_163 : memref<10240x128xf32, #tpu.memory_space<vmem_shared>>) offsets(%dma_start3A_160 : memref<128xi32, #tpu.memory_space<vmem>>) semaphore(%arg12 : memref<!tpu.dma_semaphore, #tpu.memory_space<semaphore_mem>>) {add = true}
      } else {
      }
      %scan3A_143 = arith.constant 0 : i32
      scf.yield %scan3A_143 : i32
    }
    %scan3A_15 = arith.constant 40 : i32
    %eq3A_16 = arith.constant 0 : i32
    %eq3A_17 = arith.cmpi eq, %arg0, %eq3A_16 : i32
    %convert_element_type3A_18 = arith.extui %eq3A_17 : i1 to i32
    %cond3A_19 = arith.constant 0 : i32
    %cond3A_20 = arith.cmpi ne, %convert_element_type3A_18, %cond3A_19 : i32
    scf.if %cond3A_20 {
      %dma_wait3A_65 = arith.constant 2 : i32
      %dma_wait3A_66 = arith.constant 128 : i32
      %dma_wait3A_67 = arith.constant 0 : i32
      %dma_wait3A_68 = tpu.memref_slice %arg9[%dma_wait3A_66, %dma_wait3A_67] : memref<256x128xf32, #tpu.memory_space<vmem>> -> memref<128x128xf32, #tpu.memory_space<vmem>>
      %dma_wait3A_69 = arith.constant 0 : i32
      %dma_wait3A_70 = tpu.memref_slice %arg8[%dma_wait3A_65, %dma_wait3A_69] : memref<4x128xi32, #tpu.memory_space<vmem>> -> memref<1x128xi32, #tpu.memory_space<vmem>>
      %dma_wait3A_71 = tpu.memref_squeeze %dma_wait3A_70 : memref<1x128xi32, #tpu.memory_space<vmem>> -> memref<128xi32, #tpu.memory_space<vmem>>
      %dma_wait3A_72 = arith.constant 0 : i32
      %dma_wait3A_73 = arith.constant 0 : i32
      %dma_wait3A_74 = tpu.memref_slice %arg2[%dma_wait3A_72, %dma_wait3A_73] : memref<10240x128xf32, #tpu.memory_space<hbm>> -> memref<10240x128xf32, #tpu.memory_space<hbm>>
      tpu.wait_indirect_dma semaphore(%arg11 : memref<!tpu.dma_semaphore, #tpu.memory_space<semaphore_mem>>) src(%dma_wait3A_74 : memref<10240x128xf32, #tpu.memory_space<hbm>>) dst(%dma_wait3A_68 : memref<128x128xf32, #tpu.memory_space<vmem>>)
    } else {
    }
    %eq3A_21 = arith.constant 1 : i32
    %eq3A_22 = arith.cmpi eq, %arg0, %eq3A_21 : i32
    %convert_element_type3A_23 = arith.extui %eq3A_22 : i1 to i32
    %cond3A_24 = arith.constant 0 : i32
    %cond3A_25 = arith.cmpi ne, %convert_element_type3A_23, %cond3A_24 : i32
    scf.if %cond3A_25 {
      %dma_wait3A_65 = arith.constant 2 : i32
      %dma_wait3A_66 = arith.constant 128 : i32
      %dma_wait3A_67 = arith.constant 0 : i32
      %dma_wait3A_68 = tpu.memref_slice %arg9[%dma_wait3A_66, %dma_wait3A_67] : memref<256x128xf32, #tpu.memory_space<vmem>> -> memref<128x128xf32, #tpu.memory_space<vmem>>
      %dma_wait3A_69 = arith.constant 0 : i32
      %dma_wait3A_70 = tpu.memref_slice %arg8[%dma_wait3A_65, %dma_wait3A_69] : memref<4x128xi32, #tpu.memory_space<vmem>> -> memref<1x128xi32, #tpu.memory_space<vmem>>
      %dma_wait3A_71 = tpu.memref_squeeze %dma_wait3A_70 : memref<1x128xi32, #tpu.memory_space<vmem>> -> memref<128xi32, #tpu.memory_space<vmem>>
      %dma_wait3A_72 = arith.constant 0 : i32
      %dma_wait3A_73 = arith.constant 0 : i32
      %dma_wait3A_74 = tpu.memref_slice %arg3[%dma_wait3A_72, %dma_wait3A_73] : memref<10240x128xf32, #tpu.memory_space<hbm>> -> memref<10240x128xf32, #tpu.memory_space<hbm>>
      tpu.wait_indirect_dma semaphore(%arg11 : memref<!tpu.dma_semaphore, #tpu.memory_space<semaphore_mem>>) src(%dma_wait3A_74 : memref<10240x128xf32, #tpu.memory_space<hbm>>) dst(%dma_wait3A_68 : memref<128x128xf32, #tpu.memory_space<vmem>>)
    } else {
    }
    %dma_start3A = arith.constant 3 : i32
    %dma_start3A_26 = arith.constant 128 : i32
    %dma_start3A_27 = arith.constant 0 : i32
    %dma_start3A_28 = tpu.memref_slice %arg9[%dma_start3A_26, %dma_start3A_27] : memref<256x128xf32, #tpu.memory_space<vmem>> -> memref<128x128xf32, #tpu.memory_space<vmem>>
    %dma_start3A_29 = arith.constant 0 : i32
    %dma_start3A_30 = tpu.memref_slice %arg8[%dma_start3A, %dma_start3A_29] : memref<4x128xi32, #tpu.memory_space<vmem>> -> memref<1x128xi32, #tpu.memory_space<vmem>>
    %dma_start3A_31 = tpu.memref_squeeze %dma_start3A_30 : memref<1x128xi32, #tpu.memory_space<vmem>> -> memref<128xi32, #tpu.memory_space<vmem>>
    %dma_start3A_32 = arith.constant 0 : i32
    %dma_start3A_33 = arith.constant 0 : i32
    %dma_start3A_34 = tpu.memref_slice %arg14[%dma_start3A_32, %dma_start3A_33] : memref<10240x128xf32, #tpu.memory_space<vmem_shared>> -> memref<10240x128xf32, #tpu.memory_space<vmem_shared>>
    tpu.enqueue_indirect_dma source(%dma_start3A_28 : memref<128x128xf32, #tpu.memory_space<vmem>>) target(%dma_start3A_34 : memref<10240x128xf32, #tpu.memory_space<vmem_shared>>) offsets(%dma_start3A_31 : memref<128xi32, #tpu.memory_space<vmem>>) semaphore(%arg13 : memref<!tpu.dma_semaphore, #tpu.memory_space<semaphore_mem>>) {add = true}
    %dma_wait3A = arith.constant 1 : i32
    %dma_wait3A_35 = arith.constant 0 : i32
    %dma_wait3A_36 = arith.constant 0 : i32
    %dma_wait3A_37 = tpu.memref_slice %arg9[%dma_wait3A_35, %dma_wait3A_36] : memref<256x128xf32, #tpu.memory_space<vmem>> -> memref<128x128xf32, #tpu.memory_space<vmem>>
    %dma_wait3A_38 = arith.constant 0 : i32
    %dma_wait3A_39 = tpu.memref_slice %arg8[%dma_wait3A, %dma_wait3A_38] : memref<4x128xi32, #tpu.memory_space<vmem>> -> memref<1x128xi32, #tpu.memory_space<vmem>>
    %dma_wait3A_40 = tpu.memref_squeeze %dma_wait3A_39 : memref<1x128xi32, #tpu.memory_space<vmem>> -> memref<128xi32, #tpu.memory_space<vmem>>
    %dma_wait3A_41 = arith.constant 0 : i32
    %dma_wait3A_42 = arith.constant 0 : i32
    %dma_wait3A_43 = tpu.memref_slice %arg14[%dma_wait3A_41, %dma_wait3A_42] : memref<10240x128xf32, #tpu.memory_space<vmem_shared>> -> memref<10240x128xf32, #tpu.memory_space<vmem_shared>>
    tpu.wait_indirect_dma semaphore(%arg12 : memref<!tpu.dma_semaphore, #tpu.memory_space<semaphore_mem>>) src(%dma_wait3A_37 : memref<128x128xf32, #tpu.memory_space<vmem>>) dst(%dma_wait3A_43 : memref<10240x128xf32, #tpu.memory_space<vmem_shared>>)
    %dma_wait3A_44 = arith.constant 3 : i32
    %dma_wait3A_45 = arith.constant 128 : i32
    %dma_wait3A_46 = arith.constant 0 : i32
    %dma_wait3A_47 = tpu.memref_slice %arg9[%dma_wait3A_45, %dma_wait3A_46] : memref<256x128xf32, #tpu.memory_space<vmem>> -> memref<128x128xf32, #tpu.memory_space<vmem>>
    %dma_wait3A_48 = arith.constant 0 : i32
    %dma_wait3A_49 = tpu.memref_slice %arg8[%dma_wait3A_44, %dma_wait3A_48] : memref<4x128xi32, #tpu.memory_space<vmem>> -> memref<1x128xi32, #tpu.memory_space<vmem>>
    %dma_wait3A_50 = tpu.memref_squeeze %dma_wait3A_49 : memref<1x128xi32, #tpu.memory_space<vmem>> -> memref<128xi32, #tpu.memory_space<vmem>>
    %dma_wait3A_51 = arith.constant 0 : i32
    %dma_wait3A_52 = arith.constant 0 : i32
    %dma_wait3A_53 = tpu.memref_slice %arg14[%dma_wait3A_51, %dma_wait3A_52] : memref<10240x128xf32, #tpu.memory_space<vmem_shared>> -> memref<10240x128xf32, #tpu.memory_space<vmem_shared>>
    tpu.wait_indirect_dma semaphore(%arg13 : memref<!tpu.dma_semaphore, #tpu.memory_space<semaphore_mem>>) src(%dma_wait3A_47 : memref<128x128xf32, #tpu.memory_space<vmem>>) dst(%dma_wait3A_53 : memref<10240x128xf32, #tpu.memory_space<vmem_shared>>)
    %barrier3A_54 = arith.constant 0 : index
    tpu.barrier barrier_id(%barrier3A_54)
    %eq3A_55 = arith.constant 0 : i32
    %eq3A_56 = arith.cmpi eq, %arg0, %eq3A_55 : i32
    %convert_element_type3A_57 = arith.extui %eq3A_56 : i1 to i32
    %cond3A_58 = arith.constant 0 : i32
    %cond3A_59 = arith.cmpi ne, %convert_element_type3A_57, %cond3A_58 : i32
    scf.if %cond3A_59 {
      "tpu.region"() ({
        %run_scoped3A = tpu.sem_alloc : memref<!tpu.dma_semaphore, #tpu.memory_space<semaphore_mem>>
        %dma_start3A_65 = arith.constant 0 : i32
        %dma_start3A_66 = tpu.memref_slice %arg5[%mul3A_0, %dma_start3A_65] : memref<10240x128xf32, #tpu.memory_space<hbm>> -> memref<640x128xf32, #tpu.memory_space<hbm>>
        %dma_start3A_67 = arith.constant 0 : i32
        %dma_start3A_68 = tpu.memref_slice %arg14[%mul3A_0, %dma_start3A_67] : memref<10240x128xf32, #tpu.memory_space<vmem_shared>> -> memref<640x128xf32, #tpu.memory_space<vmem_shared>>
        tpu.enqueue_dma source(%dma_start3A_68 : memref<640x128xf32, #tpu.memory_space<vmem_shared>>) target(%dma_start3A_66 : memref<640x128xf32, #tpu.memory_space<hbm>>) target_semaphore(%run_scoped3A : memref<!tpu.dma_semaphore, #tpu.memory_space<semaphore_mem>>)
        %dma_wait3A_69 = arith.constant 0 : i32
        %dma_wait3A_70 = tpu.memref_slice %arg5[%mul3A_0, %dma_wait3A_69] : memref<10240x128xf32, #tpu.memory_space<hbm>> -> memref<640x128xf32, #tpu.memory_space<hbm>>
        %dma_wait3A_71 = arith.constant 0 : i32
        %dma_wait3A_72 = tpu.memref_slice %arg14[%mul3A_0, %dma_wait3A_71] : memref<10240x128xf32, #tpu.memory_space<vmem_shared>> -> memref<640x128xf32, #tpu.memory_space<vmem_shared>>
        tpu.wait_dma2 semaphore(%run_scoped3A : memref<!tpu.dma_semaphore, #tpu.memory_space<semaphore_mem>>) src(%dma_wait3A_72 : memref<640x128xf32, #tpu.memory_space<vmem_shared>>) dst(%dma_wait3A_70 : memref<640x128xf32, #tpu.memory_space<hbm>>)
        tpu.yield
      }) : () -> ()
    } else {
    }
    %eq3A_60 = arith.constant 1 : i32
    %eq3A_61 = arith.cmpi eq, %arg0, %eq3A_60 : i32
    %convert_element_type3A_62 = arith.extui %eq3A_61 : i1 to i32
    %cond3A_63 = arith.constant 0 : i32
    %cond3A_64 = arith.cmpi ne, %convert_element_type3A_62, %cond3A_63 : i32
    scf.if %cond3A_64 {
      "tpu.region"() ({
        %run_scoped3A = tpu.sem_alloc : memref<!tpu.dma_semaphore, #tpu.memory_space<semaphore_mem>>
        %dma_start3A_65 = arith.constant 0 : i32
        %dma_start3A_66 = tpu.memref_slice %arg6[%mul3A_0, %dma_start3A_65] : memref<10240x128xf32, #tpu.memory_space<hbm>> -> memref<640x128xf32, #tpu.memory_space<hbm>>
        %dma_start3A_67 = arith.constant 0 : i32
        %dma_start3A_68 = tpu.memref_slice %arg14[%mul3A_0, %dma_start3A_67] : memref<10240x128xf32, #tpu.memory_space<vmem_shared>> -> memref<640x128xf32, #tpu.memory_space<vmem_shared>>
        tpu.enqueue_dma source(%dma_start3A_68 : memref<640x128xf32, #tpu.memory_space<vmem_shared>>) target(%dma_start3A_66 : memref<640x128xf32, #tpu.memory_space<hbm>>) target_semaphore(%run_scoped3A : memref<!tpu.dma_semaphore, #tpu.memory_space<semaphore_mem>>)
        %dma_wait3A_69 = arith.constant 0 : i32
        %dma_wait3A_70 = tpu.memref_slice %arg6[%mul3A_0, %dma_wait3A_69] : memref<10240x128xf32, #tpu.memory_space<hbm>> -> memref<640x128xf32, #tpu.memory_space<hbm>>
        %dma_wait3A_71 = arith.constant 0 : i32
        %dma_wait3A_72 = tpu.memref_slice %arg14[%mul3A_0, %dma_wait3A_71] : memref<10240x128xf32, #tpu.memory_space<vmem_shared>> -> memref<640x128xf32, #tpu.memory_space<vmem_shared>>
        tpu.wait_dma2 semaphore(%run_scoped3A : memref<!tpu.dma_semaphore, #tpu.memory_space<semaphore_mem>>) src(%dma_wait3A_72 : memref<640x128xf32, #tpu.memory_space<vmem_shared>>) dst(%dma_wait3A_70 : memref<640x128xf32, #tpu.memory_space<hbm>>)
        tpu.yield
      }) : () -> ()
    } else {
    }
    return
  }
}

#map = affine_map<(d0, d1) -> (0, 0)>
module attributes {stable_mosaic.version = 14 : i64} {
  func.func @_agg_call(%arg0: i32, %arg1: i32, %arg2: memref<10240x128xf32, #tpu.memory_space<hbm>>, %arg3: memref<10240x128xf32, #tpu.memory_space<hbm>>, %arg4: memref<1280x128xi32, #tpu.memory_space<hbm>>, %arg5: memref<10240x128xf32, #tpu.memory_space<hbm>>, %arg6: memref<10240x128xf32, #tpu.memory_space<hbm>>, %arg7: memref<16x128xi32, #tpu.memory_space<vmem>>, %arg8: memref<4x128xi32, #tpu.memory_space<vmem>>, %arg9: memref<256x128xf32, #tpu.memory_space<vmem>>, %arg10: memref<!tpu.dma_semaphore, #tpu.memory_space<semaphore_mem>>, %arg11: memref<!tpu.dma_semaphore, #tpu.memory_space<semaphore_mem>>, %arg12: memref<!tpu.dma_semaphore, #tpu.memory_space<semaphore_mem>>, %arg13: memref<!tpu.dma_semaphore, #tpu.memory_space<semaphore_mem>>, %arg14: memref<10240x128xf32, #tpu.memory_space<vmem_shared>>) attributes {dimension_semantics = [#tpu.dimension_semantics<core_parallel>, #tpu.dimension_semantics<subcore_parallel>], iteration_bounds = array<i64: 2, 16>, scalar_prefetch = 0 : i64, scratch_operands = 8 : i64, tpu.core_type = #tpu.core_type<sc_vector_subcore>, window_params = [{transform_indices = #map}, {transform_indices = #map}, {transform_indices = #map}, {transform_indices = #map}, {transform_indices = #map}]} {
    %mul3A = arith.constant 640 : i32
    %mul3A_0 = arith.muli %arg1, %mul3A : i32
    %eq3A = arith.constant 0 : i32
    %eq3A_1 = arith.cmpi eq, %arg0, %eq3A : i32
    %convert_element_type3A = arith.extui %eq3A_1 : i1 to i32
    %cond3A = arith.constant 0 : i32
    %cond3A_2 = arith.cmpi ne, %convert_element_type3A, %cond3A : i32
    scf.if %cond3A_2 {
      "tpu.region"() ({
        %run_scoped3A = tpu.sem_alloc : memref<!tpu.dma_semaphore, #tpu.memory_space<semaphore_mem>>
        %dma_start3A_65 = arith.constant 0 : i32
        %dma_start3A_66 = tpu.memref_slice %arg14[%mul3A_0, %dma_start3A_65] : memref<10240x128xf32, #tpu.memory_space<vmem_shared>> -> memref<640x128xf32, #tpu.memory_space<vmem_shared>>
        %dma_start3A_67 = arith.constant 0 : i32
        %dma_start3A_68 = tpu.memref_slice %arg2[%mul3A_0, %dma_start3A_67] : memref<10240x128xf32, #tpu.memory_space<hbm>> -> memref<640x128xf32, #tpu.memory_space<hbm>>
        tpu.enqueue_dma source(%dma_start3A_68 : memref<640x128xf32, #tpu.memory_space<hbm>>) target(%dma_start3A_66 : memref<640x128xf32, #tpu.memory_space<vmem_shared>>) target_semaphore(%run_scoped3A : memref<!tpu.dma_semaphore, #tpu.memory_space<semaphore_mem>>)
        %dma_wait3A_69 = arith.constant 0 : i32
        %dma_wait3A_70 = tpu.memref_slice %arg14[%mul3A_0, %dma_wait3A_69] : memref<10240x128xf32, #tpu.memory_space<vmem_shared>> -> memref<640x128xf32, #tpu.memory_space<vmem_shared>>
        %dma_wait3A_71 = arith.constant 0 : i32
        %dma_wait3A_72 = tpu.memref_slice %arg2[%mul3A_0, %dma_wait3A_71] : memref<10240x128xf32, #tpu.memory_space<hbm>> -> memref<640x128xf32, #tpu.memory_space<hbm>>
        tpu.wait_dma2 semaphore(%run_scoped3A : memref<!tpu.dma_semaphore, #tpu.memory_space<semaphore_mem>>) src(%dma_wait3A_72 : memref<640x128xf32, #tpu.memory_space<hbm>>) dst(%dma_wait3A_70 : memref<640x128xf32, #tpu.memory_space<vmem_shared>>)
        tpu.yield
      }) : () -> ()
    } else {
    }
    %eq3A_3 = arith.constant 1 : i32
    %eq3A_4 = arith.cmpi eq, %arg0, %eq3A_3 : i32
    %convert_element_type3A_5 = arith.extui %eq3A_4 : i1 to i32
    %cond3A_6 = arith.constant 0 : i32
    %cond3A_7 = arith.cmpi ne, %convert_element_type3A_5, %cond3A_6 : i32
    scf.if %cond3A_7 {
      "tpu.region"() ({
        %run_scoped3A = tpu.sem_alloc : memref<!tpu.dma_semaphore, #tpu.memory_space<semaphore_mem>>
        %dma_start3A_65 = arith.constant 0 : i32
        %dma_start3A_66 = tpu.memref_slice %arg14[%mul3A_0, %dma_start3A_65] : memref<10240x128xf32, #tpu.memory_space<vmem_shared>> -> memref<640x128xf32, #tpu.memory_space<vmem_shared>>
        %dma_start3A_67 = arith.constant 0 : i32
        %dma_start3A_68 = tpu.memref_slice %arg3[%mul3A_0, %dma_start3A_67] : memref<10240x128xf32, #tpu.memory_space<hbm>> -> memref<640x128xf32, #tpu.memory_space<hbm>>
        tpu.enqueue_dma source(%dma_start3A_68 : memref<640x128xf32, #tpu.memory_space<hbm>>) target(%dma_start3A_66 : memref<640x128xf32, #tpu.memory_space<vmem_shared>>) target_semaphore(%run_scoped3A : memref<!tpu.dma_semaphore, #tpu.memory_space<semaphore_mem>>)
        %dma_wait3A_69 = arith.constant 0 : i32
        %dma_wait3A_70 = tpu.memref_slice %arg14[%mul3A_0, %dma_wait3A_69] : memref<10240x128xf32, #tpu.memory_space<vmem_shared>> -> memref<640x128xf32, #tpu.memory_space<vmem_shared>>
        %dma_wait3A_71 = arith.constant 0 : i32
        %dma_wait3A_72 = tpu.memref_slice %arg3[%mul3A_0, %dma_wait3A_71] : memref<10240x128xf32, #tpu.memory_space<hbm>> -> memref<640x128xf32, #tpu.memory_space<hbm>>
        tpu.wait_dma2 semaphore(%run_scoped3A : memref<!tpu.dma_semaphore, #tpu.memory_space<semaphore_mem>>) src(%dma_wait3A_72 : memref<640x128xf32, #tpu.memory_space<hbm>>) dst(%dma_wait3A_70 : memref<640x128xf32, #tpu.memory_space<vmem_shared>>)
        tpu.yield
      }) : () -> ()
    } else {
    }
    %mul3A_8 = arith.constant 80 : i32
    %mul3A_9 = arith.muli %arg1, %mul3A_8 : i32
    "tpu.region"() ({
      %run_scoped3A = tpu.sem_alloc : memref<!tpu.dma_semaphore, #tpu.memory_space<semaphore_mem>>
      %dma_start3A_65 = arith.constant 0 : i32
      %dma_start3A_66 = tpu.memref_slice %arg4[%mul3A_9, %dma_start3A_65] : memref<1280x128xi32, #tpu.memory_space<hbm>> -> memref<16x128xi32, #tpu.memory_space<hbm>>
      %dma_start3A_67 = arith.constant 0 : i32
      %dma_start3A_68 = tpu.memref_slice %arg4[%mul3A_9, %dma_start3A_67] : memref<1280x128xi32, #tpu.memory_space<hbm>> -> memref<16x128xi32, #tpu.memory_space<hbm>>
      tpu.enqueue_dma source(%dma_start3A_68 : memref<16x128xi32, #tpu.memory_space<hbm>>) target(%arg7 : memref<16x128xi32, #tpu.memory_space<vmem>>) target_semaphore(%run_scoped3A : memref<!tpu.dma_semaphore, #tpu.memory_space<semaphore_mem>>)
      %dma_wait3A_69 = arith.constant 0 : i32
      %dma_wait3A_70 = tpu.memref_slice %arg4[%mul3A_9, %dma_wait3A_69] : memref<1280x128xi32, #tpu.memory_space<hbm>> -> memref<16x128xi32, #tpu.memory_space<hbm>>
      %dma_wait3A_71 = arith.constant 0 : i32
      %dma_wait3A_72 = tpu.memref_slice %arg4[%mul3A_9, %dma_wait3A_71] : memref<1280x128xi32, #tpu.memory_space<hbm>> -> memref<16x128xi32, #tpu.memory_space<hbm>>
      tpu.wait_dma2 semaphore(%run_scoped3A : memref<!tpu.dma_semaphore, #tpu.memory_space<semaphore_mem>>) src(%dma_wait3A_72 : memref<16x128xi32, #tpu.memory_space<hbm>>) dst(%arg7 : memref<16x128xi32, #tpu.memory_space<vmem>>)
      tpu.yield
    }) : () -> ()
    %barrier3A = arith.constant 0 : index
    tpu.barrier barrier_id(%barrier3A)
    %scan3A = arith.constant 0 : i32
    %scan3A_10 = arith.constant 0 : i32
    %scan3A_11 = arith.constant 40 : i32
    %scan3A_12 = arith.addi %scan3A_10, %scan3A_11 : i32
    %scan3A_13 = arith.constant 1 : i32
    %scan3A_14 = scf.for %scan3A_65 = %scan3A_10 to %scan3A_12 step %scan3A_13 iter_args(%scan3A_66 = %scan3A) -> (i32)  : i32 {
      %mul3A_67 = arith.constant 2 : i32
      %mul3A_68 = arith.muli %scan3A_65, %mul3A_67 : i32
      %add3A = arith.constant 0 : i32
      %add3A_69 = arith.addi %mul3A_68, %add3A : i32
      %eq3A_70 = arith.constant 8 : i32
      %eq3A_71 = arith.cmpi eq, %scan3A_65, %eq3A_70 : i32
      %eq3A_72 = arith.constant 16 : i32
      %eq3A_73 = arith.cmpi eq, %scan3A_65, %eq3A_72 : i32
      %or3A = arith.ori %eq3A_71, %eq3A_73 : i1
      %eq3A_74 = arith.constant 24 : i32
      %eq3A_75 = arith.cmpi eq, %scan3A_65, %eq3A_74 : i32
      %or3A_76 = arith.ori %or3A, %eq3A_75 : i1
      %eq3A_77 = arith.constant 32 : i32
      %eq3A_78 = arith.cmpi eq, %scan3A_65, %eq3A_77 : i32
      %or3A_79 = arith.ori %or3A_76, %eq3A_78 : i1
      %convert_element_type3A_80 = arith.extui %or3A_79 : i1 to i32
      %cond3A_81 = arith.constant 0 : i32
      %cond3A_82 = arith.cmpi ne, %convert_element_type3A_80, %cond3A_81 : i32
      scf.if %cond3A_82 {
        %mul3A_144 = arith.constant 80 : i32
        %mul3A_145 = arith.muli %arg1, %mul3A_144 : i32
        %add3A_146 = arith.addi %mul3A_145, %add3A_69 : i32
        %multiple_of3A = tpu.assume_multiple %add3A_146, 16 : i32
        "tpu.region"() ({
          %run_scoped3A = tpu.sem_alloc : memref<!tpu.dma_semaphore, #tpu.memory_space<semaphore_mem>>
          %dma_start3A_147 = arith.constant 0 : i32
          %dma_start3A_148 = tpu.memref_slice %arg4[%multiple_of3A, %dma_start3A_147] : memref<1280x128xi32, #tpu.memory_space<hbm>> -> memref<16x128xi32, #tpu.memory_space<hbm>>
          %dma_start3A_149 = arith.constant 0 : i32
          %dma_start3A_150 = tpu.memref_slice %arg4[%multiple_of3A, %dma_start3A_149] : memref<1280x128xi32, #tpu.memory_space<hbm>> -> memref<16x128xi32, #tpu.memory_space<hbm>>
          tpu.enqueue_dma source(%dma_start3A_150 : memref<16x128xi32, #tpu.memory_space<hbm>>) target(%arg7 : memref<16x128xi32, #tpu.memory_space<vmem>>) target_semaphore(%run_scoped3A : memref<!tpu.dma_semaphore, #tpu.memory_space<semaphore_mem>>)
          %dma_wait3A_151 = arith.constant 0 : i32
          %dma_wait3A_152 = tpu.memref_slice %arg4[%multiple_of3A, %dma_wait3A_151] : memref<1280x128xi32, #tpu.memory_space<hbm>> -> memref<16x128xi32, #tpu.memory_space<hbm>>
          %dma_wait3A_153 = arith.constant 0 : i32
          %dma_wait3A_154 = tpu.memref_slice %arg4[%multiple_of3A, %dma_wait3A_153] : memref<1280x128xi32, #tpu.memory_space<hbm>> -> memref<16x128xi32, #tpu.memory_space<hbm>>
          tpu.wait_dma2 semaphore(%run_scoped3A : memref<!tpu.dma_semaphore, #tpu.memory_space<semaphore_mem>>) src(%dma_wait3A_154 : memref<16x128xi32, #tpu.memory_space<hbm>>) dst(%arg7 : memref<16x128xi32, #tpu.memory_space<vmem>>)
          tpu.yield
        }) : () -> ()
      } else {
      }
      %ge3A = arith.constant 2 : i32
      %ge3A_83 = arith.cmpi sge, %add3A_69, %ge3A : i32
      %convert_element_type3A_84 = arith.extui %ge3A_83 : i1 to i32
      %cond3A_85 = arith.constant 0 : i32
      %cond3A_86 = arith.cmpi ne, %convert_element_type3A_84, %cond3A_85 : i32
      scf.if %cond3A_86 {
        %dma_wait3A_144 = arith.constant 1 : i32
        %dma_wait3A_145 = arith.constant 0 : i32
        %dma_wait3A_146 = arith.constant 0 : i32
        %dma_wait3A_147 = tpu.memref_slice %arg9[%dma_wait3A_145, %dma_wait3A_146] : memref<256x128xf32, #tpu.memory_space<vmem>> -> memref<128x128xf32, #tpu.memory_space<vmem>>
        %dma_wait3A_148 = arith.constant 0 : i32
        %dma_wait3A_149 = tpu.memref_slice %arg8[%dma_wait3A_144, %dma_wait3A_148] : memref<4x128xi32, #tpu.memory_space<vmem>> -> memref<1x128xi32, #tpu.memory_space<vmem>>
        %dma_wait3A_150 = tpu.memref_squeeze %dma_wait3A_149 : memref<1x128xi32, #tpu.memory_space<vmem>> -> memref<128xi32, #tpu.memory_space<vmem>>
        %dma_wait3A_151 = arith.constant 0 : i32
        %dma_wait3A_152 = arith.constant 0 : i32
        %dma_wait3A_153 = tpu.memref_slice %arg14[%dma_wait3A_151, %dma_wait3A_152] : memref<10240x128xf32, #tpu.memory_space<vmem_shared>> -> memref<10240x128xf32, #tpu.memory_space<vmem_shared>>
        tpu.wait_indirect_dma semaphore(%arg12 : memref<!tpu.dma_semaphore, #tpu.memory_space<semaphore_mem>>) src(%dma_wait3A_147 : memref<128x128xf32, #tpu.memory_space<vmem>>) dst(%dma_wait3A_153 : memref<10240x128xf32, #tpu.memory_space<vmem_shared>>)
      } else {
      }
      %and3A = arith.constant 15 : i32
      %and3A_87 = arith.andi %add3A_69, %and3A : i32
      %scan3A_88 = arith.constant 0 : i32
      %scan3A_89 = arith.constant 0 : i32
      %scan3A_90 = arith.constant 8 : i32
      %scan3A_91 = arith.addi %scan3A_89, %scan3A_90 : i32
      %scan3A_92 = arith.constant 1 : i32
      %scan3A_93 = scf.for %scan3A_144 = %scan3A_89 to %scan3A_91 step %scan3A_92 iter_args(%scan3A_145 = %scan3A_88) -> (i32)  : i32 {
        %mul3A_146 = arith.constant 16 : i32
        %mul3A_147 = arith.muli %scan3A_144, %mul3A_146 : i32
        %get3A = arith.constant 0 : i32
        %get3A_148 = tpu.memref_slice %arg7[%and3A_87, %get3A] : memref<16x128xi32, #tpu.memory_space<vmem>> -> memref<1x128xi32, #tpu.memory_space<vmem>>
        %get3A_149 = tpu.memref_squeeze %get3A_148 : memref<1x128xi32, #tpu.memory_space<vmem>> -> memref<128xi32, #tpu.memory_space<vmem>>
        %get3A_150 = arith.index_cast %mul3A_147 : i32 to index
        %get3A_151 = tpu.vector_load %get3A_149[%get3A_150] {strides = array<i32>} : memref<128xi32, #tpu.memory_space<vmem>>, vector<16xi32>,
        %get3A_152 = vector.shape_cast %get3A_151 : vector<16xi32> to vector<16xi32>
        %and3A_153 = arith.constant 16383 : i32
        %and3A_154 = vector.broadcast %and3A_153 : i32 to vector<16xi32>
        %and3A_155 = arith.andi %get3A_152, %and3A_154 : vector<16xi32>
        %swap3A = arith.constant 0 : i32
        %swap3A_156 = arith.index_cast %swap3A : i32 to index
        %swap3A_157 = arith.index_cast %mul3A_147 : i32 to index
        %swap3A_158 = tpu.vector_load %arg8[%swap3A_156, %swap3A_157] {strides = array<i32>} : memref<4x128xi32, #tpu.memory_space<vmem>>, vector<1x16xi32>,
        %swap3A_159 = vector.shape_cast %swap3A_158 : vector<1x16xi32> to vector<16xi32>
        %swap3A_160 = vector.shape_cast %and3A_155 : vector<16xi32> to vector<1x16xi32>
        tpu.vector_store %arg8[%swap3A_156, %swap3A_157], %swap3A_160 {strides = array<i32>} : memref<4x128xi32, #tpu.memory_space<vmem>>, vector<1x16xi32>,
        %shift_right_logical3A = arith.constant 14 : i32
        %shift_right_logical3A_161 = vector.broadcast %shift_right_logical3A : i32 to vector<16xi32>
        %shift_right_logical3A_162 = arith.shrui %get3A_152, %shift_right_logical3A_161 : vector<16xi32>
        %swap3A_163 = arith.constant 1 : i32
        %swap3A_164 = arith.index_cast %swap3A_163 : i32 to index
        %swap3A_165 = arith.index_cast %mul3A_147 : i32 to index
        %swap3A_166 = tpu.vector_load %arg8[%swap3A_164, %swap3A_165] {strides = array<i32>} : memref<4x128xi32, #tpu.memory_space<vmem>>, vector<1x16xi32>,
        %swap3A_167 = vector.shape_cast %swap3A_166 : vector<1x16xi32> to vector<16xi32>
        %swap3A_168 = vector.shape_cast %shift_right_logical3A_162 : vector<16xi32> to vector<1x16xi32>
        tpu.vector_store %arg8[%swap3A_164, %swap3A_165], %swap3A_168 {strides = array<i32>} : memref<4x128xi32, #tpu.memory_space<vmem>>, vector<1x16xi32>,
        %scan3A_169 = arith.constant 0 : i32
        scf.yield %scan3A_169 : i32
      }
      %scan3A_94 = arith.constant 8 : i32
      %eq3A_95 = arith.constant 0 : i32
      %eq3A_96 = arith.cmpi eq, %arg0, %eq3A_95 : i32
      %convert_element_type3A_97 = arith.extui %eq3A_96 : i1 to i32
      %cond3A_98 = arith.constant 0 : i32
      %cond3A_99 = arith.cmpi ne, %convert_element_type3A_97, %cond3A_98 : i32
      scf.if %cond3A_99 {
        %dma_start3A_144 = arith.constant 0 : i32
        %dma_start3A_145 = arith.constant 0 : i32
        %dma_start3A_146 = arith.constant 0 : i32
        %dma_start3A_147 = tpu.memref_slice %arg9[%dma_start3A_145, %dma_start3A_146] : memref<256x128xf32, #tpu.memory_space<vmem>> -> memref<128x128xf32, #tpu.memory_space<vmem>>
        %dma_start3A_148 = arith.constant 0 : i32
        %dma_start3A_149 = tpu.memref_slice %arg8[%dma_start3A_144, %dma_start3A_148] : memref<4x128xi32, #tpu.memory_space<vmem>> -> memref<1x128xi32, #tpu.memory_space<vmem>>
        %dma_start3A_150 = tpu.memref_squeeze %dma_start3A_149 : memref<1x128xi32, #tpu.memory_space<vmem>> -> memref<128xi32, #tpu.memory_space<vmem>>
        %dma_start3A_151 = arith.constant 0 : i32
        %dma_start3A_152 = arith.constant 0 : i32
        %dma_start3A_153 = tpu.memref_slice %arg2[%dma_start3A_151, %dma_start3A_152] : memref<10240x128xf32, #tpu.memory_space<hbm>> -> memref<10240x128xf32, #tpu.memory_space<hbm>>
        tpu.enqueue_indirect_dma source(%dma_start3A_153 : memref<10240x128xf32, #tpu.memory_space<hbm>>) target(%dma_start3A_147 : memref<128x128xf32, #tpu.memory_space<vmem>>) offsets(%dma_start3A_150 : memref<128xi32, #tpu.memory_space<vmem>>) semaphore(%arg10 : memref<!tpu.dma_semaphore, #tpu.memory_space<semaphore_mem>>)
      } else {
      }
      %eq3A_100 = arith.constant 1 : i32
      %eq3A_101 = arith.cmpi eq, %arg0, %eq3A_100 : i32
      %convert_element_type3A_102 = arith.extui %eq3A_101 : i1 to i32
      %cond3A_103 = arith.constant 0 : i32
      %cond3A_104 = arith.cmpi ne, %convert_element_type3A_102, %cond3A_103 : i32
      scf.if %cond3A_104 {
        %dma_start3A_144 = arith.constant 0 : i32
        %dma_start3A_145 = arith.constant 0 : i32
        %dma_start3A_146 = arith.constant 0 : i32
        %dma_start3A_147 = tpu.memref_slice %arg9[%dma_start3A_145, %dma_start3A_146] : memref<256x128xf32, #tpu.memory_space<vmem>> -> memref<128x128xf32, #tpu.memory_space<vmem>>
        %dma_start3A_148 = arith.constant 0 : i32
        %dma_start3A_149 = tpu.memref_slice %arg8[%dma_start3A_144, %dma_start3A_148] : memref<4x128xi32, #tpu.memory_space<vmem>> -> memref<1x128xi32, #tpu.memory_space<vmem>>
        %dma_start3A_150 = tpu.memref_squeeze %dma_start3A_149 : memref<1x128xi32, #tpu.memory_space<vmem>> -> memref<128xi32, #tpu.memory_space<vmem>>
        %dma_start3A_151 = arith.constant 0 : i32
        %dma_start3A_152 = arith.constant 0 : i32
        %dma_start3A_153 = tpu.memref_slice %arg3[%dma_start3A_151, %dma_start3A_152] : memref<10240x128xf32, #tpu.memory_space<hbm>> -> memref<10240x128xf32, #tpu.memory_space<hbm>>
        tpu.enqueue_indirect_dma source(%dma_start3A_153 : memref<10240x128xf32, #tpu.memory_space<hbm>>) target(%dma_start3A_147 : memref<128x128xf32, #tpu.memory_space<vmem>>) offsets(%dma_start3A_150 : memref<128xi32, #tpu.memory_space<vmem>>) semaphore(%arg10 : memref<!tpu.dma_semaphore, #tpu.memory_space<semaphore_mem>>)
      } else {
      }
      %ge3A_105 = arith.constant 1 : i32
      %ge3A_106 = arith.cmpi sge, %add3A_69, %ge3A_105 : i32
      %convert_element_type3A_107 = arith.extui %ge3A_106 : i1 to i32
      %cond3A_108 = arith.constant 0 : i32
      %cond3A_109 = arith.cmpi ne, %convert_element_type3A_107, %cond3A_108 : i32
      scf.if %cond3A_109 {
        %eq3A_144 = arith.constant 0 : i32
        %eq3A_145 = arith.cmpi eq, %arg0, %eq3A_144 : i32
        %convert_element_type3A_146 = arith.extui %eq3A_145 : i1 to i32
        %cond3A_147 = arith.constant 0 : i32
        %cond3A_148 = arith.cmpi ne, %convert_element_type3A_146, %cond3A_147 : i32
        scf.if %cond3A_148 {
          %dma_wait3A_164 = arith.constant 2 : i32
          %dma_wait3A_165 = arith.constant 128 : i32
          %dma_wait3A_166 = arith.constant 0 : i32
          %dma_wait3A_167 = tpu.memref_slice %arg9[%dma_wait3A_165, %dma_wait3A_166] : memref<256x128xf32, #tpu.memory_space<vmem>> -> memref<128x128xf32, #tpu.memory_space<vmem>>
          %dma_wait3A_168 = arith.constant 0 : i32
          %dma_wait3A_169 = tpu.memref_slice %arg8[%dma_wait3A_164, %dma_wait3A_168] : memref<4x128xi32, #tpu.memory_space<vmem>> -> memref<1x128xi32, #tpu.memory_space<vmem>>
          %dma_wait3A_170 = tpu.memref_squeeze %dma_wait3A_169 : memref<1x128xi32, #tpu.memory_space<vmem>> -> memref<128xi32, #tpu.memory_space<vmem>>
          %dma_wait3A_171 = arith.constant 0 : i32
          %dma_wait3A_172 = arith.constant 0 : i32
          %dma_wait3A_173 = tpu.memref_slice %arg2[%dma_wait3A_171, %dma_wait3A_172] : memref<10240x128xf32, #tpu.memory_space<hbm>> -> memref<10240x128xf32, #tpu.memory_space<hbm>>
          tpu.wait_indirect_dma semaphore(%arg11 : memref<!tpu.dma_semaphore, #tpu.memory_space<semaphore_mem>>) src(%dma_wait3A_173 : memref<10240x128xf32, #tpu.memory_space<hbm>>) dst(%dma_wait3A_167 : memref<128x128xf32, #tpu.memory_space<vmem>>)
        } else {
        }
        %eq3A_149 = arith.constant 1 : i32
        %eq3A_150 = arith.cmpi eq, %arg0, %eq3A_149 : i32
        %convert_element_type3A_151 = arith.extui %eq3A_150 : i1 to i32
        %cond3A_152 = arith.constant 0 : i32
        %cond3A_153 = arith.cmpi ne, %convert_element_type3A_151, %cond3A_152 : i32
        scf.if %cond3A_153 {
          %dma_wait3A_164 = arith.constant 2 : i32
          %dma_wait3A_165 = arith.constant 128 : i32
          %dma_wait3A_166 = arith.constant 0 : i32
          %dma_wait3A_167 = tpu.memref_slice %arg9[%dma_wait3A_165, %dma_wait3A_166] : memref<256x128xf32, #tpu.memory_space<vmem>> -> memref<128x128xf32, #tpu.memory_space<vmem>>
          %dma_wait3A_168 = arith.constant 0 : i32
          %dma_wait3A_169 = tpu.memref_slice %arg8[%dma_wait3A_164, %dma_wait3A_168] : memref<4x128xi32, #tpu.memory_space<vmem>> -> memref<1x128xi32, #tpu.memory_space<vmem>>
          %dma_wait3A_170 = tpu.memref_squeeze %dma_wait3A_169 : memref<1x128xi32, #tpu.memory_space<vmem>> -> memref<128xi32, #tpu.memory_space<vmem>>
          %dma_wait3A_171 = arith.constant 0 : i32
          %dma_wait3A_172 = arith.constant 0 : i32
          %dma_wait3A_173 = tpu.memref_slice %arg3[%dma_wait3A_171, %dma_wait3A_172] : memref<10240x128xf32, #tpu.memory_space<hbm>> -> memref<10240x128xf32, #tpu.memory_space<hbm>>
          tpu.wait_indirect_dma semaphore(%arg11 : memref<!tpu.dma_semaphore, #tpu.memory_space<semaphore_mem>>) src(%dma_wait3A_173 : memref<10240x128xf32, #tpu.memory_space<hbm>>) dst(%dma_wait3A_167 : memref<128x128xf32, #tpu.memory_space<vmem>>)
        } else {
        }
        %dma_start3A_154 = arith.constant 3 : i32
        %dma_start3A_155 = arith.constant 128 : i32
        %dma_start3A_156 = arith.constant 0 : i32
        %dma_start3A_157 = tpu.memref_slice %arg9[%dma_start3A_155, %dma_start3A_156] : memref<256x128xf32, #tpu.memory_space<vmem>> -> memref<128x128xf32, #tpu.memory_space<vmem>>
        %dma_start3A_158 = arith.constant 0 : i32
        %dma_start3A_159 = tpu.memref_slice %arg8[%dma_start3A_154, %dma_start3A_158] : memref<4x128xi32, #tpu.memory_space<vmem>> -> memref<1x128xi32, #tpu.memory_space<vmem>>
        %dma_start3A_160 = tpu.memref_squeeze %dma_start3A_159 : memref<1x128xi32, #tpu.memory_space<vmem>> -> memref<128xi32, #tpu.memory_space<vmem>>
        %dma_start3A_161 = arith.constant 0 : i32
        %dma_start3A_162 = arith.constant 0 : i32
        %dma_start3A_163 = tpu.memref_slice %arg14[%dma_start3A_161, %dma_start3A_162] : memref<10240x128xf32, #tpu.memory_space<vmem_shared>> -> memref<10240x128xf32, #tpu.memory_space<vmem_shared>>
        tpu.enqueue_indirect_dma source(%dma_start3A_157 : memref<128x128xf32, #tpu.memory_space<vmem>>) target(%dma_start3A_163 : memref<10240x128xf32, #tpu.memory_space<vmem_shared>>) offsets(%dma_start3A_160 : memref<128xi32, #tpu.memory_space<vmem>>) semaphore(%arg13 : memref<!tpu.dma_semaphore, #tpu.memory_space<semaphore_mem>>) {add = true}
      } else {
      }
      %mul3A_110 = arith.constant 2 : i32
      %mul3A_111 = arith.muli %scan3A_65, %mul3A_110 : i32
      %add3A_112 = arith.constant 1 : i32
      %add3A_113 = arith.addi %mul3A_111, %add3A_112 : i32
      %ge3A_114 = arith.constant 2 : i32
      %ge3A_115 = arith.cmpi sge, %add3A_113, %ge3A_114 : i32
      %convert_element_type3A_116 = arith.extui %ge3A_115 : i1 to i32
      %cond3A_117 = arith.constant 0 : i32
      %cond3A_118 = arith.cmpi ne, %convert_element_type3A_116, %cond3A_117 : i32
      scf.if %cond3A_118 {
        %dma_wait3A_144 = arith.constant 3 : i32
        %dma_wait3A_145 = arith.constant 128 : i32
        %dma_wait3A_146 = arith.constant 0 : i32
        %dma_wait3A_147 = tpu.memref_slice %arg9[%dma_wait3A_145, %dma_wait3A_146] : memref<256x128xf32, #tpu.memory_space<vmem>> -> memref<128x128xf32, #tpu.memory_space<vmem>>
        %dma_wait3A_148 = arith.constant 0 : i32
        %dma_wait3A_149 = tpu.memref_slice %arg8[%dma_wait3A_144, %dma_wait3A_148] : memref<4x128xi32, #tpu.memory_space<vmem>> -> memref<1x128xi32, #tpu.memory_space<vmem>>
        %dma_wait3A_150 = tpu.memref_squeeze %dma_wait3A_149 : memref<1x128xi32, #tpu.memory_space<vmem>> -> memref<128xi32, #tpu.memory_space<vmem>>
        %dma_wait3A_151 = arith.constant 0 : i32
        %dma_wait3A_152 = arith.constant 0 : i32
        %dma_wait3A_153 = tpu.memref_slice %arg14[%dma_wait3A_151, %dma_wait3A_152] : memref<10240x128xf32, #tpu.memory_space<vmem_shared>> -> memref<10240x128xf32, #tpu.memory_space<vmem_shared>>
        tpu.wait_indirect_dma semaphore(%arg13 : memref<!tpu.dma_semaphore, #tpu.memory_space<semaphore_mem>>) src(%dma_wait3A_147 : memref<128x128xf32, #tpu.memory_space<vmem>>) dst(%dma_wait3A_153 : memref<10240x128xf32, #tpu.memory_space<vmem_shared>>)
      } else {
      }
      %and3A_119 = arith.constant 15 : i32
      %and3A_120 = arith.andi %add3A_113, %and3A_119 : i32
      %scan3A_121 = arith.constant 0 : i32
      %scan3A_122 = arith.constant 0 : i32
      %scan3A_123 = arith.constant 8 : i32
      %scan3A_124 = arith.addi %scan3A_122, %scan3A_123 : i32
      %scan3A_125 = arith.constant 1 : i32
      %scan3A_126 = scf.for %scan3A_144 = %scan3A_122 to %scan3A_124 step %scan3A_125 iter_args(%scan3A_145 = %scan3A_121) -> (i32)  : i32 {
        %mul3A_146 = arith.constant 16 : i32
        %mul3A_147 = arith.muli %scan3A_144, %mul3A_146 : i32
        %get3A = arith.constant 0 : i32
        %get3A_148 = tpu.memref_slice %arg7[%and3A_120, %get3A] : memref<16x128xi32, #tpu.memory_space<vmem>> -> memref<1x128xi32, #tpu.memory_space<vmem>>
        %get3A_149 = tpu.memref_squeeze %get3A_148 : memref<1x128xi32, #tpu.memory_space<vmem>> -> memref<128xi32, #tpu.memory_space<vmem>>
        %get3A_150 = arith.index_cast %mul3A_147 : i32 to index
        %get3A_151 = tpu.vector_load %get3A_149[%get3A_150] {strides = array<i32>} : memref<128xi32, #tpu.memory_space<vmem>>, vector<16xi32>,
        %get3A_152 = vector.shape_cast %get3A_151 : vector<16xi32> to vector<16xi32>
        %and3A_153 = arith.constant 16383 : i32
        %and3A_154 = vector.broadcast %and3A_153 : i32 to vector<16xi32>
        %and3A_155 = arith.andi %get3A_152, %and3A_154 : vector<16xi32>
        %swap3A = arith.constant 2 : i32
        %swap3A_156 = arith.index_cast %swap3A : i32 to index
        %swap3A_157 = arith.index_cast %mul3A_147 : i32 to index
        %swap3A_158 = tpu.vector_load %arg8[%swap3A_156, %swap3A_157] {strides = array<i32>} : memref<4x128xi32, #tpu.memory_space<vmem>>, vector<1x16xi32>,
        %swap3A_159 = vector.shape_cast %swap3A_158 : vector<1x16xi32> to vector<16xi32>
        %swap3A_160 = vector.shape_cast %and3A_155 : vector<16xi32> to vector<1x16xi32>
        tpu.vector_store %arg8[%swap3A_156, %swap3A_157], %swap3A_160 {strides = array<i32>} : memref<4x128xi32, #tpu.memory_space<vmem>>, vector<1x16xi32>,
        %shift_right_logical3A = arith.constant 14 : i32
        %shift_right_logical3A_161 = vector.broadcast %shift_right_logical3A : i32 to vector<16xi32>
        %shift_right_logical3A_162 = arith.shrui %get3A_152, %shift_right_logical3A_161 : vector<16xi32>
        %swap3A_163 = arith.constant 3 : i32
        %swap3A_164 = arith.index_cast %swap3A_163 : i32 to index
        %swap3A_165 = arith.index_cast %mul3A_147 : i32 to index
        %swap3A_166 = tpu.vector_load %arg8[%swap3A_164, %swap3A_165] {strides = array<i32>} : memref<4x128xi32, #tpu.memory_space<vmem>>, vector<1x16xi32>,
        %swap3A_167 = vector.shape_cast %swap3A_166 : vector<1x16xi32> to vector<16xi32>
        %swap3A_168 = vector.shape_cast %shift_right_logical3A_162 : vector<16xi32> to vector<1x16xi32>
        tpu.vector_store %arg8[%swap3A_164, %swap3A_165], %swap3A_168 {strides = array<i32>} : memref<4x128xi32, #tpu.memory_space<vmem>>, vector<1x16xi32>,
        %scan3A_169 = arith.constant 0 : i32
        scf.yield %scan3A_169 : i32
      }
      %scan3A_127 = arith.constant 8 : i32
      %eq3A_128 = arith.constant 0 : i32
      %eq3A_129 = arith.cmpi eq, %arg0, %eq3A_128 : i32
      %convert_element_type3A_130 = arith.extui %eq3A_129 : i1 to i32
      %cond3A_131 = arith.constant 0 : i32
      %cond3A_132 = arith.cmpi ne, %convert_element_type3A_130, %cond3A_131 : i32
      scf.if %cond3A_132 {
        %dma_start3A_144 = arith.constant 2 : i32
        %dma_start3A_145 = arith.constant 128 : i32
        %dma_start3A_146 = arith.constant 0 : i32
        %dma_start3A_147 = tpu.memref_slice %arg9[%dma_start3A_145, %dma_start3A_146] : memref<256x128xf32, #tpu.memory_space<vmem>> -> memref<128x128xf32, #tpu.memory_space<vmem>>
        %dma_start3A_148 = arith.constant 0 : i32
        %dma_start3A_149 = tpu.memref_slice %arg8[%dma_start3A_144, %dma_start3A_148] : memref<4x128xi32, #tpu.memory_space<vmem>> -> memref<1x128xi32, #tpu.memory_space<vmem>>
        %dma_start3A_150 = tpu.memref_squeeze %dma_start3A_149 : memref<1x128xi32, #tpu.memory_space<vmem>> -> memref<128xi32, #tpu.memory_space<vmem>>
        %dma_start3A_151 = arith.constant 0 : i32
        %dma_start3A_152 = arith.constant 0 : i32
        %dma_start3A_153 = tpu.memref_slice %arg2[%dma_start3A_151, %dma_start3A_152] : memref<10240x128xf32, #tpu.memory_space<hbm>> -> memref<10240x128xf32, #tpu.memory_space<hbm>>
        tpu.enqueue_indirect_dma source(%dma_start3A_153 : memref<10240x128xf32, #tpu.memory_space<hbm>>) target(%dma_start3A_147 : memref<128x128xf32, #tpu.memory_space<vmem>>) offsets(%dma_start3A_150 : memref<128xi32, #tpu.memory_space<vmem>>) semaphore(%arg11 : memref<!tpu.dma_semaphore, #tpu.memory_space<semaphore_mem>>)
      } else {
      }
      %eq3A_133 = arith.constant 1 : i32
      %eq3A_134 = arith.cmpi eq, %arg0, %eq3A_133 : i32
      %convert_element_type3A_135 = arith.extui %eq3A_134 : i1 to i32
      %cond3A_136 = arith.constant 0 : i32
      %cond3A_137 = arith.cmpi ne, %convert_element_type3A_135, %cond3A_136 : i32
      scf.if %cond3A_137 {
        %dma_start3A_144 = arith.constant 2 : i32
        %dma_start3A_145 = arith.constant 128 : i32
        %dma_start3A_146 = arith.constant 0 : i32
        %dma_start3A_147 = tpu.memref_slice %arg9[%dma_start3A_145, %dma_start3A_146] : memref<256x128xf32, #tpu.memory_space<vmem>> -> memref<128x128xf32, #tpu.memory_space<vmem>>
        %dma_start3A_148 = arith.constant 0 : i32
        %dma_start3A_149 = tpu.memref_slice %arg8[%dma_start3A_144, %dma_start3A_148] : memref<4x128xi32, #tpu.memory_space<vmem>> -> memref<1x128xi32, #tpu.memory_space<vmem>>
        %dma_start3A_150 = tpu.memref_squeeze %dma_start3A_149 : memref<1x128xi32, #tpu.memory_space<vmem>> -> memref<128xi32, #tpu.memory_space<vmem>>
        %dma_start3A_151 = arith.constant 0 : i32
        %dma_start3A_152 = arith.constant 0 : i32
        %dma_start3A_153 = tpu.memref_slice %arg3[%dma_start3A_151, %dma_start3A_152] : memref<10240x128xf32, #tpu.memory_space<hbm>> -> memref<10240x128xf32, #tpu.memory_space<hbm>>
        tpu.enqueue_indirect_dma source(%dma_start3A_153 : memref<10240x128xf32, #tpu.memory_space<hbm>>) target(%dma_start3A_147 : memref<128x128xf32, #tpu.memory_space<vmem>>) offsets(%dma_start3A_150 : memref<128xi32, #tpu.memory_space<vmem>>) semaphore(%arg11 : memref<!tpu.dma_semaphore, #tpu.memory_space<semaphore_mem>>)
      } else {
      }
      %ge3A_138 = arith.constant 1 : i32
      %ge3A_139 = arith.cmpi sge, %add3A_113, %ge3A_138 : i32
      %convert_element_type3A_140 = arith.extui %ge3A_139 : i1 to i32
      %cond3A_141 = arith.constant 0 : i32
      %cond3A_142 = arith.cmpi ne, %convert_element_type3A_140, %cond3A_141 : i32
      scf.if %cond3A_142 {
        %eq3A_144 = arith.constant 0 : i32
        %eq3A_145 = arith.cmpi eq, %arg0, %eq3A_144 : i32
        %convert_element_type3A_146 = arith.extui %eq3A_145 : i1 to i32
        %cond3A_147 = arith.constant 0 : i32
        %cond3A_148 = arith.cmpi ne, %convert_element_type3A_146, %cond3A_147 : i32
        scf.if %cond3A_148 {
          %dma_wait3A_164 = arith.constant 0 : i32
          %dma_wait3A_165 = arith.constant 0 : i32
          %dma_wait3A_166 = arith.constant 0 : i32
          %dma_wait3A_167 = tpu.memref_slice %arg9[%dma_wait3A_165, %dma_wait3A_166] : memref<256x128xf32, #tpu.memory_space<vmem>> -> memref<128x128xf32, #tpu.memory_space<vmem>>
          %dma_wait3A_168 = arith.constant 0 : i32
          %dma_wait3A_169 = tpu.memref_slice %arg8[%dma_wait3A_164, %dma_wait3A_168] : memref<4x128xi32, #tpu.memory_space<vmem>> -> memref<1x128xi32, #tpu.memory_space<vmem>>
          %dma_wait3A_170 = tpu.memref_squeeze %dma_wait3A_169 : memref<1x128xi32, #tpu.memory_space<vmem>> -> memref<128xi32, #tpu.memory_space<vmem>>
          %dma_wait3A_171 = arith.constant 0 : i32
          %dma_wait3A_172 = arith.constant 0 : i32
          %dma_wait3A_173 = tpu.memref_slice %arg2[%dma_wait3A_171, %dma_wait3A_172] : memref<10240x128xf32, #tpu.memory_space<hbm>> -> memref<10240x128xf32, #tpu.memory_space<hbm>>
          tpu.wait_indirect_dma semaphore(%arg10 : memref<!tpu.dma_semaphore, #tpu.memory_space<semaphore_mem>>) src(%dma_wait3A_173 : memref<10240x128xf32, #tpu.memory_space<hbm>>) dst(%dma_wait3A_167 : memref<128x128xf32, #tpu.memory_space<vmem>>)
        } else {
        }
        %eq3A_149 = arith.constant 1 : i32
        %eq3A_150 = arith.cmpi eq, %arg0, %eq3A_149 : i32
        %convert_element_type3A_151 = arith.extui %eq3A_150 : i1 to i32
        %cond3A_152 = arith.constant 0 : i32
        %cond3A_153 = arith.cmpi ne, %convert_element_type3A_151, %cond3A_152 : i32
        scf.if %cond3A_153 {
          %dma_wait3A_164 = arith.constant 0 : i32
          %dma_wait3A_165 = arith.constant 0 : i32
          %dma_wait3A_166 = arith.constant 0 : i32
          %dma_wait3A_167 = tpu.memref_slice %arg9[%dma_wait3A_165, %dma_wait3A_166] : memref<256x128xf32, #tpu.memory_space<vmem>> -> memref<128x128xf32, #tpu.memory_space<vmem>>
          %dma_wait3A_168 = arith.constant 0 : i32
          %dma_wait3A_169 = tpu.memref_slice %arg8[%dma_wait3A_164, %dma_wait3A_168] : memref<4x128xi32, #tpu.memory_space<vmem>> -> memref<1x128xi32, #tpu.memory_space<vmem>>
          %dma_wait3A_170 = tpu.memref_squeeze %dma_wait3A_169 : memref<1x128xi32, #tpu.memory_space<vmem>> -> memref<128xi32, #tpu.memory_space<vmem>>
          %dma_wait3A_171 = arith.constant 0 : i32
          %dma_wait3A_172 = arith.constant 0 : i32
          %dma_wait3A_173 = tpu.memref_slice %arg3[%dma_wait3A_171, %dma_wait3A_172] : memref<10240x128xf32, #tpu.memory_space<hbm>> -> memref<10240x128xf32, #tpu.memory_space<hbm>>
          tpu.wait_indirect_dma semaphore(%arg10 : memref<!tpu.dma_semaphore, #tpu.memory_space<semaphore_mem>>) src(%dma_wait3A_173 : memref<10240x128xf32, #tpu.memory_space<hbm>>) dst(%dma_wait3A_167 : memref<128x128xf32, #tpu.memory_space<vmem>>)
        } else {
        }
        %dma_start3A_154 = arith.constant 1 : i32
        %dma_start3A_155 = arith.constant 0 : i32
        %dma_start3A_156 = arith.constant 0 : i32
        %dma_start3A_157 = tpu.memref_slice %arg9[%dma_start3A_155, %dma_start3A_156] : memref<256x128xf32, #tpu.memory_space<vmem>> -> memref<128x128xf32, #tpu.memory_space<vmem>>
        %dma_start3A_158 = arith.constant 0 : i32
        %dma_start3A_159 = tpu.memref_slice %arg8[%dma_start3A_154, %dma_start3A_158] : memref<4x128xi32, #tpu.memory_space<vmem>> -> memref<1x128xi32, #tpu.memory_space<vmem>>
        %dma_start3A_160 = tpu.memref_squeeze %dma_start3A_159 : memref<1x128xi32, #tpu.memory_space<vmem>> -> memref<128xi32, #tpu.memory_space<vmem>>
        %dma_start3A_161 = arith.constant 0 : i32
        %dma_start3A_162 = arith.constant 0 : i32
        %dma_start3A_163 = tpu.memref_slice %arg14[%dma_start3A_161, %dma_start3A_162] : memref<10240x128xf32, #tpu.memory_space<vmem_shared>> -> memref<10240x128xf32, #tpu.memory_space<vmem_shared>>
        tpu.enqueue_indirect_dma source(%dma_start3A_157 : memref<128x128xf32, #tpu.memory_space<vmem>>) target(%dma_start3A_163 : memref<10240x128xf32, #tpu.memory_space<vmem_shared>>) offsets(%dma_start3A_160 : memref<128xi32, #tpu.memory_space<vmem>>) semaphore(%arg12 : memref<!tpu.dma_semaphore, #tpu.memory_space<semaphore_mem>>) {add = true}
      } else {
      }
      %scan3A_143 = arith.constant 0 : i32
      scf.yield %scan3A_143 : i32
    }
    %scan3A_15 = arith.constant 40 : i32
    %eq3A_16 = arith.constant 0 : i32
    %eq3A_17 = arith.cmpi eq, %arg0, %eq3A_16 : i32
    %convert_element_type3A_18 = arith.extui %eq3A_17 : i1 to i32
    %cond3A_19 = arith.constant 0 : i32
    %cond3A_20 = arith.cmpi ne, %convert_element_type3A_18, %cond3A_19 : i32
    scf.if %cond3A_20 {
      %dma_wait3A_65 = arith.constant 2 : i32
      %dma_wait3A_66 = arith.constant 128 : i32
      %dma_wait3A_67 = arith.constant 0 : i32
      %dma_wait3A_68 = tpu.memref_slice %arg9[%dma_wait3A_66, %dma_wait3A_67] : memref<256x128xf32, #tpu.memory_space<vmem>> -> memref<128x128xf32, #tpu.memory_space<vmem>>
      %dma_wait3A_69 = arith.constant 0 : i32
      %dma_wait3A_70 = tpu.memref_slice %arg8[%dma_wait3A_65, %dma_wait3A_69] : memref<4x128xi32, #tpu.memory_space<vmem>> -> memref<1x128xi32, #tpu.memory_space<vmem>>
      %dma_wait3A_71 = tpu.memref_squeeze %dma_wait3A_70 : memref<1x128xi32, #tpu.memory_space<vmem>> -> memref<128xi32, #tpu.memory_space<vmem>>
      %dma_wait3A_72 = arith.constant 0 : i32
      %dma_wait3A_73 = arith.constant 0 : i32
      %dma_wait3A_74 = tpu.memref_slice %arg2[%dma_wait3A_72, %dma_wait3A_73] : memref<10240x128xf32, #tpu.memory_space<hbm>> -> memref<10240x128xf32, #tpu.memory_space<hbm>>
      tpu.wait_indirect_dma semaphore(%arg11 : memref<!tpu.dma_semaphore, #tpu.memory_space<semaphore_mem>>) src(%dma_wait3A_74 : memref<10240x128xf32, #tpu.memory_space<hbm>>) dst(%dma_wait3A_68 : memref<128x128xf32, #tpu.memory_space<vmem>>)
    } else {
    }
    %eq3A_21 = arith.constant 1 : i32
    %eq3A_22 = arith.cmpi eq, %arg0, %eq3A_21 : i32
    %convert_element_type3A_23 = arith.extui %eq3A_22 : i1 to i32
    %cond3A_24 = arith.constant 0 : i32
    %cond3A_25 = arith.cmpi ne, %convert_element_type3A_23, %cond3A_24 : i32
    scf.if %cond3A_25 {
      %dma_wait3A_65 = arith.constant 2 : i32
      %dma_wait3A_66 = arith.constant 128 : i32
      %dma_wait3A_67 = arith.constant 0 : i32
      %dma_wait3A_68 = tpu.memref_slice %arg9[%dma_wait3A_66, %dma_wait3A_67] : memref<256x128xf32, #tpu.memory_space<vmem>> -> memref<128x128xf32, #tpu.memory_space<vmem>>
      %dma_wait3A_69 = arith.constant 0 : i32
      %dma_wait3A_70 = tpu.memref_slice %arg8[%dma_wait3A_65, %dma_wait3A_69] : memref<4x128xi32, #tpu.memory_space<vmem>> -> memref<1x128xi32, #tpu.memory_space<vmem>>
      %dma_wait3A_71 = tpu.memref_squeeze %dma_wait3A_70 : memref<1x128xi32, #tpu.memory_space<vmem>> -> memref<128xi32, #tpu.memory_space<vmem>>
      %dma_wait3A_72 = arith.constant 0 : i32
      %dma_wait3A_73 = arith.constant 0 : i32
      %dma_wait3A_74 = tpu.memref_slice %arg3[%dma_wait3A_72, %dma_wait3A_73] : memref<10240x128xf32, #tpu.memory_space<hbm>> -> memref<10240x128xf32, #tpu.memory_space<hbm>>
      tpu.wait_indirect_dma semaphore(%arg11 : memref<!tpu.dma_semaphore, #tpu.memory_space<semaphore_mem>>) src(%dma_wait3A_74 : memref<10240x128xf32, #tpu.memory_space<hbm>>) dst(%dma_wait3A_68 : memref<128x128xf32, #tpu.memory_space<vmem>>)
    } else {
    }
    %dma_start3A = arith.constant 3 : i32
    %dma_start3A_26 = arith.constant 128 : i32
    %dma_start3A_27 = arith.constant 0 : i32
    %dma_start3A_28 = tpu.memref_slice %arg9[%dma_start3A_26, %dma_start3A_27] : memref<256x128xf32, #tpu.memory_space<vmem>> -> memref<128x128xf32, #tpu.memory_space<vmem>>
    %dma_start3A_29 = arith.constant 0 : i32
    %dma_start3A_30 = tpu.memref_slice %arg8[%dma_start3A, %dma_start3A_29] : memref<4x128xi32, #tpu.memory_space<vmem>> -> memref<1x128xi32, #tpu.memory_space<vmem>>
    %dma_start3A_31 = tpu.memref_squeeze %dma_start3A_30 : memref<1x128xi32, #tpu.memory_space<vmem>> -> memref<128xi32, #tpu.memory_space<vmem>>
    %dma_start3A_32 = arith.constant 0 : i32
    %dma_start3A_33 = arith.constant 0 : i32
    %dma_start3A_34 = tpu.memref_slice %arg14[%dma_start3A_32, %dma_start3A_33] : memref<10240x128xf32, #tpu.memory_space<vmem_shared>> -> memref<10240x128xf32, #tpu.memory_space<vmem_shared>>
    tpu.enqueue_indirect_dma source(%dma_start3A_28 : memref<128x128xf32, #tpu.memory_space<vmem>>) target(%dma_start3A_34 : memref<10240x128xf32, #tpu.memory_space<vmem_shared>>) offsets(%dma_start3A_31 : memref<128xi32, #tpu.memory_space<vmem>>) semaphore(%arg13 : memref<!tpu.dma_semaphore, #tpu.memory_space<semaphore_mem>>) {add = true}
    %dma_wait3A = arith.constant 1 : i32
    %dma_wait3A_35 = arith.constant 0 : i32
    %dma_wait3A_36 = arith.constant 0 : i32
    %dma_wait3A_37 = tpu.memref_slice %arg9[%dma_wait3A_35, %dma_wait3A_36] : memref<256x128xf32, #tpu.memory_space<vmem>> -> memref<128x128xf32, #tpu.memory_space<vmem>>
    %dma_wait3A_38 = arith.constant 0 : i32
    %dma_wait3A_39 = tpu.memref_slice %arg8[%dma_wait3A, %dma_wait3A_38] : memref<4x128xi32, #tpu.memory_space<vmem>> -> memref<1x128xi32, #tpu.memory_space<vmem>>
    %dma_wait3A_40 = tpu.memref_squeeze %dma_wait3A_39 : memref<1x128xi32, #tpu.memory_space<vmem>> -> memref<128xi32, #tpu.memory_space<vmem>>
    %dma_wait3A_41 = arith.constant 0 : i32
    %dma_wait3A_42 = arith.constant 0 : i32
    %dma_wait3A_43 = tpu.memref_slice %arg14[%dma_wait3A_41, %dma_wait3A_42] : memref<10240x128xf32, #tpu.memory_space<vmem_shared>> -> memref<10240x128xf32, #tpu.memory_space<vmem_shared>>
    tpu.wait_indirect_dma semaphore(%arg12 : memref<!tpu.dma_semaphore, #tpu.memory_space<semaphore_mem>>) src(%dma_wait3A_37 : memref<128x128xf32, #tpu.memory_space<vmem>>) dst(%dma_wait3A_43 : memref<10240x128xf32, #tpu.memory_space<vmem_shared>>)
    %dma_wait3A_44 = arith.constant 3 : i32
    %dma_wait3A_45 = arith.constant 128 : i32
    %dma_wait3A_46 = arith.constant 0 : i32
    %dma_wait3A_47 = tpu.memref_slice %arg9[%dma_wait3A_45, %dma_wait3A_46] : memref<256x128xf32, #tpu.memory_space<vmem>> -> memref<128x128xf32, #tpu.memory_space<vmem>>
    %dma_wait3A_48 = arith.constant 0 : i32
    %dma_wait3A_49 = tpu.memref_slice %arg8[%dma_wait3A_44, %dma_wait3A_48] : memref<4x128xi32, #tpu.memory_space<vmem>> -> memref<1x128xi32, #tpu.memory_space<vmem>>
    %dma_wait3A_50 = tpu.memref_squeeze %dma_wait3A_49 : memref<1x128xi32, #tpu.memory_space<vmem>> -> memref<128xi32, #tpu.memory_space<vmem>>
    %dma_wait3A_51 = arith.constant 0 : i32
    %dma_wait3A_52 = arith.constant 0 : i32
    %dma_wait3A_53 = tpu.memref_slice %arg14[%dma_wait3A_51, %dma_wait3A_52] : memref<10240x128xf32, #tpu.memory_space<vmem_shared>> -> memref<10240x128xf32, #tpu.memory_space<vmem_shared>>
    tpu.wait_indirect_dma semaphore(%arg13 : memref<!tpu.dma_semaphore, #tpu.memory_space<semaphore_mem>>) src(%dma_wait3A_47 : memref<128x128xf32, #tpu.memory_space<vmem>>) dst(%dma_wait3A_53 : memref<10240x128xf32, #tpu.memory_space<vmem_shared>>)
    %barrier3A_54 = arith.constant 0 : index
    tpu.barrier barrier_id(%barrier3A_54)
    %eq3A_55 = arith.constant 0 : i32
    %eq3A_56 = arith.cmpi eq, %arg0, %eq3A_55 : i32
    %convert_element_type3A_57 = arith.extui %eq3A_56 : i1 to i32
    %cond3A_58 = arith.constant 0 : i32
    %cond3A_59 = arith.cmpi ne, %convert_element_type3A_57, %cond3A_58 : i32
    scf.if %cond3A_59 {
      "tpu.region"() ({
        %run_scoped3A = tpu.sem_alloc : memref<!tpu.dma_semaphore, #tpu.memory_space<semaphore_mem>>
        %dma_start3A_65 = arith.constant 0 : i32
        %dma_start3A_66 = tpu.memref_slice %arg5[%mul3A_0, %dma_start3A_65] : memref<10240x128xf32, #tpu.memory_space<hbm>> -> memref<640x128xf32, #tpu.memory_space<hbm>>
        %dma_start3A_67 = arith.constant 0 : i32
        %dma_start3A_68 = tpu.memref_slice %arg14[%mul3A_0, %dma_start3A_67] : memref<10240x128xf32, #tpu.memory_space<vmem_shared>> -> memref<640x128xf32, #tpu.memory_space<vmem_shared>>
        tpu.enqueue_dma source(%dma_start3A_68 : memref<640x128xf32, #tpu.memory_space<vmem_shared>>) target(%dma_start3A_66 : memref<640x128xf32, #tpu.memory_space<hbm>>) target_semaphore(%run_scoped3A : memref<!tpu.dma_semaphore, #tpu.memory_space<semaphore_mem>>)
        %dma_wait3A_69 = arith.constant 0 : i32
        %dma_wait3A_70 = tpu.memref_slice %arg5[%mul3A_0, %dma_wait3A_69] : memref<10240x128xf32, #tpu.memory_space<hbm>> -> memref<640x128xf32, #tpu.memory_space<hbm>>
        %dma_wait3A_71 = arith.constant 0 : i32
        %dma_wait3A_72 = tpu.memref_slice %arg14[%mul3A_0, %dma_wait3A_71] : memref<10240x128xf32, #tpu.memory_space<vmem_shared>> -> memref<640x128xf32, #tpu.memory_space<vmem_shared>>
        tpu.wait_dma2 semaphore(%run_scoped3A : memref<!tpu.dma_semaphore, #tpu.memory_space<semaphore_mem>>) src(%dma_wait3A_72 : memref<640x128xf32, #tpu.memory_space<vmem_shared>>) dst(%dma_wait3A_70 : memref<640x128xf32, #tpu.memory_space<hbm>>)
        tpu.yield
      }) : () -> ()
    } else {
    }
    %eq3A_60 = arith.constant 1 : i32
    %eq3A_61 = arith.cmpi eq, %arg0, %eq3A_60 : i32
    %convert_element_type3A_62 = arith.extui %eq3A_61 : i1 to i32
    %cond3A_63 = arith.constant 0 : i32
    %cond3A_64 = arith.cmpi ne, %convert_element_type3A_62, %cond3A_63 : i32
    scf.if %cond3A_64 {
      "tpu.region"() ({
        %run_scoped3A = tpu.sem_alloc : memref<!tpu.dma_semaphore, #tpu.memory_space<semaphore_mem>>
        %dma_start3A_65 = arith.constant 0 : i32
        %dma_start3A_66 = tpu.memref_slice %arg6[%mul3A_0, %dma_start3A_65] : memref<10240x128xf32, #tpu.memory_space<hbm>> -> memref<640x128xf32, #tpu.memory_space<hbm>>
        %dma_start3A_67 = arith.constant 0 : i32
        %dma_start3A_68 = tpu.memref_slice %arg14[%mul3A_0, %dma_start3A_67] : memref<10240x128xf32, #tpu.memory_space<vmem_shared>> -> memref<640x128xf32, #tpu.memory_space<vmem_shared>>
        tpu.enqueue_dma source(%dma_start3A_68 : memref<640x128xf32, #tpu.memory_space<vmem_shared>>) target(%dma_start3A_66 : memref<640x128xf32, #tpu.memory_space<hbm>>) target_semaphore(%run_scoped3A : memref<!tpu.dma_semaphore, #tpu.memory_space<semaphore_mem>>)
        %dma_wait3A_69 = arith.constant 0 : i32
        %dma_wait3A_70 = tpu.memref_slice %arg6[%mul3A_0, %dma_wait3A_69] : memref<10240x128xf32, #tpu.memory_space<hbm>> -> memref<640x128xf32, #tpu.memory_space<hbm>>
        %dma_wait3A_71 = arith.constant 0 : i32
        %dma_wait3A_72 = tpu.memref_slice %arg14[%mul3A_0, %dma_wait3A_71] : memref<10240x128xf32, #tpu.memory_space<vmem_shared>> -> memref<640x128xf32, #tpu.memory_space<vmem_shared>>
        tpu.wait_dma2 semaphore(%run_scoped3A : memref<!tpu.dma_semaphore, #tpu.memory_space<semaphore_mem>>) src(%dma_wait3A_72 : memref<640x128xf32, #tpu.memory_space<vmem_shared>>) dst(%dma_wait3A_70 : memref<640x128xf32, #tpu.memory_space<hbm>>)
        tpu.yield
      }) : () -> ()
    } else {
    }
    return
  }
}

#map = affine_map<(d0, d1) -> (0, 0)>
module attributes {stable_mosaic.version = 14 : i64} {
  func.func @_agg_call(%arg0: i32, %arg1: i32, %arg2: memref<10240x128xf32, #tpu.memory_space<hbm>>, %arg3: memref<10240x128xf32, #tpu.memory_space<hbm>>, %arg4: memref<1280x128xi32, #tpu.memory_space<hbm>>, %arg5: memref<10240x128xf32, #tpu.memory_space<hbm>>, %arg6: memref<10240x128xf32, #tpu.memory_space<hbm>>, %arg7: memref<16x128xi32, #tpu.memory_space<vmem>>, %arg8: memref<4x128xi32, #tpu.memory_space<vmem>>, %arg9: memref<256x128xf32, #tpu.memory_space<vmem>>, %arg10: memref<!tpu.dma_semaphore, #tpu.memory_space<semaphore_mem>>, %arg11: memref<!tpu.dma_semaphore, #tpu.memory_space<semaphore_mem>>, %arg12: memref<!tpu.dma_semaphore, #tpu.memory_space<semaphore_mem>>, %arg13: memref<!tpu.dma_semaphore, #tpu.memory_space<semaphore_mem>>, %arg14: memref<10240x128xf32, #tpu.memory_space<vmem_shared>>) attributes {dimension_semantics = [#tpu.dimension_semantics<core_parallel>, #tpu.dimension_semantics<subcore_parallel>], iteration_bounds = array<i64: 2, 16>, scalar_prefetch = 0 : i64, scratch_operands = 8 : i64, tpu.core_type = #tpu.core_type<sc_vector_subcore>, window_params = [{transform_indices = #map}, {transform_indices = #map}, {transform_indices = #map}, {transform_indices = #map}, {transform_indices = #map}]} {
    %mul3A = arith.constant 640 : i32
    %mul3A_0 = arith.muli %arg1, %mul3A : i32
    %eq3A = arith.constant 0 : i32
    %eq3A_1 = arith.cmpi eq, %arg0, %eq3A : i32
    %convert_element_type3A = arith.extui %eq3A_1 : i1 to i32
    %cond3A = arith.constant 0 : i32
    %cond3A_2 = arith.cmpi ne, %convert_element_type3A, %cond3A : i32
    scf.if %cond3A_2 {
      "tpu.region"() ({
        %run_scoped3A = tpu.sem_alloc : memref<!tpu.dma_semaphore, #tpu.memory_space<semaphore_mem>>
        %dma_start3A_65 = arith.constant 0 : i32
        %dma_start3A_66 = tpu.memref_slice %arg14[%mul3A_0, %dma_start3A_65] : memref<10240x128xf32, #tpu.memory_space<vmem_shared>> -> memref<640x128xf32, #tpu.memory_space<vmem_shared>>
        %dma_start3A_67 = arith.constant 0 : i32
        %dma_start3A_68 = tpu.memref_slice %arg2[%mul3A_0, %dma_start3A_67] : memref<10240x128xf32, #tpu.memory_space<hbm>> -> memref<640x128xf32, #tpu.memory_space<hbm>>
        tpu.enqueue_dma source(%dma_start3A_68 : memref<640x128xf32, #tpu.memory_space<hbm>>) target(%dma_start3A_66 : memref<640x128xf32, #tpu.memory_space<vmem_shared>>) target_semaphore(%run_scoped3A : memref<!tpu.dma_semaphore, #tpu.memory_space<semaphore_mem>>)
        %dma_wait3A_69 = arith.constant 0 : i32
        %dma_wait3A_70 = tpu.memref_slice %arg14[%mul3A_0, %dma_wait3A_69] : memref<10240x128xf32, #tpu.memory_space<vmem_shared>> -> memref<640x128xf32, #tpu.memory_space<vmem_shared>>
        %dma_wait3A_71 = arith.constant 0 : i32
        %dma_wait3A_72 = tpu.memref_slice %arg2[%mul3A_0, %dma_wait3A_71] : memref<10240x128xf32, #tpu.memory_space<hbm>> -> memref<640x128xf32, #tpu.memory_space<hbm>>
        tpu.wait_dma2 semaphore(%run_scoped3A : memref<!tpu.dma_semaphore, #tpu.memory_space<semaphore_mem>>) src(%dma_wait3A_72 : memref<640x128xf32, #tpu.memory_space<hbm>>) dst(%dma_wait3A_70 : memref<640x128xf32, #tpu.memory_space<vmem_shared>>)
        tpu.yield
      }) : () -> ()
    } else {
    }
    %eq3A_3 = arith.constant 1 : i32
    %eq3A_4 = arith.cmpi eq, %arg0, %eq3A_3 : i32
    %convert_element_type3A_5 = arith.extui %eq3A_4 : i1 to i32
    %cond3A_6 = arith.constant 0 : i32
    %cond3A_7 = arith.cmpi ne, %convert_element_type3A_5, %cond3A_6 : i32
    scf.if %cond3A_7 {
      "tpu.region"() ({
        %run_scoped3A = tpu.sem_alloc : memref<!tpu.dma_semaphore, #tpu.memory_space<semaphore_mem>>
        %dma_start3A_65 = arith.constant 0 : i32
        %dma_start3A_66 = tpu.memref_slice %arg14[%mul3A_0, %dma_start3A_65] : memref<10240x128xf32, #tpu.memory_space<vmem_shared>> -> memref<640x128xf32, #tpu.memory_space<vmem_shared>>
        %dma_start3A_67 = arith.constant 0 : i32
        %dma_start3A_68 = tpu.memref_slice %arg3[%mul3A_0, %dma_start3A_67] : memref<10240x128xf32, #tpu.memory_space<hbm>> -> memref<640x128xf32, #tpu.memory_space<hbm>>
        tpu.enqueue_dma source(%dma_start3A_68 : memref<640x128xf32, #tpu.memory_space<hbm>>) target(%dma_start3A_66 : memref<640x128xf32, #tpu.memory_space<vmem_shared>>) target_semaphore(%run_scoped3A : memref<!tpu.dma_semaphore, #tpu.memory_space<semaphore_mem>>)
        %dma_wait3A_69 = arith.constant 0 : i32
        %dma_wait3A_70 = tpu.memref_slice %arg14[%mul3A_0, %dma_wait3A_69] : memref<10240x128xf32, #tpu.memory_space<vmem_shared>> -> memref<640x128xf32, #tpu.memory_space<vmem_shared>>
        %dma_wait3A_71 = arith.constant 0 : i32
        %dma_wait3A_72 = tpu.memref_slice %arg3[%mul3A_0, %dma_wait3A_71] : memref<10240x128xf32, #tpu.memory_space<hbm>> -> memref<640x128xf32, #tpu.memory_space<hbm>>
        tpu.wait_dma2 semaphore(%run_scoped3A : memref<!tpu.dma_semaphore, #tpu.memory_space<semaphore_mem>>) src(%dma_wait3A_72 : memref<640x128xf32, #tpu.memory_space<hbm>>) dst(%dma_wait3A_70 : memref<640x128xf32, #tpu.memory_space<vmem_shared>>)
        tpu.yield
      }) : () -> ()
    } else {
    }
    %mul3A_8 = arith.constant 80 : i32
    %mul3A_9 = arith.muli %arg1, %mul3A_8 : i32
    "tpu.region"() ({
      %run_scoped3A = tpu.sem_alloc : memref<!tpu.dma_semaphore, #tpu.memory_space<semaphore_mem>>
      %dma_start3A_65 = arith.constant 0 : i32
      %dma_start3A_66 = tpu.memref_slice %arg4[%mul3A_9, %dma_start3A_65] : memref<1280x128xi32, #tpu.memory_space<hbm>> -> memref<16x128xi32, #tpu.memory_space<hbm>>
      %dma_start3A_67 = arith.constant 0 : i32
      %dma_start3A_68 = tpu.memref_slice %arg4[%mul3A_9, %dma_start3A_67] : memref<1280x128xi32, #tpu.memory_space<hbm>> -> memref<16x128xi32, #tpu.memory_space<hbm>>
      tpu.enqueue_dma source(%dma_start3A_68 : memref<16x128xi32, #tpu.memory_space<hbm>>) target(%arg7 : memref<16x128xi32, #tpu.memory_space<vmem>>) target_semaphore(%run_scoped3A : memref<!tpu.dma_semaphore, #tpu.memory_space<semaphore_mem>>)
      %dma_wait3A_69 = arith.constant 0 : i32
      %dma_wait3A_70 = tpu.memref_slice %arg4[%mul3A_9, %dma_wait3A_69] : memref<1280x128xi32, #tpu.memory_space<hbm>> -> memref<16x128xi32, #tpu.memory_space<hbm>>
      %dma_wait3A_71 = arith.constant 0 : i32
      %dma_wait3A_72 = tpu.memref_slice %arg4[%mul3A_9, %dma_wait3A_71] : memref<1280x128xi32, #tpu.memory_space<hbm>> -> memref<16x128xi32, #tpu.memory_space<hbm>>
      tpu.wait_dma2 semaphore(%run_scoped3A : memref<!tpu.dma_semaphore, #tpu.memory_space<semaphore_mem>>) src(%dma_wait3A_72 : memref<16x128xi32, #tpu.memory_space<hbm>>) dst(%arg7 : memref<16x128xi32, #tpu.memory_space<vmem>>)
      tpu.yield
    }) : () -> ()
    %barrier3A = arith.constant 0 : index
    tpu.barrier barrier_id(%barrier3A)
    %scan3A = arith.constant 0 : i32
    %scan3A_10 = arith.constant 0 : i32
    %scan3A_11 = arith.constant 40 : i32
    %scan3A_12 = arith.addi %scan3A_10, %scan3A_11 : i32
    %scan3A_13 = arith.constant 1 : i32
    %scan3A_14 = scf.for %scan3A_65 = %scan3A_10 to %scan3A_12 step %scan3A_13 iter_args(%scan3A_66 = %scan3A) -> (i32)  : i32 {
      %mul3A_67 = arith.constant 2 : i32
      %mul3A_68 = arith.muli %scan3A_65, %mul3A_67 : i32
      %add3A = arith.constant 0 : i32
      %add3A_69 = arith.addi %mul3A_68, %add3A : i32
      %eq3A_70 = arith.constant 8 : i32
      %eq3A_71 = arith.cmpi eq, %scan3A_65, %eq3A_70 : i32
      %eq3A_72 = arith.constant 16 : i32
      %eq3A_73 = arith.cmpi eq, %scan3A_65, %eq3A_72 : i32
      %or3A = arith.ori %eq3A_71, %eq3A_73 : i1
      %eq3A_74 = arith.constant 24 : i32
      %eq3A_75 = arith.cmpi eq, %scan3A_65, %eq3A_74 : i32
      %or3A_76 = arith.ori %or3A, %eq3A_75 : i1
      %eq3A_77 = arith.constant 32 : i32
      %eq3A_78 = arith.cmpi eq, %scan3A_65, %eq3A_77 : i32
      %or3A_79 = arith.ori %or3A_76, %eq3A_78 : i1
      %convert_element_type3A_80 = arith.extui %or3A_79 : i1 to i32
      %cond3A_81 = arith.constant 0 : i32
      %cond3A_82 = arith.cmpi ne, %convert_element_type3A_80, %cond3A_81 : i32
      scf.if %cond3A_82 {
        %mul3A_144 = arith.constant 80 : i32
        %mul3A_145 = arith.muli %arg1, %mul3A_144 : i32
        %add3A_146 = arith.addi %mul3A_145, %add3A_69 : i32
        %multiple_of3A = tpu.assume_multiple %add3A_146, 16 : i32
        "tpu.region"() ({
          %run_scoped3A = tpu.sem_alloc : memref<!tpu.dma_semaphore, #tpu.memory_space<semaphore_mem>>
          %dma_start3A_147 = arith.constant 0 : i32
          %dma_start3A_148 = tpu.memref_slice %arg4[%multiple_of3A, %dma_start3A_147] : memref<1280x128xi32, #tpu.memory_space<hbm>> -> memref<16x128xi32, #tpu.memory_space<hbm>>
          %dma_start3A_149 = arith.constant 0 : i32
          %dma_start3A_150 = tpu.memref_slice %arg4[%multiple_of3A, %dma_start3A_149] : memref<1280x128xi32, #tpu.memory_space<hbm>> -> memref<16x128xi32, #tpu.memory_space<hbm>>
          tpu.enqueue_dma source(%dma_start3A_150 : memref<16x128xi32, #tpu.memory_space<hbm>>) target(%arg7 : memref<16x128xi32, #tpu.memory_space<vmem>>) target_semaphore(%run_scoped3A : memref<!tpu.dma_semaphore, #tpu.memory_space<semaphore_mem>>)
          %dma_wait3A_151 = arith.constant 0 : i32
          %dma_wait3A_152 = tpu.memref_slice %arg4[%multiple_of3A, %dma_wait3A_151] : memref<1280x128xi32, #tpu.memory_space<hbm>> -> memref<16x128xi32, #tpu.memory_space<hbm>>
          %dma_wait3A_153 = arith.constant 0 : i32
          %dma_wait3A_154 = tpu.memref_slice %arg4[%multiple_of3A, %dma_wait3A_153] : memref<1280x128xi32, #tpu.memory_space<hbm>> -> memref<16x128xi32, #tpu.memory_space<hbm>>
          tpu.wait_dma2 semaphore(%run_scoped3A : memref<!tpu.dma_semaphore, #tpu.memory_space<semaphore_mem>>) src(%dma_wait3A_154 : memref<16x128xi32, #tpu.memory_space<hbm>>) dst(%arg7 : memref<16x128xi32, #tpu.memory_space<vmem>>)
          tpu.yield
        }) : () -> ()
      } else {
      }
      %ge3A = arith.constant 2 : i32
      %ge3A_83 = arith.cmpi sge, %add3A_69, %ge3A : i32
      %convert_element_type3A_84 = arith.extui %ge3A_83 : i1 to i32
      %cond3A_85 = arith.constant 0 : i32
      %cond3A_86 = arith.cmpi ne, %convert_element_type3A_84, %cond3A_85 : i32
      scf.if %cond3A_86 {
        %dma_wait3A_144 = arith.constant 1 : i32
        %dma_wait3A_145 = arith.constant 0 : i32
        %dma_wait3A_146 = arith.constant 0 : i32
        %dma_wait3A_147 = tpu.memref_slice %arg9[%dma_wait3A_145, %dma_wait3A_146] : memref<256x128xf32, #tpu.memory_space<vmem>> -> memref<128x128xf32, #tpu.memory_space<vmem>>
        %dma_wait3A_148 = arith.constant 0 : i32
        %dma_wait3A_149 = tpu.memref_slice %arg8[%dma_wait3A_144, %dma_wait3A_148] : memref<4x128xi32, #tpu.memory_space<vmem>> -> memref<1x128xi32, #tpu.memory_space<vmem>>
        %dma_wait3A_150 = tpu.memref_squeeze %dma_wait3A_149 : memref<1x128xi32, #tpu.memory_space<vmem>> -> memref<128xi32, #tpu.memory_space<vmem>>
        %dma_wait3A_151 = arith.constant 0 : i32
        %dma_wait3A_152 = arith.constant 0 : i32
        %dma_wait3A_153 = tpu.memref_slice %arg14[%dma_wait3A_151, %dma_wait3A_152] : memref<10240x128xf32, #tpu.memory_space<vmem_shared>> -> memref<10240x128xf32, #tpu.memory_space<vmem_shared>>
        tpu.wait_indirect_dma semaphore(%arg12 : memref<!tpu.dma_semaphore, #tpu.memory_space<semaphore_mem>>) src(%dma_wait3A_147 : memref<128x128xf32, #tpu.memory_space<vmem>>) dst(%dma_wait3A_153 : memref<10240x128xf32, #tpu.memory_space<vmem_shared>>)
      } else {
      }
      %and3A = arith.constant 15 : i32
      %and3A_87 = arith.andi %add3A_69, %and3A : i32
      %scan3A_88 = arith.constant 0 : i32
      %scan3A_89 = arith.constant 0 : i32
      %scan3A_90 = arith.constant 8 : i32
      %scan3A_91 = arith.addi %scan3A_89, %scan3A_90 : i32
      %scan3A_92 = arith.constant 1 : i32
      %scan3A_93 = scf.for %scan3A_144 = %scan3A_89 to %scan3A_91 step %scan3A_92 iter_args(%scan3A_145 = %scan3A_88) -> (i32)  : i32 {
        %mul3A_146 = arith.constant 16 : i32
        %mul3A_147 = arith.muli %scan3A_144, %mul3A_146 : i32
        %get3A = arith.constant 0 : i32
        %get3A_148 = tpu.memref_slice %arg7[%and3A_87, %get3A] : memref<16x128xi32, #tpu.memory_space<vmem>> -> memref<1x128xi32, #tpu.memory_space<vmem>>
        %get3A_149 = tpu.memref_squeeze %get3A_148 : memref<1x128xi32, #tpu.memory_space<vmem>> -> memref<128xi32, #tpu.memory_space<vmem>>
        %get3A_150 = arith.index_cast %mul3A_147 : i32 to index
        %get3A_151 = tpu.vector_load %get3A_149[%get3A_150] {strides = array<i32>} : memref<128xi32, #tpu.memory_space<vmem>>, vector<16xi32>,
        %get3A_152 = vector.shape_cast %get3A_151 : vector<16xi32> to vector<16xi32>
        %and3A_153 = arith.constant 16383 : i32
        %and3A_154 = vector.broadcast %and3A_153 : i32 to vector<16xi32>
        %and3A_155 = arith.andi %get3A_152, %and3A_154 : vector<16xi32>
        %swap3A = arith.constant 0 : i32
        %swap3A_156 = arith.index_cast %swap3A : i32 to index
        %swap3A_157 = arith.index_cast %mul3A_147 : i32 to index
        %swap3A_158 = tpu.vector_load %arg8[%swap3A_156, %swap3A_157] {strides = array<i32>} : memref<4x128xi32, #tpu.memory_space<vmem>>, vector<1x16xi32>,
        %swap3A_159 = vector.shape_cast %swap3A_158 : vector<1x16xi32> to vector<16xi32>
        %swap3A_160 = vector.shape_cast %and3A_155 : vector<16xi32> to vector<1x16xi32>
        tpu.vector_store %arg8[%swap3A_156, %swap3A_157], %swap3A_160 {strides = array<i32>} : memref<4x128xi32, #tpu.memory_space<vmem>>, vector<1x16xi32>,
        %shift_right_logical3A = arith.constant 14 : i32
        %shift_right_logical3A_161 = vector.broadcast %shift_right_logical3A : i32 to vector<16xi32>
        %shift_right_logical3A_162 = arith.shrui %get3A_152, %shift_right_logical3A_161 : vector<16xi32>
        %swap3A_163 = arith.constant 1 : i32
        %swap3A_164 = arith.index_cast %swap3A_163 : i32 to index
        %swap3A_165 = arith.index_cast %mul3A_147 : i32 to index
        %swap3A_166 = tpu.vector_load %arg8[%swap3A_164, %swap3A_165] {strides = array<i32>} : memref<4x128xi32, #tpu.memory_space<vmem>>, vector<1x16xi32>,
        %swap3A_167 = vector.shape_cast %swap3A_166 : vector<1x16xi32> to vector<16xi32>
        %swap3A_168 = vector.shape_cast %shift_right_logical3A_162 : vector<16xi32> to vector<1x16xi32>
        tpu.vector_store %arg8[%swap3A_164, %swap3A_165], %swap3A_168 {strides = array<i32>} : memref<4x128xi32, #tpu.memory_space<vmem>>, vector<1x16xi32>,
        %scan3A_169 = arith.constant 0 : i32
        scf.yield %scan3A_169 : i32
      }
      %scan3A_94 = arith.constant 8 : i32
      %eq3A_95 = arith.constant 0 : i32
      %eq3A_96 = arith.cmpi eq, %arg0, %eq3A_95 : i32
      %convert_element_type3A_97 = arith.extui %eq3A_96 : i1 to i32
      %cond3A_98 = arith.constant 0 : i32
      %cond3A_99 = arith.cmpi ne, %convert_element_type3A_97, %cond3A_98 : i32
      scf.if %cond3A_99 {
        %dma_start3A_144 = arith.constant 0 : i32
        %dma_start3A_145 = arith.constant 0 : i32
        %dma_start3A_146 = arith.constant 0 : i32
        %dma_start3A_147 = tpu.memref_slice %arg9[%dma_start3A_145, %dma_start3A_146] : memref<256x128xf32, #tpu.memory_space<vmem>> -> memref<128x128xf32, #tpu.memory_space<vmem>>
        %dma_start3A_148 = arith.constant 0 : i32
        %dma_start3A_149 = tpu.memref_slice %arg8[%dma_start3A_144, %dma_start3A_148] : memref<4x128xi32, #tpu.memory_space<vmem>> -> memref<1x128xi32, #tpu.memory_space<vmem>>
        %dma_start3A_150 = tpu.memref_squeeze %dma_start3A_149 : memref<1x128xi32, #tpu.memory_space<vmem>> -> memref<128xi32, #tpu.memory_space<vmem>>
        %dma_start3A_151 = arith.constant 0 : i32
        %dma_start3A_152 = arith.constant 0 : i32
        %dma_start3A_153 = tpu.memref_slice %arg2[%dma_start3A_151, %dma_start3A_152] : memref<10240x128xf32, #tpu.memory_space<hbm>> -> memref<10240x128xf32, #tpu.memory_space<hbm>>
        tpu.enqueue_indirect_dma source(%dma_start3A_153 : memref<10240x128xf32, #tpu.memory_space<hbm>>) target(%dma_start3A_147 : memref<128x128xf32, #tpu.memory_space<vmem>>) offsets(%dma_start3A_150 : memref<128xi32, #tpu.memory_space<vmem>>) semaphore(%arg10 : memref<!tpu.dma_semaphore, #tpu.memory_space<semaphore_mem>>)
      } else {
      }
      %eq3A_100 = arith.constant 1 : i32
      %eq3A_101 = arith.cmpi eq, %arg0, %eq3A_100 : i32
      %convert_element_type3A_102 = arith.extui %eq3A_101 : i1 to i32
      %cond3A_103 = arith.constant 0 : i32
      %cond3A_104 = arith.cmpi ne, %convert_element_type3A_102, %cond3A_103 : i32
      scf.if %cond3A_104 {
        %dma_start3A_144 = arith.constant 0 : i32
        %dma_start3A_145 = arith.constant 0 : i32
        %dma_start3A_146 = arith.constant 0 : i32
        %dma_start3A_147 = tpu.memref_slice %arg9[%dma_start3A_145, %dma_start3A_146] : memref<256x128xf32, #tpu.memory_space<vmem>> -> memref<128x128xf32, #tpu.memory_space<vmem>>
        %dma_start3A_148 = arith.constant 0 : i32
        %dma_start3A_149 = tpu.memref_slice %arg8[%dma_start3A_144, %dma_start3A_148] : memref<4x128xi32, #tpu.memory_space<vmem>> -> memref<1x128xi32, #tpu.memory_space<vmem>>
        %dma_start3A_150 = tpu.memref_squeeze %dma_start3A_149 : memref<1x128xi32, #tpu.memory_space<vmem>> -> memref<128xi32, #tpu.memory_space<vmem>>
        %dma_start3A_151 = arith.constant 0 : i32
        %dma_start3A_152 = arith.constant 0 : i32
        %dma_start3A_153 = tpu.memref_slice %arg3[%dma_start3A_151, %dma_start3A_152] : memref<10240x128xf32, #tpu.memory_space<hbm>> -> memref<10240x128xf32, #tpu.memory_space<hbm>>
        tpu.enqueue_indirect_dma source(%dma_start3A_153 : memref<10240x128xf32, #tpu.memory_space<hbm>>) target(%dma_start3A_147 : memref<128x128xf32, #tpu.memory_space<vmem>>) offsets(%dma_start3A_150 : memref<128xi32, #tpu.memory_space<vmem>>) semaphore(%arg10 : memref<!tpu.dma_semaphore, #tpu.memory_space<semaphore_mem>>)
      } else {
      }
      %ge3A_105 = arith.constant 1 : i32
      %ge3A_106 = arith.cmpi sge, %add3A_69, %ge3A_105 : i32
      %convert_element_type3A_107 = arith.extui %ge3A_106 : i1 to i32
      %cond3A_108 = arith.constant 0 : i32
      %cond3A_109 = arith.cmpi ne, %convert_element_type3A_107, %cond3A_108 : i32
      scf.if %cond3A_109 {
        %eq3A_144 = arith.constant 0 : i32
        %eq3A_145 = arith.cmpi eq, %arg0, %eq3A_144 : i32
        %convert_element_type3A_146 = arith.extui %eq3A_145 : i1 to i32
        %cond3A_147 = arith.constant 0 : i32
        %cond3A_148 = arith.cmpi ne, %convert_element_type3A_146, %cond3A_147 : i32
        scf.if %cond3A_148 {
          %dma_wait3A_164 = arith.constant 2 : i32
          %dma_wait3A_165 = arith.constant 128 : i32
          %dma_wait3A_166 = arith.constant 0 : i32
          %dma_wait3A_167 = tpu.memref_slice %arg9[%dma_wait3A_165, %dma_wait3A_166] : memref<256x128xf32, #tpu.memory_space<vmem>> -> memref<128x128xf32, #tpu.memory_space<vmem>>
          %dma_wait3A_168 = arith.constant 0 : i32
          %dma_wait3A_169 = tpu.memref_slice %arg8[%dma_wait3A_164, %dma_wait3A_168] : memref<4x128xi32, #tpu.memory_space<vmem>> -> memref<1x128xi32, #tpu.memory_space<vmem>>
          %dma_wait3A_170 = tpu.memref_squeeze %dma_wait3A_169 : memref<1x128xi32, #tpu.memory_space<vmem>> -> memref<128xi32, #tpu.memory_space<vmem>>
          %dma_wait3A_171 = arith.constant 0 : i32
          %dma_wait3A_172 = arith.constant 0 : i32
          %dma_wait3A_173 = tpu.memref_slice %arg2[%dma_wait3A_171, %dma_wait3A_172] : memref<10240x128xf32, #tpu.memory_space<hbm>> -> memref<10240x128xf32, #tpu.memory_space<hbm>>
          tpu.wait_indirect_dma semaphore(%arg11 : memref<!tpu.dma_semaphore, #tpu.memory_space<semaphore_mem>>) src(%dma_wait3A_173 : memref<10240x128xf32, #tpu.memory_space<hbm>>) dst(%dma_wait3A_167 : memref<128x128xf32, #tpu.memory_space<vmem>>)
        } else {
        }
        %eq3A_149 = arith.constant 1 : i32
        %eq3A_150 = arith.cmpi eq, %arg0, %eq3A_149 : i32
        %convert_element_type3A_151 = arith.extui %eq3A_150 : i1 to i32
        %cond3A_152 = arith.constant 0 : i32
        %cond3A_153 = arith.cmpi ne, %convert_element_type3A_151, %cond3A_152 : i32
        scf.if %cond3A_153 {
          %dma_wait3A_164 = arith.constant 2 : i32
          %dma_wait3A_165 = arith.constant 128 : i32
          %dma_wait3A_166 = arith.constant 0 : i32
          %dma_wait3A_167 = tpu.memref_slice %arg9[%dma_wait3A_165, %dma_wait3A_166] : memref<256x128xf32, #tpu.memory_space<vmem>> -> memref<128x128xf32, #tpu.memory_space<vmem>>
          %dma_wait3A_168 = arith.constant 0 : i32
          %dma_wait3A_169 = tpu.memref_slice %arg8[%dma_wait3A_164, %dma_wait3A_168] : memref<4x128xi32, #tpu.memory_space<vmem>> -> memref<1x128xi32, #tpu.memory_space<vmem>>
          %dma_wait3A_170 = tpu.memref_squeeze %dma_wait3A_169 : memref<1x128xi32, #tpu.memory_space<vmem>> -> memref<128xi32, #tpu.memory_space<vmem>>
          %dma_wait3A_171 = arith.constant 0 : i32
          %dma_wait3A_172 = arith.constant 0 : i32
          %dma_wait3A_173 = tpu.memref_slice %arg3[%dma_wait3A_171, %dma_wait3A_172] : memref<10240x128xf32, #tpu.memory_space<hbm>> -> memref<10240x128xf32, #tpu.memory_space<hbm>>
          tpu.wait_indirect_dma semaphore(%arg11 : memref<!tpu.dma_semaphore, #tpu.memory_space<semaphore_mem>>) src(%dma_wait3A_173 : memref<10240x128xf32, #tpu.memory_space<hbm>>) dst(%dma_wait3A_167 : memref<128x128xf32, #tpu.memory_space<vmem>>)
        } else {
        }
        %dma_start3A_154 = arith.constant 3 : i32
        %dma_start3A_155 = arith.constant 128 : i32
        %dma_start3A_156 = arith.constant 0 : i32
        %dma_start3A_157 = tpu.memref_slice %arg9[%dma_start3A_155, %dma_start3A_156] : memref<256x128xf32, #tpu.memory_space<vmem>> -> memref<128x128xf32, #tpu.memory_space<vmem>>
        %dma_start3A_158 = arith.constant 0 : i32
        %dma_start3A_159 = tpu.memref_slice %arg8[%dma_start3A_154, %dma_start3A_158] : memref<4x128xi32, #tpu.memory_space<vmem>> -> memref<1x128xi32, #tpu.memory_space<vmem>>
        %dma_start3A_160 = tpu.memref_squeeze %dma_start3A_159 : memref<1x128xi32, #tpu.memory_space<vmem>> -> memref<128xi32, #tpu.memory_space<vmem>>
        %dma_start3A_161 = arith.constant 0 : i32
        %dma_start3A_162 = arith.constant 0 : i32
        %dma_start3A_163 = tpu.memref_slice %arg14[%dma_start3A_161, %dma_start3A_162] : memref<10240x128xf32, #tpu.memory_space<vmem_shared>> -> memref<10240x128xf32, #tpu.memory_space<vmem_shared>>
        tpu.enqueue_indirect_dma source(%dma_start3A_157 : memref<128x128xf32, #tpu.memory_space<vmem>>) target(%dma_start3A_163 : memref<10240x128xf32, #tpu.memory_space<vmem_shared>>) offsets(%dma_start3A_160 : memref<128xi32, #tpu.memory_space<vmem>>) semaphore(%arg13 : memref<!tpu.dma_semaphore, #tpu.memory_space<semaphore_mem>>) {add = true}
      } else {
      }
      %mul3A_110 = arith.constant 2 : i32
      %mul3A_111 = arith.muli %scan3A_65, %mul3A_110 : i32
      %add3A_112 = arith.constant 1 : i32
      %add3A_113 = arith.addi %mul3A_111, %add3A_112 : i32
      %ge3A_114 = arith.constant 2 : i32
      %ge3A_115 = arith.cmpi sge, %add3A_113, %ge3A_114 : i32
      %convert_element_type3A_116 = arith.extui %ge3A_115 : i1 to i32
      %cond3A_117 = arith.constant 0 : i32
      %cond3A_118 = arith.cmpi ne, %convert_element_type3A_116, %cond3A_117 : i32
      scf.if %cond3A_118 {
        %dma_wait3A_144 = arith.constant 3 : i32
        %dma_wait3A_145 = arith.constant 128 : i32
        %dma_wait3A_146 = arith.constant 0 : i32
        %dma_wait3A_147 = tpu.memref_slice %arg9[%dma_wait3A_145, %dma_wait3A_146] : memref<256x128xf32, #tpu.memory_space<vmem>> -> memref<128x128xf32, #tpu.memory_space<vmem>>
        %dma_wait3A_148 = arith.constant 0 : i32
        %dma_wait3A_149 = tpu.memref_slice %arg8[%dma_wait3A_144, %dma_wait3A_148] : memref<4x128xi32, #tpu.memory_space<vmem>> -> memref<1x128xi32, #tpu.memory_space<vmem>>
        %dma_wait3A_150 = tpu.memref_squeeze %dma_wait3A_149 : memref<1x128xi32, #tpu.memory_space<vmem>> -> memref<128xi32, #tpu.memory_space<vmem>>
        %dma_wait3A_151 = arith.constant 0 : i32
        %dma_wait3A_152 = arith.constant 0 : i32
        %dma_wait3A_153 = tpu.memref_slice %arg14[%dma_wait3A_151, %dma_wait3A_152] : memref<10240x128xf32, #tpu.memory_space<vmem_shared>> -> memref<10240x128xf32, #tpu.memory_space<vmem_shared>>
        tpu.wait_indirect_dma semaphore(%arg13 : memref<!tpu.dma_semaphore, #tpu.memory_space<semaphore_mem>>) src(%dma_wait3A_147 : memref<128x128xf32, #tpu.memory_space<vmem>>) dst(%dma_wait3A_153 : memref<10240x128xf32, #tpu.memory_space<vmem_shared>>)
      } else {
      }
      %and3A_119 = arith.constant 15 : i32
      %and3A_120 = arith.andi %add3A_113, %and3A_119 : i32
      %scan3A_121 = arith.constant 0 : i32
      %scan3A_122 = arith.constant 0 : i32
      %scan3A_123 = arith.constant 8 : i32
      %scan3A_124 = arith.addi %scan3A_122, %scan3A_123 : i32
      %scan3A_125 = arith.constant 1 : i32
      %scan3A_126 = scf.for %scan3A_144 = %scan3A_122 to %scan3A_124 step %scan3A_125 iter_args(%scan3A_145 = %scan3A_121) -> (i32)  : i32 {
        %mul3A_146 = arith.constant 16 : i32
        %mul3A_147 = arith.muli %scan3A_144, %mul3A_146 : i32
        %get3A = arith.constant 0 : i32
        %get3A_148 = tpu.memref_slice %arg7[%and3A_120, %get3A] : memref<16x128xi32, #tpu.memory_space<vmem>> -> memref<1x128xi32, #tpu.memory_space<vmem>>
        %get3A_149 = tpu.memref_squeeze %get3A_148 : memref<1x128xi32, #tpu.memory_space<vmem>> -> memref<128xi32, #tpu.memory_space<vmem>>
        %get3A_150 = arith.index_cast %mul3A_147 : i32 to index
        %get3A_151 = tpu.vector_load %get3A_149[%get3A_150] {strides = array<i32>} : memref<128xi32, #tpu.memory_space<vmem>>, vector<16xi32>,
        %get3A_152 = vector.shape_cast %get3A_151 : vector<16xi32> to vector<16xi32>
        %and3A_153 = arith.constant 16383 : i32
        %and3A_154 = vector.broadcast %and3A_153 : i32 to vector<16xi32>
        %and3A_155 = arith.andi %get3A_152, %and3A_154 : vector<16xi32>
        %swap3A = arith.constant 2 : i32
        %swap3A_156 = arith.index_cast %swap3A : i32 to index
        %swap3A_157 = arith.index_cast %mul3A_147 : i32 to index
        %swap3A_158 = tpu.vector_load %arg8[%swap3A_156, %swap3A_157] {strides = array<i32>} : memref<4x128xi32, #tpu.memory_space<vmem>>, vector<1x16xi32>,
        %swap3A_159 = vector.shape_cast %swap3A_158 : vector<1x16xi32> to vector<16xi32>
        %swap3A_160 = vector.shape_cast %and3A_155 : vector<16xi32> to vector<1x16xi32>
        tpu.vector_store %arg8[%swap3A_156, %swap3A_157], %swap3A_160 {strides = array<i32>} : memref<4x128xi32, #tpu.memory_space<vmem>>, vector<1x16xi32>,
        %shift_right_logical3A = arith.constant 14 : i32
        %shift_right_logical3A_161 = vector.broadcast %shift_right_logical3A : i32 to vector<16xi32>
        %shift_right_logical3A_162 = arith.shrui %get3A_152, %shift_right_logical3A_161 : vector<16xi32>
        %swap3A_163 = arith.constant 3 : i32
        %swap3A_164 = arith.index_cast %swap3A_163 : i32 to index
        %swap3A_165 = arith.index_cast %mul3A_147 : i32 to index
        %swap3A_166 = tpu.vector_load %arg8[%swap3A_164, %swap3A_165] {strides = array<i32>} : memref<4x128xi32, #tpu.memory_space<vmem>>, vector<1x16xi32>,
        %swap3A_167 = vector.shape_cast %swap3A_166 : vector<1x16xi32> to vector<16xi32>
        %swap3A_168 = vector.shape_cast %shift_right_logical3A_162 : vector<16xi32> to vector<1x16xi32>
        tpu.vector_store %arg8[%swap3A_164, %swap3A_165], %swap3A_168 {strides = array<i32>} : memref<4x128xi32, #tpu.memory_space<vmem>>, vector<1x16xi32>,
        %scan3A_169 = arith.constant 0 : i32
        scf.yield %scan3A_169 : i32
      }
      %scan3A_127 = arith.constant 8 : i32
      %eq3A_128 = arith.constant 0 : i32
      %eq3A_129 = arith.cmpi eq, %arg0, %eq3A_128 : i32
      %convert_element_type3A_130 = arith.extui %eq3A_129 : i1 to i32
      %cond3A_131 = arith.constant 0 : i32
      %cond3A_132 = arith.cmpi ne, %convert_element_type3A_130, %cond3A_131 : i32
      scf.if %cond3A_132 {
        %dma_start3A_144 = arith.constant 2 : i32
        %dma_start3A_145 = arith.constant 128 : i32
        %dma_start3A_146 = arith.constant 0 : i32
        %dma_start3A_147 = tpu.memref_slice %arg9[%dma_start3A_145, %dma_start3A_146] : memref<256x128xf32, #tpu.memory_space<vmem>> -> memref<128x128xf32, #tpu.memory_space<vmem>>
        %dma_start3A_148 = arith.constant 0 : i32
        %dma_start3A_149 = tpu.memref_slice %arg8[%dma_start3A_144, %dma_start3A_148] : memref<4x128xi32, #tpu.memory_space<vmem>> -> memref<1x128xi32, #tpu.memory_space<vmem>>
        %dma_start3A_150 = tpu.memref_squeeze %dma_start3A_149 : memref<1x128xi32, #tpu.memory_space<vmem>> -> memref<128xi32, #tpu.memory_space<vmem>>
        %dma_start3A_151 = arith.constant 0 : i32
        %dma_start3A_152 = arith.constant 0 : i32
        %dma_start3A_153 = tpu.memref_slice %arg2[%dma_start3A_151, %dma_start3A_152] : memref<10240x128xf32, #tpu.memory_space<hbm>> -> memref<10240x128xf32, #tpu.memory_space<hbm>>
        tpu.enqueue_indirect_dma source(%dma_start3A_153 : memref<10240x128xf32, #tpu.memory_space<hbm>>) target(%dma_start3A_147 : memref<128x128xf32, #tpu.memory_space<vmem>>) offsets(%dma_start3A_150 : memref<128xi32, #tpu.memory_space<vmem>>) semaphore(%arg11 : memref<!tpu.dma_semaphore, #tpu.memory_space<semaphore_mem>>)
      } else {
      }
      %eq3A_133 = arith.constant 1 : i32
      %eq3A_134 = arith.cmpi eq, %arg0, %eq3A_133 : i32
      %convert_element_type3A_135 = arith.extui %eq3A_134 : i1 to i32
      %cond3A_136 = arith.constant 0 : i32
      %cond3A_137 = arith.cmpi ne, %convert_element_type3A_135, %cond3A_136 : i32
      scf.if %cond3A_137 {
        %dma_start3A_144 = arith.constant 2 : i32
        %dma_start3A_145 = arith.constant 128 : i32
        %dma_start3A_146 = arith.constant 0 : i32
        %dma_start3A_147 = tpu.memref_slice %arg9[%dma_start3A_145, %dma_start3A_146] : memref<256x128xf32, #tpu.memory_space<vmem>> -> memref<128x128xf32, #tpu.memory_space<vmem>>
        %dma_start3A_148 = arith.constant 0 : i32
        %dma_start3A_149 = tpu.memref_slice %arg8[%dma_start3A_144, %dma_start3A_148] : memref<4x128xi32, #tpu.memory_space<vmem>> -> memref<1x128xi32, #tpu.memory_space<vmem>>
        %dma_start3A_150 = tpu.memref_squeeze %dma_start3A_149 : memref<1x128xi32, #tpu.memory_space<vmem>> -> memref<128xi32, #tpu.memory_space<vmem>>
        %dma_start3A_151 = arith.constant 0 : i32
        %dma_start3A_152 = arith.constant 0 : i32
        %dma_start3A_153 = tpu.memref_slice %arg3[%dma_start3A_151, %dma_start3A_152] : memref<10240x128xf32, #tpu.memory_space<hbm>> -> memref<10240x128xf32, #tpu.memory_space<hbm>>
        tpu.enqueue_indirect_dma source(%dma_start3A_153 : memref<10240x128xf32, #tpu.memory_space<hbm>>) target(%dma_start3A_147 : memref<128x128xf32, #tpu.memory_space<vmem>>) offsets(%dma_start3A_150 : memref<128xi32, #tpu.memory_space<vmem>>) semaphore(%arg11 : memref<!tpu.dma_semaphore, #tpu.memory_space<semaphore_mem>>)
      } else {
      }
      %ge3A_138 = arith.constant 1 : i32
      %ge3A_139 = arith.cmpi sge, %add3A_113, %ge3A_138 : i32
      %convert_element_type3A_140 = arith.extui %ge3A_139 : i1 to i32
      %cond3A_141 = arith.constant 0 : i32
      %cond3A_142 = arith.cmpi ne, %convert_element_type3A_140, %cond3A_141 : i32
      scf.if %cond3A_142 {
        %eq3A_144 = arith.constant 0 : i32
        %eq3A_145 = arith.cmpi eq, %arg0, %eq3A_144 : i32
        %convert_element_type3A_146 = arith.extui %eq3A_145 : i1 to i32
        %cond3A_147 = arith.constant 0 : i32
        %cond3A_148 = arith.cmpi ne, %convert_element_type3A_146, %cond3A_147 : i32
        scf.if %cond3A_148 {
          %dma_wait3A_164 = arith.constant 0 : i32
          %dma_wait3A_165 = arith.constant 0 : i32
          %dma_wait3A_166 = arith.constant 0 : i32
          %dma_wait3A_167 = tpu.memref_slice %arg9[%dma_wait3A_165, %dma_wait3A_166] : memref<256x128xf32, #tpu.memory_space<vmem>> -> memref<128x128xf32, #tpu.memory_space<vmem>>
          %dma_wait3A_168 = arith.constant 0 : i32
          %dma_wait3A_169 = tpu.memref_slice %arg8[%dma_wait3A_164, %dma_wait3A_168] : memref<4x128xi32, #tpu.memory_space<vmem>> -> memref<1x128xi32, #tpu.memory_space<vmem>>
          %dma_wait3A_170 = tpu.memref_squeeze %dma_wait3A_169 : memref<1x128xi32, #tpu.memory_space<vmem>> -> memref<128xi32, #tpu.memory_space<vmem>>
          %dma_wait3A_171 = arith.constant 0 : i32
          %dma_wait3A_172 = arith.constant 0 : i32
          %dma_wait3A_173 = tpu.memref_slice %arg2[%dma_wait3A_171, %dma_wait3A_172] : memref<10240x128xf32, #tpu.memory_space<hbm>> -> memref<10240x128xf32, #tpu.memory_space<hbm>>
          tpu.wait_indirect_dma semaphore(%arg10 : memref<!tpu.dma_semaphore, #tpu.memory_space<semaphore_mem>>) src(%dma_wait3A_173 : memref<10240x128xf32, #tpu.memory_space<hbm>>) dst(%dma_wait3A_167 : memref<128x128xf32, #tpu.memory_space<vmem>>)
        } else {
        }
        %eq3A_149 = arith.constant 1 : i32
        %eq3A_150 = arith.cmpi eq, %arg0, %eq3A_149 : i32
        %convert_element_type3A_151 = arith.extui %eq3A_150 : i1 to i32
        %cond3A_152 = arith.constant 0 : i32
        %cond3A_153 = arith.cmpi ne, %convert_element_type3A_151, %cond3A_152 : i32
        scf.if %cond3A_153 {
          %dma_wait3A_164 = arith.constant 0 : i32
          %dma_wait3A_165 = arith.constant 0 : i32
          %dma_wait3A_166 = arith.constant 0 : i32
          %dma_wait3A_167 = tpu.memref_slice %arg9[%dma_wait3A_165, %dma_wait3A_166] : memref<256x128xf32, #tpu.memory_space<vmem>> -> memref<128x128xf32, #tpu.memory_space<vmem>>
          %dma_wait3A_168 = arith.constant 0 : i32
          %dma_wait3A_169 = tpu.memref_slice %arg8[%dma_wait3A_164, %dma_wait3A_168] : memref<4x128xi32, #tpu.memory_space<vmem>> -> memref<1x128xi32, #tpu.memory_space<vmem>>
          %dma_wait3A_170 = tpu.memref_squeeze %dma_wait3A_169 : memref<1x128xi32, #tpu.memory_space<vmem>> -> memref<128xi32, #tpu.memory_space<vmem>>
          %dma_wait3A_171 = arith.constant 0 : i32
          %dma_wait3A_172 = arith.constant 0 : i32
          %dma_wait3A_173 = tpu.memref_slice %arg3[%dma_wait3A_171, %dma_wait3A_172] : memref<10240x128xf32, #tpu.memory_space<hbm>> -> memref<10240x128xf32, #tpu.memory_space<hbm>>
          tpu.wait_indirect_dma semaphore(%arg10 : memref<!tpu.dma_semaphore, #tpu.memory_space<semaphore_mem>>) src(%dma_wait3A_173 : memref<10240x128xf32, #tpu.memory_space<hbm>>) dst(%dma_wait3A_167 : memref<128x128xf32, #tpu.memory_space<vmem>>)
        } else {
        }
        %dma_start3A_154 = arith.constant 1 : i32
        %dma_start3A_155 = arith.constant 0 : i32
        %dma_start3A_156 = arith.constant 0 : i32
        %dma_start3A_157 = tpu.memref_slice %arg9[%dma_start3A_155, %dma_start3A_156] : memref<256x128xf32, #tpu.memory_space<vmem>> -> memref<128x128xf32, #tpu.memory_space<vmem>>
        %dma_start3A_158 = arith.constant 0 : i32
        %dma_start3A_159 = tpu.memref_slice %arg8[%dma_start3A_154, %dma_start3A_158] : memref<4x128xi32, #tpu.memory_space<vmem>> -> memref<1x128xi32, #tpu.memory_space<vmem>>
        %dma_start3A_160 = tpu.memref_squeeze %dma_start3A_159 : memref<1x128xi32, #tpu.memory_space<vmem>> -> memref<128xi32, #tpu.memory_space<vmem>>
        %dma_start3A_161 = arith.constant 0 : i32
        %dma_start3A_162 = arith.constant 0 : i32
        %dma_start3A_163 = tpu.memref_slice %arg14[%dma_start3A_161, %dma_start3A_162] : memref<10240x128xf32, #tpu.memory_space<vmem_shared>> -> memref<10240x128xf32, #tpu.memory_space<vmem_shared>>
        tpu.enqueue_indirect_dma source(%dma_start3A_157 : memref<128x128xf32, #tpu.memory_space<vmem>>) target(%dma_start3A_163 : memref<10240x128xf32, #tpu.memory_space<vmem_shared>>) offsets(%dma_start3A_160 : memref<128xi32, #tpu.memory_space<vmem>>) semaphore(%arg12 : memref<!tpu.dma_semaphore, #tpu.memory_space<semaphore_mem>>) {add = true}
      } else {
      }
      %scan3A_143 = arith.constant 0 : i32
      scf.yield %scan3A_143 : i32
    }
    %scan3A_15 = arith.constant 40 : i32
    %eq3A_16 = arith.constant 0 : i32
    %eq3A_17 = arith.cmpi eq, %arg0, %eq3A_16 : i32
    %convert_element_type3A_18 = arith.extui %eq3A_17 : i1 to i32
    %cond3A_19 = arith.constant 0 : i32
    %cond3A_20 = arith.cmpi ne, %convert_element_type3A_18, %cond3A_19 : i32
    scf.if %cond3A_20 {
      %dma_wait3A_65 = arith.constant 2 : i32
      %dma_wait3A_66 = arith.constant 128 : i32
      %dma_wait3A_67 = arith.constant 0 : i32
      %dma_wait3A_68 = tpu.memref_slice %arg9[%dma_wait3A_66, %dma_wait3A_67] : memref<256x128xf32, #tpu.memory_space<vmem>> -> memref<128x128xf32, #tpu.memory_space<vmem>>
      %dma_wait3A_69 = arith.constant 0 : i32
      %dma_wait3A_70 = tpu.memref_slice %arg8[%dma_wait3A_65, %dma_wait3A_69] : memref<4x128xi32, #tpu.memory_space<vmem>> -> memref<1x128xi32, #tpu.memory_space<vmem>>
      %dma_wait3A_71 = tpu.memref_squeeze %dma_wait3A_70 : memref<1x128xi32, #tpu.memory_space<vmem>> -> memref<128xi32, #tpu.memory_space<vmem>>
      %dma_wait3A_72 = arith.constant 0 : i32
      %dma_wait3A_73 = arith.constant 0 : i32
      %dma_wait3A_74 = tpu.memref_slice %arg2[%dma_wait3A_72, %dma_wait3A_73] : memref<10240x128xf32, #tpu.memory_space<hbm>> -> memref<10240x128xf32, #tpu.memory_space<hbm>>
      tpu.wait_indirect_dma semaphore(%arg11 : memref<!tpu.dma_semaphore, #tpu.memory_space<semaphore_mem>>) src(%dma_wait3A_74 : memref<10240x128xf32, #tpu.memory_space<hbm>>) dst(%dma_wait3A_68 : memref<128x128xf32, #tpu.memory_space<vmem>>)
    } else {
    }
    %eq3A_21 = arith.constant 1 : i32
    %eq3A_22 = arith.cmpi eq, %arg0, %eq3A_21 : i32
    %convert_element_type3A_23 = arith.extui %eq3A_22 : i1 to i32
    %cond3A_24 = arith.constant 0 : i32
    %cond3A_25 = arith.cmpi ne, %convert_element_type3A_23, %cond3A_24 : i32
    scf.if %cond3A_25 {
      %dma_wait3A_65 = arith.constant 2 : i32
      %dma_wait3A_66 = arith.constant 128 : i32
      %dma_wait3A_67 = arith.constant 0 : i32
      %dma_wait3A_68 = tpu.memref_slice %arg9[%dma_wait3A_66, %dma_wait3A_67] : memref<256x128xf32, #tpu.memory_space<vmem>> -> memref<128x128xf32, #tpu.memory_space<vmem>>
      %dma_wait3A_69 = arith.constant 0 : i32
      %dma_wait3A_70 = tpu.memref_slice %arg8[%dma_wait3A_65, %dma_wait3A_69] : memref<4x128xi32, #tpu.memory_space<vmem>> -> memref<1x128xi32, #tpu.memory_space<vmem>>
      %dma_wait3A_71 = tpu.memref_squeeze %dma_wait3A_70 : memref<1x128xi32, #tpu.memory_space<vmem>> -> memref<128xi32, #tpu.memory_space<vmem>>
      %dma_wait3A_72 = arith.constant 0 : i32
      %dma_wait3A_73 = arith.constant 0 : i32
      %dma_wait3A_74 = tpu.memref_slice %arg3[%dma_wait3A_72, %dma_wait3A_73] : memref<10240x128xf32, #tpu.memory_space<hbm>> -> memref<10240x128xf32, #tpu.memory_space<hbm>>
      tpu.wait_indirect_dma semaphore(%arg11 : memref<!tpu.dma_semaphore, #tpu.memory_space<semaphore_mem>>) src(%dma_wait3A_74 : memref<10240x128xf32, #tpu.memory_space<hbm>>) dst(%dma_wait3A_68 : memref<128x128xf32, #tpu.memory_space<vmem>>)
    } else {
    }
    %dma_start3A = arith.constant 3 : i32
    %dma_start3A_26 = arith.constant 128 : i32
    %dma_start3A_27 = arith.constant 0 : i32
    %dma_start3A_28 = tpu.memref_slice %arg9[%dma_start3A_26, %dma_start3A_27] : memref<256x128xf32, #tpu.memory_space<vmem>> -> memref<128x128xf32, #tpu.memory_space<vmem>>
    %dma_start3A_29 = arith.constant 0 : i32
    %dma_start3A_30 = tpu.memref_slice %arg8[%dma_start3A, %dma_start3A_29] : memref<4x128xi32, #tpu.memory_space<vmem>> -> memref<1x128xi32, #tpu.memory_space<vmem>>
    %dma_start3A_31 = tpu.memref_squeeze %dma_start3A_30 : memref<1x128xi32, #tpu.memory_space<vmem>> -> memref<128xi32, #tpu.memory_space<vmem>>
    %dma_start3A_32 = arith.constant 0 : i32
    %dma_start3A_33 = arith.constant 0 : i32
    %dma_start3A_34 = tpu.memref_slice %arg14[%dma_start3A_32, %dma_start3A_33] : memref<10240x128xf32, #tpu.memory_space<vmem_shared>> -> memref<10240x128xf32, #tpu.memory_space<vmem_shared>>
    tpu.enqueue_indirect_dma source(%dma_start3A_28 : memref<128x128xf32, #tpu.memory_space<vmem>>) target(%dma_start3A_34 : memref<10240x128xf32, #tpu.memory_space<vmem_shared>>) offsets(%dma_start3A_31 : memref<128xi32, #tpu.memory_space<vmem>>) semaphore(%arg13 : memref<!tpu.dma_semaphore, #tpu.memory_space<semaphore_mem>>) {add = true}
    %dma_wait3A = arith.constant 1 : i32
    %dma_wait3A_35 = arith.constant 0 : i32
    %dma_wait3A_36 = arith.constant 0 : i32
    %dma_wait3A_37 = tpu.memref_slice %arg9[%dma_wait3A_35, %dma_wait3A_36] : memref<256x128xf32, #tpu.memory_space<vmem>> -> memref<128x128xf32, #tpu.memory_space<vmem>>
    %dma_wait3A_38 = arith.constant 0 : i32
    %dma_wait3A_39 = tpu.memref_slice %arg8[%dma_wait3A, %dma_wait3A_38] : memref<4x128xi32, #tpu.memory_space<vmem>> -> memref<1x128xi32, #tpu.memory_space<vmem>>
    %dma_wait3A_40 = tpu.memref_squeeze %dma_wait3A_39 : memref<1x128xi32, #tpu.memory_space<vmem>> -> memref<128xi32, #tpu.memory_space<vmem>>
    %dma_wait3A_41 = arith.constant 0 : i32
    %dma_wait3A_42 = arith.constant 0 : i32
    %dma_wait3A_43 = tpu.memref_slice %arg14[%dma_wait3A_41, %dma_wait3A_42] : memref<10240x128xf32, #tpu.memory_space<vmem_shared>> -> memref<10240x128xf32, #tpu.memory_space<vmem_shared>>
    tpu.wait_indirect_dma semaphore(%arg12 : memref<!tpu.dma_semaphore, #tpu.memory_space<semaphore_mem>>) src(%dma_wait3A_37 : memref<128x128xf32, #tpu.memory_space<vmem>>) dst(%dma_wait3A_43 : memref<10240x128xf32, #tpu.memory_space<vmem_shared>>)
    %dma_wait3A_44 = arith.constant 3 : i32
    %dma_wait3A_45 = arith.constant 128 : i32
    %dma_wait3A_46 = arith.constant 0 : i32
    %dma_wait3A_47 = tpu.memref_slice %arg9[%dma_wait3A_45, %dma_wait3A_46] : memref<256x128xf32, #tpu.memory_space<vmem>> -> memref<128x128xf32, #tpu.memory_space<vmem>>
    %dma_wait3A_48 = arith.constant 0 : i32
    %dma_wait3A_49 = tpu.memref_slice %arg8[%dma_wait3A_44, %dma_wait3A_48] : memref<4x128xi32, #tpu.memory_space<vmem>> -> memref<1x128xi32, #tpu.memory_space<vmem>>
    %dma_wait3A_50 = tpu.memref_squeeze %dma_wait3A_49 : memref<1x128xi32, #tpu.memory_space<vmem>> -> memref<128xi32, #tpu.memory_space<vmem>>
    %dma_wait3A_51 = arith.constant 0 : i32
    %dma_wait3A_52 = arith.constant 0 : i32
    %dma_wait3A_53 = tpu.memref_slice %arg14[%dma_wait3A_51, %dma_wait3A_52] : memref<10240x128xf32, #tpu.memory_space<vmem_shared>> -> memref<10240x128xf32, #tpu.memory_space<vmem_shared>>
    tpu.wait_indirect_dma semaphore(%arg13 : memref<!tpu.dma_semaphore, #tpu.memory_space<semaphore_mem>>) src(%dma_wait3A_47 : memref<128x128xf32, #tpu.memory_space<vmem>>) dst(%dma_wait3A_53 : memref<10240x128xf32, #tpu.memory_space<vmem_shared>>)
    %barrier3A_54 = arith.constant 0 : index
    tpu.barrier barrier_id(%barrier3A_54)
    %eq3A_55 = arith.constant 0 : i32
    %eq3A_56 = arith.cmpi eq, %arg0, %eq3A_55 : i32
    %convert_element_type3A_57 = arith.extui %eq3A_56 : i1 to i32
    %cond3A_58 = arith.constant 0 : i32
    %cond3A_59 = arith.cmpi ne, %convert_element_type3A_57, %cond3A_58 : i32
    scf.if %cond3A_59 {
      "tpu.region"() ({
        %run_scoped3A = tpu.sem_alloc : memref<!tpu.dma_semaphore, #tpu.memory_space<semaphore_mem>>
        %dma_start3A_65 = arith.constant 0 : i32
        %dma_start3A_66 = tpu.memref_slice %arg5[%mul3A_0, %dma_start3A_65] : memref<10240x128xf32, #tpu.memory_space<hbm>> -> memref<640x128xf32, #tpu.memory_space<hbm>>
        %dma_start3A_67 = arith.constant 0 : i32
        %dma_start3A_68 = tpu.memref_slice %arg14[%mul3A_0, %dma_start3A_67] : memref<10240x128xf32, #tpu.memory_space<vmem_shared>> -> memref<640x128xf32, #tpu.memory_space<vmem_shared>>
        tpu.enqueue_dma source(%dma_start3A_68 : memref<640x128xf32, #tpu.memory_space<vmem_shared>>) target(%dma_start3A_66 : memref<640x128xf32, #tpu.memory_space<hbm>>) target_semaphore(%run_scoped3A : memref<!tpu.dma_semaphore, #tpu.memory_space<semaphore_mem>>)
        %dma_wait3A_69 = arith.constant 0 : i32
        %dma_wait3A_70 = tpu.memref_slice %arg5[%mul3A_0, %dma_wait3A_69] : memref<10240x128xf32, #tpu.memory_space<hbm>> -> memref<640x128xf32, #tpu.memory_space<hbm>>
        %dma_wait3A_71 = arith.constant 0 : i32
        %dma_wait3A_72 = tpu.memref_slice %arg14[%mul3A_0, %dma_wait3A_71] : memref<10240x128xf32, #tpu.memory_space<vmem_shared>> -> memref<640x128xf32, #tpu.memory_space<vmem_shared>>
        tpu.wait_dma2 semaphore(%run_scoped3A : memref<!tpu.dma_semaphore, #tpu.memory_space<semaphore_mem>>) src(%dma_wait3A_72 : memref<640x128xf32, #tpu.memory_space<vmem_shared>>) dst(%dma_wait3A_70 : memref<640x128xf32, #tpu.memory_space<hbm>>)
        tpu.yield
      }) : () -> ()
    } else {
    }
    %eq3A_60 = arith.constant 1 : i32
    %eq3A_61 = arith.cmpi eq, %arg0, %eq3A_60 : i32
    %convert_element_type3A_62 = arith.extui %eq3A_61 : i1 to i32
    %cond3A_63 = arith.constant 0 : i32
    %cond3A_64 = arith.cmpi ne, %convert_element_type3A_62, %cond3A_63 : i32
    scf.if %cond3A_64 {
      "tpu.region"() ({
        %run_scoped3A = tpu.sem_alloc : memref<!tpu.dma_semaphore, #tpu.memory_space<semaphore_mem>>
        %dma_start3A_65 = arith.constant 0 : i32
        %dma_start3A_66 = tpu.memref_slice %arg6[%mul3A_0, %dma_start3A_65] : memref<10240x128xf32, #tpu.memory_space<hbm>> -> memref<640x128xf32, #tpu.memory_space<hbm>>
        %dma_start3A_67 = arith.constant 0 : i32
        %dma_start3A_68 = tpu.memref_slice %arg14[%mul3A_0, %dma_start3A_67] : memref<10240x128xf32, #tpu.memory_space<vmem_shared>> -> memref<640x128xf32, #tpu.memory_space<vmem_shared>>
        tpu.enqueue_dma source(%dma_start3A_68 : memref<640x128xf32, #tpu.memory_space<vmem_shared>>) target(%dma_start3A_66 : memref<640x128xf32, #tpu.memory_space<hbm>>) target_semaphore(%run_scoped3A : memref<!tpu.dma_semaphore, #tpu.memory_space<semaphore_mem>>)
        %dma_wait3A_69 = arith.constant 0 : i32
        %dma_wait3A_70 = tpu.memref_slice %arg6[%mul3A_0, %dma_wait3A_69] : memref<10240x128xf32, #tpu.memory_space<hbm>> -> memref<640x128xf32, #tpu.memory_space<hbm>>
        %dma_wait3A_71 = arith.constant 0 : i32
        %dma_wait3A_72 = tpu.memref_slice %arg14[%mul3A_0, %dma_wait3A_71] : memref<10240x128xf32, #tpu.memory_space<vmem_shared>> -> memref<640x128xf32, #tpu.memory_space<vmem_shared>>
        tpu.wait_dma2 semaphore(%run_scoped3A : memref<!tpu.dma_semaphore, #tpu.memory_space<semaphore_mem>>) src(%dma_wait3A_72 : memref<640x128xf32, #tpu.memory_space<vmem_shared>>) dst(%dma_wait3A_70 : memref<640x128xf32, #tpu.memory_space<hbm>>)
        tpu.yield
      }) : () -> ()
    } else {
    }
    return
  }
}

module attributes {stable_mosaic.version = 14 : i64} {
  func.func @_mm1_body(%arg0: i32, %arg1: memref<1024x256xf32, #tpu.memory_space<vmem>>, %arg2: memref<256x256xf32, #tpu.memory_space<vmem>>, %arg3: memref<1024xf32, #tpu.memory_space<vmem>>, %arg4: memref<1024xf32, #tpu.memory_space<vmem>>, %arg5: memref<1024x128xf32, #tpu.memory_space<vmem>>, %arg6: memref<1024x128xf32, #tpu.memory_space<vmem>>) attributes {dimension_semantics = [#tpu.dimension_semantics<arbitrary>], iteration_bounds = array<i64: 10>, scalar_prefetch = 0 : i64, scratch_operands = 0 : i64, tpu.core_type = #tpu.core_type<tc>, window_params = [{transform_indices = @transform_0, window_bounds = array<i64: 1024, 256>}, {pipeline_mode = #tpu.pipeline_mode<synchronous>, transform_indices = @transform_1, window_bounds = array<i64: 256, 256>}, {transform_indices = @transform_2, window_bounds = array<i64: 1024>}, {transform_indices = @transform_3, window_bounds = array<i64: 1024>}, {transform_indices = @transform_4, window_bounds = array<i64: 1024, 128>}, {transform_indices = @transform_5, window_bounds = array<i64: 1024, 128>}]} {
    %get3A = arith.constant 0 : index
    %get3A_0 = vector.load %arg3[%get3A] : memref<1024xf32, #tpu.memory_space<vmem>>, vector<1024xf32>
    %get3A_1 = arith.constant 0 : index
    %get3A_2 = vector.load %arg4[%get3A_1] : memref<1024xf32, #tpu.memory_space<vmem>>, vector<1024xf32>
    %add3A = arith.addf %get3A_0, %get3A_2 : vector<1024xf32>
    %add3A_3 = arith.constant 1.000000e+00 : f32
    %add3A_4 = vector.broadcast %add3A_3 : f32 to vector<1024xf32>
    %add3A_5 = arith.addf %add3A, %add3A_4 : vector<1024xf32>
    %rsqrt3A = math.rsqrt %add3A_5 : vector<1024xf32>
    %get3A_6 = arith.constant 0 : index
    %get3A_7 = arith.constant 0 : index
    %get3A_8 = vector.load %arg1[%get3A_6, %get3A_7] : memref<1024x256xf32, #tpu.memory_space<vmem>>, vector<1024x256xf32>
    %get3A_9 = arith.constant 0 : index
    %get3A_10 = arith.constant 0 : index
    %get3A_11 = vector.load %arg2[%get3A_9, %get3A_10] : memref<256x256xf32, #tpu.memory_space<vmem>>, vector<256x256xf32>
    %dot_general3A = arith.constant dense<0.000000e+00> : vector<1024x256xf32>
    %dot_general3A_12 = tpu.matmul %get3A_8, %get3A_11, %dot_general3A {dimension_numbers = #tpu.dot_dimension_numbers<[1], [0], [0], [1], [0, 0, 1, 1], [], []>, transpose_lhs_hint = false} : vector<1024x256xf32>, vector<256x256xf32>, vector<1024x256xf32> -> vector<1024x256xf32>
    %broadcast_in_dim3A = vector.shape_cast %rsqrt3A : vector<1024xf32> to vector<1024x1xf32>
    %mul3A = vector.broadcast %broadcast_in_dim3A : vector<1024x1xf32> to vector<1024x256xf32>
    %mul3A_13 = arith.mulf %dot_general3A_12, %mul3A : vector<1024x256xf32>
    %slice3A = vector.extract_strided_slice %mul3A_13 {offsets = [0, 0], sizes = [1024, 128], strides = [1, 1]} : vector<1024x256xf32> to vector<1024x128xf32>
    %swap3A = arith.constant 0 : index
    %swap3A_14 = arith.constant 0 : index
    %swap3A_15 = vector.load %arg5[%swap3A, %swap3A_14] : memref<1024x128xf32, #tpu.memory_space<vmem>>, vector<1024x128xf32>
    tpu.vector_store %arg5[%swap3A, %swap3A_14], %slice3A {strides = array<i32>} : memref<1024x128xf32, #tpu.memory_space<vmem>>, vector<1024x128xf32>,
    %slice3A_16 = vector.extract_strided_slice %mul3A_13 {offsets = [0, 128], sizes = [1024, 128], strides = [1, 1]} : vector<1024x256xf32> to vector<1024x128xf32>
    %swap3A_17 = arith.constant 0 : index
    %swap3A_18 = arith.constant 0 : index
    %swap3A_19 = vector.load %arg6[%swap3A_17, %swap3A_18] : memref<1024x128xf32, #tpu.memory_space<vmem>>, vector<1024x128xf32>
    tpu.vector_store %arg6[%swap3A_17, %swap3A_18], %slice3A_16 {strides = array<i32>} : memref<1024x128xf32, #tpu.memory_space<vmem>>, vector<1024x128xf32>,
    return
  }
  func.func @transform_0(%arg0: i32) -> (i32, i32) {
    %c0_i32 = arith.constant 0 : i32
    %c0_i32_0 = arith.constant 0 : i32
    return %arg0, %c0_i32 : i32, i32
  }
  func.func @transform_1(%arg0: i32) -> (i32, i32) {
    %c0_i32 = arith.constant 0 : i32
    %c0_i32_0 = arith.constant 0 : i32
    %c0_i32_1 = arith.constant 0 : i32
    return %c0_i32, %c0_i32_0 : i32, i32
  }
  func.func @transform_2(%arg0: i32) -> i32 {
    %c0_i32 = arith.constant 0 : i32
    return %arg0 : i32
  }
  func.func @transform_3(%arg0: i32) -> i32 {
    %c0_i32 = arith.constant 0 : i32
    return %arg0 : i32
  }
  func.func @transform_4(%arg0: i32) -> (i32, i32) {
    %c0_i32 = arith.constant 0 : i32
    %c0_i32_0 = arith.constant 0 : i32
    return %arg0, %c0_i32 : i32, i32
  }
  func.func @transform_5(%arg0: i32) -> (i32, i32) {
    %c0_i32 = arith.constant 0 : i32
    %c0_i32_0 = arith.constant 0 : i32
    return %arg0, %c0_i32 : i32, i32
  }
}

module attributes {stable_mosaic.version = 14 : i64} {
  func.func @_mm2_body(%arg0: i32, %arg1: memref<1024x128xf32, #tpu.memory_space<vmem>>, %arg2: memref<1024x128xf32, #tpu.memory_space<vmem>>, %arg3: memref<1024xf32, #tpu.memory_space<vmem>>, %arg4: memref<1024xf32, #tpu.memory_space<vmem>>, %arg5: memref<256xf32, #tpu.memory_space<vmem>>, %arg6: memref<256x256xf32, #tpu.memory_space<vmem>>, %arg7: memref<1024x128xf32, #tpu.memory_space<vmem>>, %arg8: memref<1024x128xf32, #tpu.memory_space<vmem>>) attributes {dimension_semantics = [#tpu.dimension_semantics<arbitrary>], iteration_bounds = array<i64: 10>, scalar_prefetch = 0 : i64, scratch_operands = 0 : i64, tpu.core_type = #tpu.core_type<tc>, window_params = [{transform_indices = @transform_0, window_bounds = array<i64: 1024, 128>}, {transform_indices = @transform_1, window_bounds = array<i64: 1024, 128>}, {transform_indices = @transform_2, window_bounds = array<i64: 1024>}, {transform_indices = @transform_3, window_bounds = array<i64: 1024>}, {pipeline_mode = #tpu.pipeline_mode<synchronous>, transform_indices = @transform_4, window_bounds = array<i64: 256>}, {pipeline_mode = #tpu.pipeline_mode<synchronous>, transform_indices = @transform_5, window_bounds = array<i64: 256, 256>}, {transform_indices = @transform_6, window_bounds = array<i64: 1024, 128>}, {transform_indices = @transform_7, window_bounds = array<i64: 1024, 128>}]} {
    %get3A = arith.constant 0 : index
    %get3A_0 = vector.load %arg3[%get3A] : memref<1024xf32, #tpu.memory_space<vmem>>, vector<1024xf32>
    %get3A_1 = arith.constant 0 : index
    %get3A_2 = vector.load %arg4[%get3A_1] : memref<1024xf32, #tpu.memory_space<vmem>>, vector<1024xf32>
    %add3A = arith.addf %get3A_0, %get3A_2 : vector<1024xf32>
    %add3A_3 = arith.constant 1.000000e+00 : f32
    %add3A_4 = vector.broadcast %add3A_3 : f32 to vector<1024xf32>
    %add3A_5 = arith.addf %add3A, %add3A_4 : vector<1024xf32>
    %rsqrt3A = math.rsqrt %add3A_5 : vector<1024xf32>
    %get3A_6 = arith.constant 0 : index
    %get3A_7 = arith.constant 0 : index
    %get3A_8 = vector.load %arg1[%get3A_6, %get3A_7] : memref<1024x128xf32, #tpu.memory_space<vmem>>, vector<1024x128xf32>
    %get3A_9 = arith.constant 0 : index
    %get3A_10 = arith.constant 0 : index
    %get3A_11 = vector.load %arg2[%get3A_9, %get3A_10] : memref<1024x128xf32, #tpu.memory_space<vmem>>, vector<1024x128xf32>
    %concatenate3A = tpu.concatenate %get3A_8, %get3A_11 in 1 : vector<1024x128xf32>, vector<1024x128xf32> -> vector<1024x256xf32>
    %broadcast_in_dim3A = vector.shape_cast %rsqrt3A : vector<1024xf32> to vector<1024x1xf32>
    %mul3A = vector.broadcast %broadcast_in_dim3A : vector<1024x1xf32> to vector<1024x256xf32>
    %mul3A_12 = arith.mulf %concatenate3A, %mul3A : vector<1024x256xf32>
    %get3A_13 = arith.constant 0 : index
    %get3A_14 = vector.load %arg5[%get3A_13] : memref<256xf32, #tpu.memory_space<vmem>>, vector<256xf32>
    %broadcast_in_dim3A_15 = vector.shape_cast %get3A_14 : vector<256xf32> to vector<1x256xf32>
    %add3A_16 = vector.broadcast %broadcast_in_dim3A_15 : vector<1x256xf32> to vector<1024x256xf32>
    %add3A_17 = arith.addf %mul3A_12, %add3A_16 : vector<1024x256xf32>
    %max3A = arith.constant 0.000000e+00 : f32
    %max3A_18 = vector.broadcast %max3A : f32 to vector<1024x256xf32>
    %max3A_19 = arith.maximumf %add3A_17, %max3A_18 : vector<1024x256xf32>
    %get3A_20 = arith.constant 0 : index
    %get3A_21 = arith.constant 0 : index
    %get3A_22 = vector.load %arg6[%get3A_20, %get3A_21] : memref<256x256xf32, #tpu.memory_space<vmem>>, vector<256x256xf32>
    %dot_general3A = arith.constant dense<0.000000e+00> : vector<1024x256xf32>
    %dot_general3A_23 = tpu.matmul %max3A_19, %get3A_22, %dot_general3A {dimension_numbers = #tpu.dot_dimension_numbers<[1], [0], [0], [1], [0, 0, 1, 1], [], []>, transpose_lhs_hint = false} : vector<1024x256xf32>, vector<256x256xf32>, vector<1024x256xf32> -> vector<1024x256xf32>
    %broadcast_in_dim3A_24 = vector.shape_cast %rsqrt3A : vector<1024xf32> to vector<1024x1xf32>
    %mul3A_25 = vector.broadcast %broadcast_in_dim3A_24 : vector<1024x1xf32> to vector<1024x256xf32>
    %mul3A_26 = arith.mulf %dot_general3A_23, %mul3A_25 : vector<1024x256xf32>
    %slice3A = vector.extract_strided_slice %mul3A_26 {offsets = [0, 0], sizes = [1024, 128], strides = [1, 1]} : vector<1024x256xf32> to vector<1024x128xf32>
    %swap3A = arith.constant 0 : index
    %swap3A_27 = arith.constant 0 : index
    %swap3A_28 = vector.load %arg7[%swap3A, %swap3A_27] : memref<1024x128xf32, #tpu.memory_space<vmem>>, vector<1024x128xf32>
    tpu.vector_store %arg7[%swap3A, %swap3A_27], %slice3A {strides = array<i32>} : memref<1024x128xf32, #tpu.memory_space<vmem>>, vector<1024x128xf32>,
    %slice3A_29 = vector.extract_strided_slice %mul3A_26 {offsets = [0, 128], sizes = [1024, 128], strides = [1, 1]} : vector<1024x256xf32> to vector<1024x128xf32>
    %swap3A_30 = arith.constant 0 : index
    %swap3A_31 = arith.constant 0 : index
    %swap3A_32 = vector.load %arg8[%swap3A_30, %swap3A_31] : memref<1024x128xf32, #tpu.memory_space<vmem>>, vector<1024x128xf32>
    tpu.vector_store %arg8[%swap3A_30, %swap3A_31], %slice3A_29 {strides = array<i32>} : memref<1024x128xf32, #tpu.memory_space<vmem>>, vector<1024x128xf32>,
    return
  }
  func.func @transform_0(%arg0: i32) -> (i32, i32) {
    %c0_i32 = arith.constant 0 : i32
    %c0_i32_0 = arith.constant 0 : i32
    return %arg0, %c0_i32 : i32, i32
  }
  func.func @transform_1(%arg0: i32) -> (i32, i32) {
    %c0_i32 = arith.constant 0 : i32
    %c0_i32_0 = arith.constant 0 : i32
    return %arg0, %c0_i32 : i32, i32
  }
  func.func @transform_2(%arg0: i32) -> i32 {
    %c0_i32 = arith.constant 0 : i32
    return %arg0 : i32
  }
  func.func @transform_3(%arg0: i32) -> i32 {
    %c0_i32 = arith.constant 0 : i32
    return %arg0 : i32
  }
  func.func @transform_4(%arg0: i32) -> i32 {
    %c0_i32 = arith.constant 0 : i32
    %c0_i32_0 = arith.constant 0 : i32
    return %c0_i32 : i32
  }
  func.func @transform_5(%arg0: i32) -> (i32, i32) {
    %c0_i32 = arith.constant 0 : i32
    %c0_i32_0 = arith.constant 0 : i32
    %c0_i32_1 = arith.constant 0 : i32
    return %c0_i32, %c0_i32_0 : i32, i32
  }
  func.func @transform_6(%arg0: i32) -> (i32, i32) {
    %c0_i32 = arith.constant 0 : i32
    %c0_i32_0 = arith.constant 0 : i32
    return %arg0, %c0_i32 : i32, i32
  }
  func.func @transform_7(%arg0: i32) -> (i32, i32) {
    %c0_i32 = arith.constant 0 : i32
    %c0_i32_0 = arith.constant 0 : i32
    return %arg0, %c0_i32 : i32, i32
  }
}

module attributes {stable_mosaic.version = 14 : i64} {
  func.func @_final_body(%arg0: i32, %arg1: memref<1024x128xf32, #tpu.memory_space<vmem>>, %arg2: memref<1024x128xf32, #tpu.memory_space<vmem>>, %arg3: memref<1024xf32, #tpu.memory_space<vmem>>, %arg4: memref<1024xf32, #tpu.memory_space<vmem>>, %arg5: memref<256xf32, #tpu.memory_space<vmem>>, %arg6: memref<1024x256xf32, #tpu.memory_space<vmem>>) attributes {dimension_semantics = [#tpu.dimension_semantics<arbitrary>], iteration_bounds = array<i64: 10>, scalar_prefetch = 0 : i64, scratch_operands = 0 : i64, tpu.core_type = #tpu.core_type<tc>, window_params = [{transform_indices = @transform_0, window_bounds = array<i64: 1024, 128>}, {transform_indices = @transform_1, window_bounds = array<i64: 1024, 128>}, {transform_indices = @transform_2, window_bounds = array<i64: 1024>}, {transform_indices = @transform_3, window_bounds = array<i64: 1024>}, {pipeline_mode = #tpu.pipeline_mode<synchronous>, transform_indices = @transform_4, window_bounds = array<i64: 256>}, {transform_indices = @transform_5, window_bounds = array<i64: 1024, 256>}]} {
    %get3A = arith.constant 0 : index
    %get3A_0 = vector.load %arg3[%get3A] : memref<1024xf32, #tpu.memory_space<vmem>>, vector<1024xf32>
    %get3A_1 = arith.constant 0 : index
    %get3A_2 = vector.load %arg4[%get3A_1] : memref<1024xf32, #tpu.memory_space<vmem>>, vector<1024xf32>
    %add3A = arith.addf %get3A_0, %get3A_2 : vector<1024xf32>
    %add3A_3 = arith.constant 1.000000e+00 : f32
    %add3A_4 = vector.broadcast %add3A_3 : f32 to vector<1024xf32>
    %add3A_5 = arith.addf %add3A, %add3A_4 : vector<1024xf32>
    %rsqrt3A = math.rsqrt %add3A_5 : vector<1024xf32>
    %get3A_6 = arith.constant 0 : index
    %get3A_7 = arith.constant 0 : index
    %get3A_8 = vector.load %arg1[%get3A_6, %get3A_7] : memref<1024x128xf32, #tpu.memory_space<vmem>>, vector<1024x128xf32>
    %get3A_9 = arith.constant 0 : index
    %get3A_10 = arith.constant 0 : index
    %get3A_11 = vector.load %arg2[%get3A_9, %get3A_10] : memref<1024x128xf32, #tpu.memory_space<vmem>>, vector<1024x128xf32>
    %concatenate3A = tpu.concatenate %get3A_8, %get3A_11 in 1 : vector<1024x128xf32>, vector<1024x128xf32> -> vector<1024x256xf32>
    %broadcast_in_dim3A = vector.shape_cast %rsqrt3A : vector<1024xf32> to vector<1024x1xf32>
    %mul3A = vector.broadcast %broadcast_in_dim3A : vector<1024x1xf32> to vector<1024x256xf32>
    %mul3A_12 = arith.mulf %concatenate3A, %mul3A : vector<1024x256xf32>
    %get3A_13 = arith.constant 0 : index
    %get3A_14 = vector.load %arg5[%get3A_13] : memref<256xf32, #tpu.memory_space<vmem>>, vector<256xf32>
    %broadcast_in_dim3A_15 = vector.shape_cast %get3A_14 : vector<256xf32> to vector<1x256xf32>
    %add3A_16 = vector.broadcast %broadcast_in_dim3A_15 : vector<1x256xf32> to vector<1024x256xf32>
    %add3A_17 = arith.addf %mul3A_12, %add3A_16 : vector<1024x256xf32>
    %reduce_max3A = arith.constant dense<0xFF800000> : vector<1024xf32>
    %reduce_max3A_18 = vector.multi_reduction <maximumf>, %add3A_17, %reduce_max3A [1] : vector<1024x256xf32> to vector<1024xf32>
    %broadcast_in_dim3A_19 = vector.shape_cast %reduce_max3A_18 : vector<1024xf32> to vector<1024x1xf32>
    %sub3A = vector.broadcast %broadcast_in_dim3A_19 : vector<1024x1xf32> to vector<1024x256xf32>
    %sub3A_20 = arith.subf %add3A_17, %sub3A : vector<1024x256xf32>
    %exp3A = math.exp %sub3A_20 : vector<1024x256xf32>
    %reduce_sum3A = arith.constant dense<0.000000e+00> : vector<1024xf32>
    %reduce_sum3A_21 = vector.multi_reduction <add>, %exp3A, %reduce_sum3A [1] : vector<1024x256xf32> to vector<1024xf32>
    %broadcast_in_dim3A_22 = vector.shape_cast %reduce_sum3A_21 : vector<1024xf32> to vector<1024x1xf32>
    %log3A = math.log %broadcast_in_dim3A_22 : vector<1024x1xf32>
    %add3A_23 = arith.addf %log3A, %broadcast_in_dim3A_19 : vector<1024x1xf32>
    %sub3A_24 = vector.broadcast %add3A_23 : vector<1024x1xf32> to vector<1024x256xf32>
    %sub3A_25 = arith.subf %add3A_17, %sub3A_24 : vector<1024x256xf32>
    %swap3A = arith.constant 0 : index
    %swap3A_26 = arith.constant 0 : index
    %swap3A_27 = vector.load %arg6[%swap3A, %swap3A_26] : memref<1024x256xf32, #tpu.memory_space<vmem>>, vector<1024x256xf32>
    tpu.vector_store %arg6[%swap3A, %swap3A_26], %sub3A_25 {strides = array<i32>} : memref<1024x256xf32, #tpu.memory_space<vmem>>, vector<1024x256xf32>,
    return
  }
  func.func @transform_0(%arg0: i32) -> (i32, i32) {
    %c0_i32 = arith.constant 0 : i32
    %c0_i32_0 = arith.constant 0 : i32
    return %arg0, %c0_i32 : i32, i32
  }
  func.func @transform_1(%arg0: i32) -> (i32, i32) {
    %c0_i32 = arith.constant 0 : i32
    %c0_i32_0 = arith.constant 0 : i32
    return %arg0, %c0_i32 : i32, i32
  }
  func.func @transform_2(%arg0: i32) -> i32 {
    %c0_i32 = arith.constant 0 : i32
    return %arg0 : i32
  }
  func.func @transform_3(%arg0: i32) -> i32 {
    %c0_i32 = arith.constant 0 : i32
    return %arg0 : i32
  }
  func.func @transform_4(%arg0: i32) -> i32 {
    %c0_i32 = arith.constant 0 : i32
    %c0_i32_0 = arith.constant 0 : i32
    return %c0_i32 : i32
  }
  func.func @transform_5(%arg0: i32) -> (i32, i32) {
    %c0_i32 = arith.constant 0 : i32
    %c0_i32_0 = arith.constant 0 : i32
    return %arg0, %c0_i32 : i32, i32
  }
}

</mosaic_0001>

<sc_bundles>
// kernel: kernel.10.cloned.1.call-start
scs
__scs_entry_jumppad:
0x0: {  	(pc) =	sbr.rel $0x88, $3  }
0x1: {  	(tag) =	ssettag $0x0;
	lr =	simm.s32 $0x1  }
0x2: {  	[smem:$0x3F99] =	sst lr;
	_ =	strace $0xD0000000  }
0x3: {  	_ = 	snop  }
0x4: {  	_ = 	snop  }
0x5: {  	_ = 	snop  }
0x6: {  	_ = 	snop  }
0x7: {  	_ = 	snop  }
__scs_overlays_trampoline_lowered:
0x8: {  	[smem:$0x3FA8] =	sst s0  }
0x9: {  	[smem:$0x3FA9] =	sst s1  }
0xa: {  	[smem:$0x3FAA] =	sst s2  }
0xb: {  	[smem:$0x3FAB] =	sst s3  }
0xc: {  	[smem:$0x3FAC] =	sst s4  }
0xd: {  	[smem:$0x3FAD] =	sst s5  }
0xe: {  	[smem:$0x3FAE] =	sst s6  }
0xf: {  	[smem:$0x3FAF] =	sst s7  }
0x10: {  	[smem:$0x3FB0] =	sst s8  }
0x11: {  	[smem:$0x3FB1] =	sst s9;
	s0 =	simm.s32 @!p0 $0x0  }
0x12: {  	s1 =	sld [smem:$0x3F97];
	s0 =	simm.s32 @p0 $0x1  }
0x13: {  	[smem:$0x3FB2] =	sst s0;
	s0 =	simm.s32 @!p1 $0x0  }
0x14: {  	s2 =	sld [smem:$0x3F96];
	s0 =	simm.s32 @p1 $0x1  }
0x15: {  	[smem:$0x3FB3] =	sst s0;
	s0 =	simm.s32 @!p2 $0x0  }
0x16: {  	s3 =	sld [smem:$0x3FDB];
	s0 =	simm.s32 @p2 $0x1  }
0x17: {  	s4 =	simm.s32 $0x1BF5;
	[smem:$0x3FB5] =	sst s0  }
0x18: {  	s0 =	sld [smem:$0x3F98];
	_ =	swait.ge [sflag:s4], $0x0  }
0x19: {  	s7 =	sld [smem:$0x3F99]  }
0x1a: {  	s8 =	sadd.s32 $0xFFFFE003, lr  }
0x1b: {  	s9 =	sadd.s32 $0xFFFFFEF7, lr;
	s5 =	simm.s32 $0xFFFFFFFF;
	p2 =	slt.u32 s8, $0xFFFFF086  }
0x1c: {  	p1 =	slt.u32 s9, $0xF7A;
	s5 =	simm.s32 @!p2 $0x0  }
0x1d: {  	s5 =	simm.s32 @p1 $0x1;
	p0 =	seq.s32 s7, s2  }
0x1e: {  	s7 =	smul.u32 @!p0 $0xF7A, s2;
	p2 =	seq.s32 @!p0 s5, $0x0  }
0x1f: {  	s9 =	smul.u32 $0xF7A, s1;
	s8 =	simm.s32 @!p0 $0x1BF5;
	p2 =	por !p2, p0  }
0x20: {  	[sflag:s8] =	ssyncset.s32 @!p0 $0xFFFFF086;
	s6 =	sadd.s32 @!p0 s3, s7;
	s7 =	simm.s32 @!p0 $0x108  }
0x21: {  	s3 =	sadd.s32 s3, s9;
	s6 =	sadd.s32 @!p0 $0x88, s6;
	s7 =	simm.s32 @p2 $0x1082  }
0x22: {  	[simem:s7], [sflag:s8] =	dma.local @!p0 [hbm:s6], $0xF7A  }
0x23: {  	s9 =	sor.u32 $0xD0000000, s2;
	s6 =	simm.s32 $0x108;
	_ =	swait.ge @!p0 [sflag:s8], $0x0  }
0x24: {  	s3 =	sadd.s32 $0x88, s3;
	s6 =	simm.s32 @!p1 $0x1082;
	[sflag:s4] =	ssyncset.s32 $0xFFFFF086  }
0x25: {  	[simem:s6], [sflag:s4] =	dma.local [hbm:s3], $0xF7A  }
0x26: {  	[smem:$0x3F99] =	sst s1;
	(tag) =	ssettag s2;
	_ =	strace s9  }
0x27: {  	s1 =	sld [smem:$0x3FA9]  }
0x28: {  	s2 =	sld [smem:$0x3FAA]  }
0x29: {  	s4 =	sld [smem:$0x3FAC]  }
0x2a: {  	p0 =	seq.s32 s5, $0x0;
	s5 =	sld [smem:$0x3FAD]  }
0x2b: {  	s6 =	sld [smem:$0x3FAE]  }
0x2c: {  	s7 =	sld [smem:$0x3FAF]  }
0x2d: {  	s3 =	simm.s32 $0x108;
	s8 =	sld [smem:$0x3FB0]  }
0x2e: {  	s3 =	simm.s32 @!p0 $0x1082;
	s9 =	sld [smem:$0x3FB1]  }
0x2f: {  	lr =	sadd.s32 s0, s3;
	s0 =	sld [smem:$0x3FA8]  }
0x30: {  	s3 =	sld [smem:$0x3FAB]  }
0x31: {  	[smem:$0x3FB4] =	sst s10  }
0x32: {  	s10 =	sld [smem:$0x3FB2];
	_ =	sdelay $0x3  }
0x33: {  	p0 =	seq.s32 s10, $0x1;
	s10 =	sld [smem:$0x3FB4];
	_ =	sdelay $0x3  }
0x34: {  	[smem:$0x3FB4] =	sst s10  }
0x35: {  	s10 =	sld [smem:$0x3FB3];
	_ =	sdelay $0x3  }
0x36: {  	p1 =	seq.s32 s10, $0x1;
	s10 =	sld [smem:$0x3FB4];
	_ =	sdelay $0x3  }
0x37: {  	[smem:$0x3FB4] =	sst s10  }
0x38: {  	s10 =	sld [smem:$0x3FB5]  }
0x39: {  	_ = 	snop;
	(pc) =	sbr.ind lr, $3  }
0x3a: {  	_ = 	snop  }
0x3b: {  	_ = 	snop  }
0x3c: {  	p2 =	seq.s32 s10, $0x1;
	s10 =	sld [smem:$0x3FB4]  }
0x3d: {  	_ =	shalt  }
0x3e: {  	_ =	shalt  }
0x3f: {  	_ =	shalt  }
0x40: {  	_ =	shalt  }
0x41: {  	_ =	shalt  }
0x42: {  	_ =	shalt  }
0x43: {  	_ =	shalt  }
0x44: {  	_ =	shalt  }
0x45: {  	_ =	shalt  }
0x46: {  	_ =	shalt  }
0x47: {  	_ =	shalt  }
0x48: {  	_ =	shalt  }
0x49: {  	_ =	shalt  }
0x4a: {  	_ =	shalt  }
0x4b: {  	_ =	shalt  }
0x4c: {  	_ =	shalt  }
0x4d: {  	_ =	shalt  }
0x4e: {  	_ =	shalt  }
0x4f: {  	_ =	shalt  }
0x50: {  	_ =	shalt  }
0x51: {  	_ =	shalt  }
0x52: {  	_ =	shalt  }
0x53: {  	_ =	shalt  }
0x54: {  	_ =	shalt  }
0x55: {  	_ =	shalt  }
0x56: {  	_ =	shalt  }
0x57: {  	_ =	shalt  }
0x58: {  	_ =	shalt  }
0x59: {  	_ =	shalt  }
0x5a: {  	_ =	shalt  }
0x5b: {  	_ =	shalt  }
0x5c: {  	_ =	shalt  }
0x5d: {  	_ =	shalt  }
0x5e: {  	_ =	shalt  }
0x5f: {  	_ =	shalt  }
0x60: {  	_ =	shalt  }
0x61: {  	_ =	shalt  }
0x62: {  	_ =	shalt  }
0x63: {  	_ =	shalt  }
0x64: {  	_ =	shalt  }
0x65: {  	_ =	shalt  }
0x66: {  	_ =	shalt  }
0x67: {  	_ =	shalt  }
0x68: {  	_ =	shalt  }
0x69: {  	_ =	shalt  }
0x6a: {  	_ =	shalt  }
0x6b: {  	_ =	shalt  }
0x6c: {  	_ =	shalt  }
0x6d: {  	_ =	shalt  }
0x6e: {  	_ =	shalt  }
0x6f: {  	_ =	shalt  }
0x70: {  	_ =	shalt  }
0x71: {  	_ =	shalt  }
0x72: {  	_ =	shalt  }
0x73: {  	_ =	shalt  }
0x74: {  	_ =	shalt  }
0x75: {  	_ =	shalt  }
0x76: {  	_ =	shalt  }
0x77: {  	_ =	shalt  }
0x78: {  	_ =	shalt  }
0x79: {  	_ =	shalt  }
0x7a: {  	_ =	shalt  }
0x7b: {  	_ =	shalt  }
0x7c: {  	_ =	shalt  }
0x7d: {  	_ =	shalt  }
0x7e: {  	_ =	shalt  }
0x7f: {  	_ =	shalt  }
0x80: {  	_ =	shalt  }
0x81: {  	_ =	shalt  }
0x82: {  	_ =	shalt  }
0x83: {  	_ =	shalt  }
0x84: {  	_ =	shalt  }
0x85: {  	_ =	shalt  }
0x86: {  	_ =	shalt  }
0x87: {  	_ =	shalt  }
.Lfunc_end0:
.L_simem_size_0:
called_computation_lowered:
.L_overlay_start_0:
0x88: {  	s2 =	sld [smem:$0x3FD9]  }
0x89: {  	s3 =	sld [smem:$0x3FFE];
	_ =	sdelay $0x1  }
0x8a: {  	s1 =	srdreg.scid  }
0x8b: {  	s0 =	sand.u32 $0x1, s1  }
0x8c: {  	s17 =	sshll.u32 s0, $0xA;
	s2 =	sadd.s32 s3, s2  }
0x8d: {  	s2 =	sadd.s32 s2, s17  }
0x8e: {  	[smem:$0x3FC0] =	sst s2  }
0x8f: {  	_ = 	snop  }
0x90: {  	s2 =	sld [smem:$0x3FD0];
	(tm) =	ssettm $0x1  }
0x91: {  	s18 =	sld [smem:$0x3FFB];
	_ =	sdelay $0x3  }
0x92: {  	_ =	strace s18  }
0x93: {  	s3 =	sld [smem:$0x3FFC];
	_ =	sdelay $0x3  }
0x94: {  	_ =	strace s3  }
0x95: {  	s3 =	sld [smem:$0x3FFD];
	_ =	sdelay $0x3  }
0x96: {  	_ =	strace s3  }
0x97: {  	_ =	strace $0x8FFFFFFF  }
0x98: {  	s19 =	sld [smem:$0x3FDB];
	_ =	sdelay $0x1  }
0x99: {  	s4 =	simm.s32 $_scs_section_size  }
0x9a: {  	s5 =	simm.s32 $_size__tile_overlayer_lowered;
	s6 =	simm.s32 $_tile_overlayer_lowered  }
0x9b: {  	s22 =	simm.s32 $0x1BFF;
	s21 =	sshll.u32 s6, $0x1;
	s3 =	sadd.s32 s4, s19  }
0x9c: {  	s7 =	simm.s32 $0x0;
	s20 =	sshll.u32 s5, $0x1;
	s5 =	sadd.s32 s21, s3  }
0x9d: {  	[timem:s7], [sflag:s22] =	dma.local [hbm:s5], s20  }
0x9e: {  	_ =	swait.ge [sflag:s22], s20  }
0x9f: {  	s4 =	ssub.s32 $0x0, s20;
	[sflag:s22] =	ssyncset.done $0x0  }
0xa0: {  	[sflag:s22] =	ssyncadd.s32 s4;
	_ =	sdelay $0x1  }
0xa1: {  	s23 =	simm.s32 $0x1B8B  }
0xa2: {  	_ =	swait.ge [sflag:s23], $0x1  }
0xa3: {  	[sflag:s23] =	ssyncset.done $0x0  }
0xa4: {  	s25 =	simm.s32 $0x1B8E;
	s24 =	sld [smem:$0x3FFE];
	[sflag:s23] =	ssyncadd.s32 $0xFFFFFFFF  }
0xa5: {  	s26 =	simm.s32 $execute0_lowered;
	[smem:$0x3FD2] =	sst s25  }
0xa6: {  	s5 =	sshll.u32 s26, $0x1;
	_ =	strace $0x80000046;
	[dreg:$0x1] =	wrdreg $0xFFFFFFFF  }
0xa7: {  	s28 =	simm.s32 $_size_execute0_lowered;
	s3 =	sadd.s32 s3, s5;
	[dreg:$0x0] =	wrdreg $0x0  }
0xa8: {  	s5 =	sshll.u32 s28, $0x1;
	[dreg:$0x2] =	wrdreg s3  }
0xa9: {  	[dreg:$0x3] =	wrdreg s5  }
0xaa: {  	[dreg:$0x4] =	wrdreg $0xC0  }
0xab: {  	_ =	task [dreg:s7], $0x5FFFF  }
0xac: {  	[dreg:$0x1] =	wrdreg $0xFFFFFFFF  }
0xad: {  	[dreg:$0x0] =	wrdreg $0x60  }
0xae: {  	[dreg:$0x2] =	wrdreg s2  }
0xaf: {  	[dreg:$0x3] =	wrdreg s24  }
0xb0: {  	[dreg:$0x4] =	wrdreg $0x17000  }
0xb1: {  	[dreg:$0x5] =	wrdreg $0x9  }
0xb2: {  	_ =	task.clear_ibuf [dreg:s7], $0x6FFFF;
	_ =	strace $0x90000046  }
0xb3: {  	s29 =	simm.s32 $0x9;
	_ =	strace $0x80000048  }
0xb4: {  	_ =	swait.ge [sflag:s29], $0x1  }
0xb5: {  	[sflag:s29] =	ssyncadd.s32 $0xFFFFFFFF  }
0xb6: {  	_ =	strace $0x90000048  }
0xb7: {  	_ =	sfence  }
0xb8: {  	s30 =	sld [smem:$0x0];
	_ =	sdelay $0x2  }
0xb9: {  	s31 =	sshll.u32 s1, $0xD;
	s1 =	sshrl.u32 s1, $0x2  }
0xba: {  	s3 =	sand.u32 $0x4000, s31;
	s1 =	sadd.s32 s1, s30  }
0xbb: {  	s0 =	sor.u32 s3, s0;
	s1 =	sshll.u32 s1, $0x11  }
0xbc: {  	s0 =	sor.u32 s1, s0  }
0xbd: {  	s0 =	sadd.s32 $0x8F2B, s0  }
0xbe: {  	[sflag:s0] =	ssyncadd.remote.s32 $0x1  }
0xbf: {  	_ =	sfence.sel $0xFFFF  }
0xc0: {  	[dreg:$0x0] =	wrdreg $0xFFFFFFFF;
	(pc) =	sbr.abs _section_cstart, $3  }
0xc1: {  	[dreg:$0x1] =	wrdreg $0xFFFFFFFF  }
0xc2: {  	_ =	task.clear_ibuf [dreg:s7], $0x2FFFF;
	_ =	strace $0x9FFFFFFF  }
0xc3: {  	(tm) =	ssettm $0x7FFFFFFF  }
tec
execute0_lowered:
.L_overlay_start_1:
0x0: {  	(tag) =	ssettag $0x1  }
0x1: {  	s5 =	rddreg [dreg:$0x0]  }
0x2: {  	s7 =	rddreg [dreg:$0x1]  }
0x3: {  	s1 =	rddreg [dreg:$0x2];
	s2 =	srdreg.scid  }
0x4: {  	s0 =	rddreg [dreg:$0x3];
	s3 =	simm.s32 $0x0;
	s11 =	simm.s32 $0x1400  }
0x5: {  	s14 =	simm.s32 $0x0;
	s4 =	sand.u32 $0x1, s2;
	[smem:$0x7FF] =	sst s3  }
0x6: {  	s2 =	stileid.u32;
	s6 =	sshll.u32 s4, $0x4;
	s8 =	ssub.s32 $0x2, s4  }
0x7: {  	s9 =	smul.u32 $0x280, s2;
	_ =	strace $0x80000047;
	p0 =	seq.s32 s4, $0x1  }
0x8: {  	s12 =	sshll.u32 s2, $0x6;
	s6 =	sor.u32 s2, s6;
	s10 =	sshrl.u32 s8, $0x1  }
0x9: {  	s12 =	sor.u32 $0x1C01, s12;
	s6 =	smul.u32 $0x280, s6;
	s8 =	ssub.s32 s8, s10  }
0xa: {  	s10 =	simm.s32 $0x9E00;
	s4 =	sadd.s32 s9, s1;
	s9 =	sshrl.u32 s9, $0x3  }
0xb: {  	s10 =	simm.s32 @!p0 $0x9800;
	s13 =	sshrl.u32 s4, $0x3;
	s5 =	sadd.s32 s5, s6  }
0xc: {  	s6 =	smax.u32 s8, $0x1;
	s7 =	sadd.s32 s10, s7;
	s8 =	simm.s32 $0x1480  }
0xd: {  	v0 =	vimm.f32 $1.000000000e+00;
	v1 =	vimm.f32 $0.0e+00;
	s10 =	simm.s32 $0x80;
	s7 =	sadd.s32 s7, s9;
	s9 =	simm.s32 $0x1  }
.LBB2_1:
0xe: {  	[tilespmem:$0x1400] =	vst v0  }
0xf: {  	[tilespmem:$0x1410] =	vst v0  }
0x10: {  	[tilespmem:$0x1420] =	vst v0  }
0x11: {  	[tilespmem:$0x1430] =	vst v0  }
0x12: {  	[tilespmem:$0x1440] =	vst v0  }
0x13: {  	[tilespmem:$0x1450] =	vst v0  }
0x14: {  	[tilespmem:$0x1460] =	vst v0  }
0x15: {  	[tilespmem:$0x1470] =	vst v0  }
0x16: {  	[tilespmem:$0x1480] =	vst v1  }
0x17: {  	[tilespmem:$0x1490] =	vst v1  }
0x18: {  	[tilespmem:$0x14A0] =	vst v1  }
0x19: {  	[tilespmem:$0x14B0] =	vst v1  }
0x1a: {  	[tilespmem:$0x14C0] =	vst v1  }
0x1b: {  	[tilespmem:$0x14D0] =	vst v1  }
0x1c: {  	[tilespmem:$0x14E0] =	vst v1  }
0x1d: {  	[tilespmem:$0x14F0] =	vst v1  }
0x1e: {  	[tilespmem:$0x1500] =	vst v1  }
0x1f: {  	[tilespmem:$0x1510] =	vst v1  }
0x20: {  	[tilespmem:$0x1520] =	vst v1  }
0x21: {  	[tilespmem:$0x1530] =	vst v1  }
0x22: {  	[tilespmem:$0x1540] =	vst v1  }
0x23: {  	[tilespmem:$0x1550] =	vst v1  }
0x24: {  	[tilespmem:$0x1560] =	vst v1  }
0x25: {  	[tilespmem:$0x1570] =	vst v1  }
0x26: {  	[tilespmem:$0x1580] =	vst v1  }
0x27: {  	[tilespmem:$0x1590] =	vst v1  }
0x28: {  	[tilespmem:$0x15A0] =	vst v1  }
0x29: {  	[tilespmem:$0x15B0] =	vst v1  }
0x2a: {  	[tilespmem:$0x15C0] =	vst v1  }
0x2b: {  	[tilespmem:$0x15D0] =	vst v1  }
0x2c: {  	[tilespmem:$0x15E0] =	vst v1  }
0x2d: {  	[tilespmem:$0x15F0] =	vst v1  }
0x2e: {  	[tilespmem:$0x1600] =	vst v1  }
0x2f: {  	[tilespmem:$0x1610] =	vst v1  }
0x30: {  	[tilespmem:$0x1620] =	vst v1  }
0x31: {  	[tilespmem:$0x1630] =	vst v1  }
0x32: {  	[tilespmem:$0x1640] =	vst v1  }
0x33: {  	[tilespmem:$0x1650] =	vst v1  }
0x34: {  	[tilespmem:$0x1660] =	vst v1  }
0x35: {  	[tilespmem:$0x1670] =	vst v1  }
0x36: {  	[tilespmem:$0x1680] =	vst v1  }
0x37: {  	[tilespmem:$0x1690] =	vst v1  }
0x38: {  	[tilespmem:$0x16A0] =	vst v1  }
0x39: {  	[tilespmem:$0x16B0] =	vst v1  }
0x3a: {  	[tilespmem:$0x16C0] =	vst v1  }
0x3b: {  	[tilespmem:$0x16D0] =	vst v1  }
0x3c: {  	[tilespmem:$0x16E0] =	vst v1  }
0x3d: {  	[tilespmem:$0x16F0] =	vst v1  }
0x3e: {  	[spmem:s4] =	stream.linear.scatter [tilespmem:s8], [sflag:$0x1], $0x280, $0x38;
	[tilespmem:$0x1980] =	vst v63  }
0x3f: {  	_ =	swait.ge [sflag:s9], $0x280  }
0x40: {  	[sflag:s9] =	ssyncset.done $0x0  }
0x41: {  	[sflag:s9] =	ssyncadd.s32 $0xFFFFFD80  }
0x42: {  	[tilespmem:s3], [sflag:$0x1] =	stream.linear.gather [hbm4b:s5+s3], $0x1400, $0x38;
	[tilespmem:$0x1980] =	vst v63  }
0x43: {  	_ =	swait.ge [sflag:s9], $0x1400  }
0x44: {  	[sflag:s9] =	ssyncset.done $0x0  }
0x45: {  	[sflag:s9] =	ssyncadd.s32 $0xFFFFEC00  }
0x46: {  	s15 =	simm.s32 $0x0;
	[bflag:$0x0] =	sbarrier.arrive $0xFFFF  }
0x47: {  	[spmem:s1] =	stream.indirect.scatter.add.f32 [tilespmem:s11], [sflag:$0x1], $0x1, s15, s10, $0xb8;
	[tilespmem:$0x1980] =	vst v63  }
0x48: {  	_ =	swait.ge [sflag:s9], $0x80  }
0x49: {  	s15 =	simm.s32 $0x200;
	[sflag:s9] =	ssyncset.done $0x0  }
.LBB2_2:
0x4a: {  	s16 =	sshra.s32 s15, $0x2;
	[sflag:s9] =	ssyncadd.s32 $0xFFFFFF80;
	p0 =	sne.s32 s15, $0x4E00  }
0x4b: {  	[spmem:s1] =	stream.indirect.scatter.add.f32 [tilespmem:s11], [sflag:$0x1], $0x1, s16, s10, $0xb8;
	[tilespmem:$0x1980] =	vst v63  }
.Ltmp0:
0x4c: {  	_ = 	snop;
	(pc) =	sbr.rel @p0 .LBB2_2-.Ltmp0, $4  }
0x4d: {  	_ = 	snop  }
0x4e: {  	s15 =	sadd.s32 $0x200, s15  }
0x4f: {  	_ =	swait.ge [sflag:s9], $0x80  }
0x50: {  	[sflag:s9] =	ssyncset.done $0x0  }
0x51: {  	s14 =	sadd.s32 $0x1, s14  }
0x52: {  	[sflag:s9] =	ssyncadd.s32 $0xFFFFFF80;
	p0 =	sne.s32 s14, s6  }
.Ltmp1:
0x53: {  	[bflag:$0x0] =	sbarrier.arrive $0xFFFF;
	(pc) =	sbr.rel @p0 .LBB2_1-.Ltmp1, $4  }
0x54: {  	[hbm:s7], [sflag:s12] =	dma.local [spmem:s13], $0x50  }
0x55: {  	_ =	swait.ge [sflag:s9], $0x50  }
0x56: {  	[sflag:s9] =	ssyncset.done $0x0  }
0x57: {  	[sflag:s9] =	ssyncadd.s32 $0xFFFFFFB0  }
0x58: {  	_ =	sfence.sel $0x180000  }
0x59: {  	[bflag:$0x0] =	sbarrier.arrive $0xFFFF  }
0x5a: {  	p0 =	sne.s32 s2, $0x0;
	_ =	strace $0x90000047  }
0x5b: {  	s0 =	sadd.s32 @!p0 $0x100000, s0;
	[bflag:$0x2] =	sbarrier.arrive $0xFFFF  }
0x5c: {  	[sflag:s0] =	ssyncadd.tile.s32 @!p0 $0x1;
	_ =	shalt  }
.Lfunc_end2:
_tile_overlayer_lowered:
.L_overlay_start_2:
0x5d: {  	(tag) =	ssettag $0x2  }
0x5e: {  	s0 =	rddreg [dreg:$0x0];
	s2 =	stileid.u32  }
0x5f: {  	s1 =	rddreg [dreg:$0x1];
	p0 =	sne.s32 s2, $0x0  }
0x60: {  	s3 =	rddreg [dreg:$0x2];
	[bflag:$0x3] =	sbarrier.arrive $0xFFFF;
	s2 =	simm.s32 @!p0 $0x1C01  }
0x61: {  	[timem:s3], [sflag:s2] =	dma.local @!p0 [hbm:s0], s1  }
0x62: {  	s0 =	simm.s32 @!p0 $0x1  }
0x63: {  	_ =	swait.ge @!p0 [sflag:s0], s1  }
0x64: {  	s1 =	ssub.s32 @!p0 $0x0, s1;
	[sflag:s0] =	ssyncset.done @!p0 $0x0  }
0x65: {  	[sflag:s0] =	ssyncadd.s32 @!p0 s1  }
0x66: {  	[bflag:$0x3] =	sbarrier.arrive $0xFFFF  }
0x67: {  	_ =	shalt  }

// kernel: kernel.13.cloned.1.call-start
scs
__scs_entry_jumppad:
0x0: {  	(pc) =	sbr.rel $0x88, $3  }
0x1: {  	(tag) =	ssettag $0x0;
	lr =	simm.s32 $0x1  }
0x2: {  	[smem:$0x3F99] =	sst lr;
	_ =	strace $0xD0000000  }
0x3: {  	_ = 	snop  }
0x4: {  	_ = 	snop  }
0x5: {  	_ = 	snop  }
0x6: {  	_ = 	snop  }
0x7: {  	_ = 	snop  }
__scs_overlays_trampoline_lowered:
0x8: {  	[smem:$0x3FA8] =	sst s0  }
0x9: {  	[smem:$0x3FA9] =	sst s1  }
0xa: {  	[smem:$0x3FAA] =	sst s2  }
0xb: {  	[smem:$0x3FAB] =	sst s3  }
0xc: {  	[smem:$0x3FAC] =	sst s4  }
0xd: {  	[smem:$0x3FAD] =	sst s5  }
0xe: {  	[smem:$0x3FAE] =	sst s6  }
0xf: {  	[smem:$0x3FAF] =	sst s7  }
0x10: {  	[smem:$0x3FB0] =	sst s8  }
0x11: {  	[smem:$0x3FB1] =	sst s9;
	s0 =	simm.s32 @!p0 $0x0  }
0x12: {  	s1 =	sld [smem:$0x3F97];
	s0 =	simm.s32 @p0 $0x1  }
0x13: {  	[smem:$0x3FB2] =	sst s0;
	s0 =	simm.s32 @!p1 $0x0  }
0x14: {  	s2 =	sld [smem:$0x3F96];
	s0 =	simm.s32 @p1 $0x1  }
0x15: {  	[smem:$0x3FB3] =	sst s0;
	s0 =	simm.s32 @!p2 $0x0  }
0x16: {  	s3 =	sld [smem:$0x3FDB];
	s0 =	simm.s32 @p2 $0x1  }
0x17: {  	s4 =	simm.s32 $0x1BF5;
	[smem:$0x3FB5] =	sst s0  }
0x18: {  	s0 =	sld [smem:$0x3F98];
	_ =	swait.ge [sflag:s4], $0x0  }
0x19: {  	s7 =	sld [smem:$0x3F99]  }
0x1a: {  	s8 =	sadd.s32 $0xFFFFE003, lr  }
0x1b: {  	s9 =	sadd.s32 $0xFFFFFEF7, lr;
	s5 =	simm.s32 $0xFFFFFFFF;
	p2 =	slt.u32 s8, $0xFFFFF086  }
0x1c: {  	p1 =	slt.u32 s9, $0xF7A;
	s5 =	simm.s32 @!p2 $0x0  }
0x1d: {  	s5 =	simm.s32 @p1 $0x1;
	p0 =	seq.s32 s7, s2  }
0x1e: {  	s7 =	smul.u32 @!p0 $0xF7A, s2;
	p2 =	seq.s32 @!p0 s5, $0x0  }
0x1f: {  	s9 =	smul.u32 $0xF7A, s1;
	s8 =	simm.s32 @!p0 $0x1BF5;
	p2 =	por !p2, p0  }
0x20: {  	[sflag:s8] =	ssyncset.s32 @!p0 $0xFFFFF086;
	s6 =	sadd.s32 @!p0 s3, s7;
	s7 =	simm.s32 @!p0 $0x108  }
0x21: {  	s3 =	sadd.s32 s3, s9;
	s6 =	sadd.s32 @!p0 $0x88, s6;
	s7 =	simm.s32 @p2 $0x1082  }
0x22: {  	[simem:s7], [sflag:s8] =	dma.local @!p0 [hbm:s6], $0xF7A  }
0x23: {  	s9 =	sor.u32 $0xD0000000, s2;
	s6 =	simm.s32 $0x108;
	_ =	swait.ge @!p0 [sflag:s8], $0x0  }
0x24: {  	s3 =	sadd.s32 $0x88, s3;
	s6 =	simm.s32 @!p1 $0x1082;
	[sflag:s4] =	ssyncset.s32 $0xFFFFF086  }
0x25: {  	[simem:s6], [sflag:s4] =	dma.local [hbm:s3], $0xF7A  }
0x26: {  	[smem:$0x3F99] =	sst s1;
	(tag) =	ssettag s2;
	_ =	strace s9  }
0x27: {  	s1 =	sld [smem:$0x3FA9]  }
0x28: {  	s2 =	sld [smem:$0x3FAA]  }
0x29: {  	s4 =	sld [smem:$0x3FAC]  }
0x2a: {  	p0 =	seq.s32 s5, $0x0;
	s5 =	sld [smem:$0x3FAD]  }
0x2b: {  	s6 =	sld [smem:$0x3FAE]  }
0x2c: {  	s7 =	sld [smem:$0x3FAF]  }
0x2d: {  	s3 =	simm.s32 $0x108;
	s8 =	sld [smem:$0x3FB0]  }
0x2e: {  	s3 =	simm.s32 @!p0 $0x1082;
	s9 =	sld [smem:$0x3FB1]  }
0x2f: {  	lr =	sadd.s32 s0, s3;
	s0 =	sld [smem:$0x3FA8]  }
0x30: {  	s3 =	sld [smem:$0x3FAB]  }
0x31: {  	[smem:$0x3FB4] =	sst s10  }
0x32: {  	s10 =	sld [smem:$0x3FB2];
	_ =	sdelay $0x3  }
0x33: {  	p0 =	seq.s32 s10, $0x1;
	s10 =	sld [smem:$0x3FB4];
	_ =	sdelay $0x3  }
0x34: {  	[smem:$0x3FB4] =	sst s10  }
0x35: {  	s10 =	sld [smem:$0x3FB3];
	_ =	sdelay $0x3  }
0x36: {  	p1 =	seq.s32 s10, $0x1;
	s10 =	sld [smem:$0x3FB4];
	_ =	sdelay $0x3  }
0x37: {  	[smem:$0x3FB4] =	sst s10  }
0x38: {  	s10 =	sld [smem:$0x3FB5]  }
0x39: {  	_ = 	snop;
	(pc) =	sbr.ind lr, $3  }
0x3a: {  	_ = 	snop  }
0x3b: {  	_ = 	snop  }
0x3c: {  	p2 =	seq.s32 s10, $0x1;
	s10 =	sld [smem:$0x3FB4]  }
0x3d: {  	_ =	shalt  }
0x3e: {  	_ =	shalt  }
0x3f: {  	_ =	shalt  }
0x40: {  	_ =	shalt  }
0x41: {  	_ =	shalt  }
0x42: {  	_ =	shalt  }
0x43: {  	_ =	shalt  }
0x44: {  	_ =	shalt  }
0x45: {  	_ =	shalt  }
0x46: {  	_ =	shalt  }
0x47: {  	_ =	shalt  }
0x48: {  	_ =	shalt  }
0x49: {  	_ =	shalt  }
0x4a: {  	_ =	shalt  }
0x4b: {  	_ =	shalt  }
0x4c: {  	_ =	shalt  }
0x4d: {  	_ =	shalt  }
0x4e: {  	_ =	shalt  }
0x4f: {  	_ =	shalt  }
0x50: {  	_ =	shalt  }
0x51: {  	_ =	shalt  }
0x52: {  	_ =	shalt  }
0x53: {  	_ =	shalt  }
0x54: {  	_ =	shalt  }
0x55: {  	_ =	shalt  }
0x56: {  	_ =	shalt  }
0x57: {  	_ =	shalt  }
0x58: {  	_ =	shalt  }
0x59: {  	_ =	shalt  }
0x5a: {  	_ =	shalt  }
0x5b: {  	_ =	shalt  }
0x5c: {  	_ =	shalt  }
0x5d: {  	_ =	shalt  }
0x5e: {  	_ =	shalt  }
0x5f: {  	_ =	shalt  }
0x60: {  	_ =	shalt  }
0x61: {  	_ =	shalt  }
0x62: {  	_ =	shalt  }
0x63: {  	_ =	shalt  }
0x64: {  	_ =	shalt  }
0x65: {  	_ =	shalt  }
0x66: {  	_ =	shalt  }
0x67: {  	_ =	shalt  }
0x68: {  	_ =	shalt  }
0x69: {  	_ =	shalt  }
0x6a: {  	_ =	shalt  }
0x6b: {  	_ =	shalt  }
0x6c: {  	_ =	shalt  }
0x6d: {  	_ =	shalt  }
0x6e: {  	_ =	shalt  }
0x6f: {  	_ =	shalt  }
0x70: {  	_ =	shalt  }
0x71: {  	_ =	shalt  }
0x72: {  	_ =	shalt  }
0x73: {  	_ =	shalt  }
0x74: {  	_ =	shalt  }
0x75: {  	_ =	shalt  }
0x76: {  	_ =	shalt  }
0x77: {  	_ =	shalt  }
0x78: {  	_ =	shalt  }
0x79: {  	_ =	shalt  }
0x7a: {  	_ =	shalt  }
0x7b: {  	_ =	shalt  }
0x7c: {  	_ =	shalt  }
0x7d: {  	_ =	shalt  }
0x7e: {  	_ =	shalt  }
0x7f: {  	_ =	shalt  }
0x80: {  	_ =	shalt  }
0x81: {  	_ =	shalt  }
0x82: {  	_ =	shalt  }
0x83: {  	_ =	shalt  }
0x84: {  	_ =	shalt  }
0x85: {  	_ =	shalt  }
0x86: {  	_ =	shalt  }
0x87: {  	_ =	shalt  }
.Lfunc_end0:
.L_simem_size_0:
called_computation.1_lowered:
.L_overlay_start_0:
0x88: {  	s2 =	sld [smem:$0x3FD9]  }
0x89: {  	s3 =	sld [smem:$0x3FFE];
	_ =	sdelay $0x1  }
0x8a: {  	s1 =	srdreg.scid  }
0x8b: {  	s0 =	sand.u32 $0x1, s1  }
0x8c: {  	s17 =	sshll.u32 s0, $0xA;
	s2 =	sadd.s32 s3, s2  }
0x8d: {  	s2 =	sadd.s32 s2, s17  }
0x8e: {  	[smem:$0x3FC0] =	sst s2  }
0x8f: {  	_ = 	snop  }
0x90: {  	s2 =	sld [smem:$0x3FD0];
	(tm) =	ssettm $0x1  }
0x91: {  	s18 =	sld [smem:$0x3FFB];
	_ =	sdelay $0x3  }
0x92: {  	_ =	strace s18  }
0x93: {  	s3 =	sld [smem:$0x3FFC];
	_ =	sdelay $0x3  }
0x94: {  	_ =	strace s3  }
0x95: {  	s3 =	sld [smem:$0x3FFD];
	_ =	sdelay $0x3  }
0x96: {  	_ =	strace s3  }
0x97: {  	_ =	strace $0x8FFFFFFF  }
0x98: {  	s19 =	sld [smem:$0x3FDB];
	_ =	sdelay $0x1  }
0x99: {  	s4 =	simm.s32 $_scs_section_size  }
0x9a: {  	s5 =	simm.s32 $_size__tile_overlayer_lowered;
	s6 =	simm.s32 $_tile_overlayer_lowered  }
0x9b: {  	s22 =	simm.s32 $0x1BFF;
	s21 =	sshll.u32 s6, $0x1;
	s3 =	sadd.s32 s4, s19  }
0x9c: {  	s7 =	simm.s32 $0x0;
	s20 =	sshll.u32 s5, $0x1;
	s5 =	sadd.s32 s21, s3  }
0x9d: {  	[timem:s7], [sflag:s22] =	dma.local [hbm:s5], s20  }
0x9e: {  	_ =	swait.ge [sflag:s22], s20  }
0x9f: {  	s4 =	ssub.s32 $0x0, s20;
	[sflag:s22] =	ssyncset.done $0x0  }
0xa0: {  	[sflag:s22] =	ssyncadd.s32 s4;
	_ =	sdelay $0x1  }
0xa1: {  	s23 =	simm.s32 $0x1B8B  }
0xa2: {  	_ =	swait.ge [sflag:s23], $0x1  }
0xa3: {  	[sflag:s23] =	ssyncset.done $0x0  }
0xa4: {  	s25 =	simm.s32 $0x1B8E;
	s24 =	sld [smem:$0x3FFE];
	[sflag:s23] =	ssyncadd.s32 $0xFFFFFFFF  }
0xa5: {  	s26 =	simm.s32 $execute0_lowered;
	[smem:$0x3FD2] =	sst s25  }
0xa6: {  	s5 =	sshll.u32 s26, $0x1;
	_ =	strace $0x80000049;
	[dreg:$0x1] =	wrdreg $0xFFFFFFFF  }
0xa7: {  	s28 =	simm.s32 $_size_execute0_lowered;
	s3 =	sadd.s32 s3, s5;
	[dreg:$0x0] =	wrdreg $0x0  }
0xa8: {  	s5 =	sshll.u32 s28, $0x1;
	[dreg:$0x2] =	wrdreg s3  }
0xa9: {  	[dreg:$0x3] =	wrdreg s5  }
0xaa: {  	[dreg:$0x4] =	wrdreg $0xC0  }
0xab: {  	_ =	task [dreg:s7], $0x5FFFF  }
0xac: {  	[dreg:$0x1] =	wrdreg $0xFFFFFFFF  }
0xad: {  	[dreg:$0x0] =	wrdreg $0x60  }
0xae: {  	[dreg:$0x2] =	wrdreg s2  }
0xaf: {  	[dreg:$0x3] =	wrdreg s24  }
0xb0: {  	[dreg:$0x4] =	wrdreg $0x8A000  }
0xb1: {  	[dreg:$0x5] =	wrdreg $0x9  }
0xb2: {  	_ =	task.clear_ibuf [dreg:s7], $0x6FFFF;
	_ =	strace $0x90000049  }
0xb3: {  	s29 =	simm.s32 $0x9;
	_ =	strace $0x8000004B  }
0xb4: {  	_ =	swait.ge [sflag:s29], $0x1  }
0xb5: {  	[sflag:s29] =	ssyncadd.s32 $0xFFFFFFFF  }
0xb6: {  	_ =	strace $0x9000004B  }
0xb7: {  	_ =	sfence  }
0xb8: {  	s30 =	sld [smem:$0x0];
	_ =	sdelay $0x2  }
0xb9: {  	s31 =	sshll.u32 s1, $0xD;
	s1 =	sshrl.u32 s1, $0x2  }
0xba: {  	s3 =	sand.u32 $0x4000, s31;
	s1 =	sadd.s32 s1, s30  }
0xbb: {  	s0 =	sor.u32 s3, s0;
	s1 =	sshll.u32 s1, $0x11  }
0xbc: {  	s0 =	sor.u32 s1, s0  }
0xbd: {  	s0 =	sadd.s32 $0x8F2B, s0  }
0xbe: {  	[sflag:s0] =	ssyncadd.remote.s32 $0x1  }
0xbf: {  	_ =	sfence.sel $0xFFFF  }
0xc0: {  	[dreg:$0x0] =	wrdreg $0xFFFFFFFF;
	(pc) =	sbr.abs _section_cstart, $3  }
0xc1: {  	[dreg:$0x1] =	wrdreg $0xFFFFFFFF  }
0xc2: {  	_ =	task.clear_ibuf [dreg:s7], $0x2FFFF;
	_ =	strace $0x9FFFFFFF  }
0xc3: {  	(tm) =	ssettm $0x7FFFFFFF  }
tec
execute0_lowered:
.L_overlay_start_1:
0x0: {  	(tag) =	ssettag $0x1  }
0x1: {  	s1 =	rddreg [dreg:$0x0]  }
0x2: {  	s6 =	rddreg [dreg:$0x1]  }
0x3: {  	s3 =	rddreg [dreg:$0x2]  }
0x4: {  	s0 =	rddreg [dreg:$0x3];
	s4 =	simm.s32 $0x0;
	s2 =	stileid.u32  }
0x5: {  	s8 =	srdreg.scid;
	s14 =	simm.s32 $0x3;
	s16 =	simm.s32 $0x800  }
0x6: {  	s17 =	simm.s32 $0xA00;
	s18 =	simm.s32 $0x900;
	s19 =	simm.s32 $0x4A00  }
0x7: {  	s20 =	simm.s32 $0x1;
	s21 =	simm.s32 $0x880;
	s22 =	simm.s32 $0x2  }
0x8: {  	s23 =	simm.s32 $0x980;
	s24 =	simm.s32 $0x4;
	s25 =	simm.s32 $0x0  }
0x9: {  	[smem:$0x7FF] =	sst s4;
	s7 =	smul.u32 $0x500, s2;
	s5 =	sadd.s32 $0x9800, s6  }
0xa: {  	s15 =	sand.u32 $0x1, s8;
	s29 =	smul.u32 $0x50000, s2;
	s9 =	sadd.s32 $0x31800, s6  }
0xb: {  	s11 =	sadd.s32 $0x59800, s6;
	s13 =	smul.u32 $0x2800, s2;
	s31 =	sshll.u32 s2, $0x6  }
0xc: {  	_ =	strace $0x8000004A;
	s10 =	ssub.s32 $0x2, s15;
	p0 =	seq.s32 s15, $0x0  }
0xd: {  	s7 =	sadd.s32 s7, s6;
	s30 =	sshrl.u32 s10, $0x1;
	s8 =	sshrl.u32 s29, $0x2  }
.Ltmp0:
0xe: {  	s11 =	smov.u32 @p0 s9;
	s10 =	ssub.s32 s10, s30;
	(pc) =	sbr.rel .LBB2_1-.Ltmp0, $4  }
0xf: {  	s12 =	sadd.s32 s8, s3;
	s6 =	sadd.s32 $0x4800, s7;
	s8 =	smov.u32 s5  }
0x10: {  	s11 =	sadd.s32 s11, s13;
	s7 =	smax.u32 s10, $0x1;
	s8 =	smov.u32 @p0 s1  }
0x11: {  	s10 =	sor.u32 $0x1C05, s31;
	s12 =	sshrl.u32 s12, $0x3;
	p0 =	sne.s32 s15, $0x0  }
0x12: {  	s15 =	simm.s32 $0x80;
	s9 =	sadd.s32 s8, s13;
	s13 =	simm.s32 $0x5  }
.LBB2_9:
0x13: {  	_ =	swait.ge [sflag:s22], $0x4000  }
0x14: {  	[sflag:s22] =	ssyncset.done $0x0  }
0x15: {  	[sflag:s22] =	ssyncadd.s32 $0xFFFFC000  }
0x16: {  	[spmem:s3] =	stream.indirect.scatter.add.f32 [tilespmem:s19], [sflag:$0x4], $0x80, s23, s15, $0xb8;
	[tilespmem:$0x1CA00] =	vst v63  }
0x17: {  	_ =	swait.ge [sflag:s14], $0x4000  }
0x18: {  	[sflag:s14] =	ssyncset.done $0x0  }
0x19: {  	[sflag:s14] =	ssyncadd.s32 $0xFFFFC000  }
0x1a: {  	_ =	swait.ge [sflag:s24], $0x4000  }
0x1b: {  	s25 =	sadd.s32 $0x1, s25;
	[sflag:s24] =	ssyncset.done $0x0  }
0x1c: {  	p1 =	sne.s32 s25, s7;
	[sflag:s24] =	ssyncadd.s32 $0xFFFFC000  }
.Ltmp1:
0x1d: {  	[bflag:$0x0] =	sbarrier.arrive $0xFFFF;
	(pc) =	sbr.rel @!p1 .LBB2_10-.Ltmp1, $4  }
0x1e: {  	[hbm:s11], [sflag:s10] =	dma.local [spmem:s12], $0x2800  }
0x1f: {  	_ =	swait.ge [sflag:s13], $0x2800  }
0x20: {  	[sflag:s13] =	ssyncset.done $0x0  }
0x21: {  	[sflag:s13] =	ssyncadd.s32 $0xFFFFD800  }
.LBB2_1:
0x22: {  	[spmem:s12], [sflag:s10] =	dma.local [hbm:s9], $0x2800  }
0x23: {  	_ =	swait.ge [sflag:s13], $0x2800  }
0x24: {  	[sflag:s13] =	ssyncset.done $0x0  }
0x25: {  	[sflag:s13] =	ssyncadd.s32 $0xFFFFD800  }
0x26: {  	[tilespmem:s4], [sflag:$0x5] =	stream.linear.gather [hbm4b:s6+s4], $0x800, $0x38;
	[tilespmem:$0x1CA00] =	vst v63  }
.Ltmp2:
0x27: {  	_ =	swait.ge [sflag:s13], $0x800;
	(pc) =	sbr.rel .LBB2_2-.Ltmp2, $4  }
0x28: {  	[sflag:s13] =	ssyncset.done $0x0  }
0x29: {  	[sflag:s13] =	ssyncadd.s32 $0xFFFFF800  }
0x2a: {  	[bflag:$0x0] =	sbarrier.arrive $0xFFFF  }
0x2b: {  	s26 =	simm.s32 $0x0;
	s28 =	smov.u32 s6;
	s29 =	simm.s32 $0x0  }
.LBB2_8:
0x2c: {  	v0 =	vld [tilespmem:s30+$0x80];
	_ =	sdelay $0x4  }
0x2d: {  	v1 =	vand.u32 $0x3FFF, v0  }
0x2e: {  	v0 =	vshrl.u32 v0, $0xE;
	[tilespmem:$0x900] =	vst v1  }
0x2f: {  	[tilespmem:$0x980] =	vst v0  }
0x30: {  	v0 =	vld [tilespmem:s30+$0x90];
	_ =	sdelay $0x4  }
0x31: {  	v57 =	vand.u32 $0x3FFF, v0  }
0x32: {  	v0 =	vshrl.u32 v0, $0xE;
	[tilespmem:$0x910] =	vst v57  }
0x33: {  	[tilespmem:$0x990] =	vst v0  }
0x34: {  	v0 =	vld [tilespmem:s30+$0xA0];
	_ =	sdelay $0x4  }
0x35: {  	v58 =	vand.u32 $0x3FFF, v0  }
0x36: {  	v0 =	vshrl.u32 v0, $0xE;
	[tilespmem:$0x920] =	vst v58  }
0x37: {  	[tilespmem:$0x9A0] =	vst v0  }
0x38: {  	v0 =	vld [tilespmem:s30+$0xB0];
	_ =	sdelay $0x4  }
0x39: {  	v59 =	vand.u32 $0x3FFF, v0  }
0x3a: {  	v0 =	vshrl.u32 v0, $0xE;
	[tilespmem:$0x930] =	vst v59  }
0x3b: {  	[tilespmem:$0x9B0] =	vst v0  }
0x3c: {  	v0 =	vld [tilespmem:s30+$0xC0];
	_ =	sdelay $0x4  }
0x3d: {  	v60 =	vand.u32 $0x3FFF, v0  }
0x3e: {  	v0 =	vshrl.u32 v0, $0xE;
	[tilespmem:$0x940] =	vst v60  }
0x3f: {  	[tilespmem:$0x9C0] =	vst v0  }
0x40: {  	v0 =	vld [tilespmem:s30+$0xD0];
	_ =	sdelay $0x4  }
0x41: {  	v61 =	vand.u32 $0x3FFF, v0  }
0x42: {  	v0 =	vshrl.u32 v0, $0xE;
	[tilespmem:$0x950] =	vst v61  }
0x43: {  	[tilespmem:$0x9D0] =	vst v0  }
0x44: {  	v0 =	vld [tilespmem:s30+$0xE0];
	_ =	sdelay $0x4  }
0x45: {  	v62 =	vand.u32 $0x3FFF, v0  }
0x46: {  	v0 =	vshrl.u32 v0, $0xE;
	[tilespmem:$0x960] =	vst v62  }
0x47: {  	[tilespmem:$0x9E0] =	vst v0  }
0x48: {  	v0 =	vld [tilespmem:s30+$0xF0];
	_ =	sdelay $0x4  }
0x49: {  	v63 =	vand.u32 $0x3FFF, v0  }
0x4a: {  	s29 =	sadd.s32 $0x1, s29;
	v0 =	vshrl.u32 v0, $0xE;
	[tilespmem:$0x970] =	vst v63  }
0x4b: {  	p1 =	sne.s32 s29, $0x28;
	[tilespmem:$0x9F0] =	vst v0  }
0x4c: {  	[tilespmem:s19], [sflag:$0x2] =	stream.indirect.gather [hbm4b:s8+s15], $0x80, s18, s15, $0xb8;
	[tilespmem:$0x1CA00] =	vst v63  }
.Ltmp3:
0x4d: {  	_ = 	snop;
	(pc) =	sbr.rel @!p1 .LBB2_9-.Ltmp3, $4  }
0x4e: {  	_ =	swait.ge [sflag:s20], $0x4000  }
0x4f: {  	[sflag:s20] =	ssyncset.done $0x0  }
0x50: {  	s28 =	sadd.s32 $0x20, s28;
	s26 =	sadd.s32 $0x100, s26;
	[sflag:s20] =	ssyncadd.s32 $0xFFFFC000  }
0x51: {  	[spmem:s3] =	stream.indirect.scatter.add.f32 [tilespmem:s17], [sflag:$0x3], $0x80, s21, s15, $0xb8;
	[tilespmem:$0x1CA00] =	vst v63  }
.LBB2_2:
0x52: {  	s30 =	sadd.s32 $0xFFFFFFF8, s29  }
0x53: {  	p1 =	sgt.u32 s30, $0x18  }
0x54: {  	s31 =	simm.s32 @!p1 $0x1  }
0x55: {  	s30 =	sshll.u32 @!p1 s31, s30  }
0x56: {  	s30 =	sand.u32 @!p1 $0x1010101, s30  }
0x57: {  	p2 =	sne.s32 @!p1 s30, $0x0  }
0x58: {  	p1 =	por p1, !p2  }
.Ltmp4:
0x59: {  	_ = 	snop;
	(pc) =	sbr.rel @p1 .LBB2_3-.Ltmp4, $1  }
0x5a: {  	_ =	sdelay $0x3  }
0x5b: {  	[tilespmem:s4], [sflag:$0x5] =	stream.linear.gather [hbm4b:s28+s4], $0x800, $0x38;
	[tilespmem:$0x1CA00] =	vst v63  }
0x5c: {  	_ =	swait.ge [sflag:s13], $0x800  }
0x5d: {  	[sflag:s13] =	ssyncset.done $0x0  }
0x5e: {  	[sflag:s13] =	ssyncadd.s32 $0xFFFFF800  }
.LBB2_5:
0x5f: {  	_ =	swait.ge [sflag:s14], $0x4000  }
0x60: {  	[sflag:s14] =	ssyncset.done $0x0  }
0x61: {  	[sflag:s14] =	ssyncadd.s32 $0xFFFFC000  }
.LBB2_6:
0x62: {  	s30 =	sand.u32 $0x700, s26  }
0x63: {  	v0 =	vld [tilespmem:s30+$0x0];
	_ =	sdelay $0x4  }
0x64: {  	v1 =	vand.u32 $0x3FFF, v0  }
0x65: {  	v0 =	vshrl.u32 v0, $0xE;
	[tilespmem:$0x800] =	vst v1  }
0x66: {  	[tilespmem:$0x880] =	vst v0  }
0x67: {  	v0 =	vld [tilespmem:s30+$0x10];
	_ =	sdelay $0x4  }
0x68: {  	v57 =	vand.u32 $0x3FFF, v0  }
0x69: {  	v0 =	vshrl.u32 v0, $0xE;
	[tilespmem:$0x810] =	vst v57  }
0x6a: {  	[tilespmem:$0x890] =	vst v0  }
0x6b: {  	v0 =	vld [tilespmem:s30+$0x20];
	_ =	sdelay $0x4  }
0x6c: {  	v58 =	vand.u32 $0x3FFF, v0  }
0x6d: {  	v0 =	vshrl.u32 v0, $0xE;
	[tilespmem:$0x820] =	vst v58  }
0x6e: {  	[tilespmem:$0x8A0] =	vst v0  }
0x6f: {  	v0 =	vld [tilespmem:s30+$0x30];
	_ =	sdelay $0x4  }
0x70: {  	v59 =	vand.u32 $0x3FFF, v0  }
0x71: {  	v0 =	vshrl.u32 v0, $0xE;
	[tilespmem:$0x830] =	vst v59  }
0x72: {  	[tilespmem:$0x8B0] =	vst v0  }
0x73: {  	v0 =	vld [tilespmem:s30+$0x40];
	_ =	sdelay $0x4  }
0x74: {  	v60 =	vand.u32 $0x3FFF, v0  }
0x75: {  	v0 =	vshrl.u32 v0, $0xE;
	[tilespmem:$0x840] =	vst v60  }
0x76: {  	[tilespmem:$0x8C0] =	vst v0  }
0x77: {  	v0 =	vld [tilespmem:s30+$0x50];
	_ =	sdelay $0x4  }
0x78: {  	v61 =	vand.u32 $0x3FFF, v0  }
0x79: {  	v0 =	vshrl.u32 v0, $0xE;
	[tilespmem:$0x850] =	vst v61  }
0x7a: {  	[tilespmem:$0x8D0] =	vst v0  }
0x7b: {  	v0 =	vld [tilespmem:s30+$0x60];
	_ =	sdelay $0x4  }
0x7c: {  	v62 =	vand.u32 $0x3FFF, v0  }
0x7d: {  	v0 =	vshrl.u32 v0, $0xE;
	[tilespmem:$0x860] =	vst v62  }
0x7e: {  	[tilespmem:$0x8E0] =	vst v0  }
0x7f: {  	v0 =	vld [tilespmem:s30+$0x70];
	_ =	sdelay $0x4  }
0x80: {  	p1 =	seq.s32 s29, $0x0;
	v63 =	vand.u32 $0x3FFF, v0  }
.Ltmp5:
0x81: {  	v0 =	vshrl.u32 v0, $0xE;
	[tilespmem:$0x870] =	vst v63;
	(pc) =	sbr.rel @p1 .LBB2_8-.Ltmp5, $4  }
0x82: {  	[tilespmem:$0x8F0] =	vst v0  }
0x83: {  	[tilespmem:s17], [sflag:$0x1] =	stream.indirect.gather @p0 [hbm4b:s5+s15], $0x80, s16, s15, $0xb8;
	[tilespmem:$0x1CA00] =	vst v63  }
0x84: {  	_ = 	snop  }
0x85: {  	[tilespmem:s17], [sflag:$0x1] =	stream.indirect.gather @!p0 [hbm4b:s1+s15], $0x80, s16, s15, $0xb8;
	[tilespmem:$0x1CA00] =	vst v63  }
0x86: {  	_ =	swait.ge [sflag:s22], $0x4000  }
0x87: {  	[sflag:s22] =	ssyncset.done $0x0  }
.Ltmp6:
0x88: {  	[sflag:s22] =	ssyncadd.s32 $0xFFFFC000;
	(pc) =	sbr.rel .LBB2_8-.Ltmp6, $4  }
0x89: {  	[spmem:s3] =	stream.indirect.scatter.add.f32 [tilespmem:s19], [sflag:$0x4], $0x80, s23, s15, $0xb8;
	[tilespmem:$0x1CA00] =	vst v63  }
0x8a: {  	_ =	swait.ge [sflag:s24], $0x4000  }
0x8b: {  	[sflag:s24] =	ssyncset.done $0x0  }
0x8c: {  	[sflag:s24] =	ssyncadd.s32 $0xFFFFC000  }
.LBB2_3:
0x8d: {  	p1 =	seq.s32 s29, $0x0  }
.Ltmp7:
0x8e: {  	_ = 	snop;
	(pc) =	sbr.rel @p1 .LBB2_6-.Ltmp7, $4  }
.Ltmp8:
0x8f: {  	_ = 	snop;
	(pc) =	sbr.rel @!p1 .LBB2_5-.Ltmp8, $4  }
0x90: {  	_ = 	snop  }
0x91: {  	_ = 	snop  }
0x92: {  	_ = 	snop  }
0x93: {  	_ = 	snop  }
.LBB2_10:
0x94: {  	_ =	sfence.sel $0x180000  }
0x95: {  	[bflag:$0x0] =	sbarrier.arrive $0xFFFF  }
0x96: {  	p0 =	sne.s32 s2, $0x0;
	_ =	strace $0x9000004A  }
0x97: {  	s0 =	sadd.s32 @!p0 $0x100000, s0;
	[bflag:$0x2] =	sbarrier.arrive $0xFFFF  }
0x98: {  	[sflag:s0] =	ssyncadd.tile.s32 @!p0 $0x1;
	_ =	shalt  }
.Lfunc_end2:
_tile_overlayer_lowered:
.L_overlay_start_2:
0x99: {  	(tag) =	ssettag $0x2  }
0x9a: {  	s0 =	rddreg [dreg:$0x0];
	s2 =	stileid.u32  }
0x9b: {  	s1 =	rddreg [dreg:$0x1];
	p0 =	sne.s32 s2, $0x0  }
0x9c: {  	s3 =	rddreg [dreg:$0x2];
	[bflag:$0x3] =	sbarrier.arrive $0xFFFF;
	s2 =	simm.s32 @!p0 $0x1C05  }
0x9d: {  	[timem:s3], [sflag:s2] =	dma.local @!p0 [hbm:s0], s1  }
0x9e: {  	s0 =	simm.s32 @!p0 $0x5  }
0x9f: {  	_ =	swait.ge @!p0 [sflag:s0], s1  }
0xa0: {  	s1 =	ssub.s32 @!p0 $0x0, s1;
	[sflag:s0] =	ssyncset.done @!p0 $0x0  }
0xa1: {  	[sflag:s0] =	ssyncadd.s32 @!p0 s1  }
0xa2: {  	[bflag:$0x3] =	sbarrier.arrive $0xFFFF  }
0xa3: {  	_ =	shalt  }

// kernel: kernel.16.cloned.1.call-start
scs
__scs_entry_jumppad:
0x0: {  	(pc) =	sbr.rel $0x88, $3  }
0x1: {  	(tag) =	ssettag $0x0;
	lr =	simm.s32 $0x1  }
0x2: {  	[smem:$0x3F99] =	sst lr;
	_ =	strace $0xD0000000  }
0x3: {  	_ = 	snop  }
0x4: {  	_ = 	snop  }
0x5: {  	_ = 	snop  }
0x6: {  	_ = 	snop  }
0x7: {  	_ = 	snop  }
__scs_overlays_trampoline_lowered:
0x8: {  	[smem:$0x3FA8] =	sst s0  }
0x9: {  	[smem:$0x3FA9] =	sst s1  }
0xa: {  	[smem:$0x3FAA] =	sst s2  }
0xb: {  	[smem:$0x3FAB] =	sst s3  }
0xc: {  	[smem:$0x3FAC] =	sst s4  }
0xd: {  	[smem:$0x3FAD] =	sst s5  }
0xe: {  	[smem:$0x3FAE] =	sst s6  }
0xf: {  	[smem:$0x3FAF] =	sst s7  }
0x10: {  	[smem:$0x3FB0] =	sst s8  }
0x11: {  	[smem:$0x3FB1] =	sst s9;
	s0 =	simm.s32 @!p0 $0x0  }
0x12: {  	s1 =	sld [smem:$0x3F97];
	s0 =	simm.s32 @p0 $0x1  }
0x13: {  	[smem:$0x3FB2] =	sst s0;
	s0 =	simm.s32 @!p1 $0x0  }
0x14: {  	s2 =	sld [smem:$0x3F96];
	s0 =	simm.s32 @p1 $0x1  }
0x15: {  	[smem:$0x3FB3] =	sst s0;
	s0 =	simm.s32 @!p2 $0x0  }
0x16: {  	s3 =	sld [smem:$0x3FDB];
	s0 =	simm.s32 @p2 $0x1  }
0x17: {  	s4 =	simm.s32 $0x1BF5;
	[smem:$0x3FB5] =	sst s0  }
0x18: {  	s0 =	sld [smem:$0x3F98];
	_ =	swait.ge [sflag:s4], $0x0  }
0x19: {  	s7 =	sld [smem:$0x3F99]  }
0x1a: {  	s8 =	sadd.s32 $0xFFFFE003, lr  }
0x1b: {  	s9 =	sadd.s32 $0xFFFFFEF7, lr;
	s5 =	simm.s32 $0xFFFFFFFF;
	p2 =	slt.u32 s8, $0xFFFFF086  }
0x1c: {  	p1 =	slt.u32 s9, $0xF7A;
	s5 =	simm.s32 @!p2 $0x0  }
0x1d: {  	s5 =	simm.s32 @p1 $0x1;
	p0 =	seq.s32 s7, s2  }
0x1e: {  	s7 =	smul.u32 @!p0 $0xF7A, s2;
	p2 =	seq.s32 @!p0 s5, $0x0  }
0x1f: {  	s9 =	smul.u32 $0xF7A, s1;
	s8 =	simm.s32 @!p0 $0x1BF5;
	p2 =	por !p2, p0  }
0x20: {  	[sflag:s8] =	ssyncset.s32 @!p0 $0xFFFFF086;
	s6 =	sadd.s32 @!p0 s3, s7;
	s7 =	simm.s32 @!p0 $0x108  }
0x21: {  	s3 =	sadd.s32 s3, s9;
	s6 =	sadd.s32 @!p0 $0x88, s6;
	s7 =	simm.s32 @p2 $0x1082  }
0x22: {  	[simem:s7], [sflag:s8] =	dma.local @!p0 [hbm:s6], $0xF7A  }
0x23: {  	s9 =	sor.u32 $0xD0000000, s2;
	s6 =	simm.s32 $0x108;
	_ =	swait.ge @!p0 [sflag:s8], $0x0  }
0x24: {  	s3 =	sadd.s32 $0x88, s3;
	s6 =	simm.s32 @!p1 $0x1082;
	[sflag:s4] =	ssyncset.s32 $0xFFFFF086  }
0x25: {  	[simem:s6], [sflag:s4] =	dma.local [hbm:s3], $0xF7A  }
0x26: {  	[smem:$0x3F99] =	sst s1;
	(tag) =	ssettag s2;
	_ =	strace s9  }
0x27: {  	s1 =	sld [smem:$0x3FA9]  }
0x28: {  	s2 =	sld [smem:$0x3FAA]  }
0x29: {  	s4 =	sld [smem:$0x3FAC]  }
0x2a: {  	p0 =	seq.s32 s5, $0x0;
	s5 =	sld [smem:$0x3FAD]  }
0x2b: {  	s6 =	sld [smem:$0x3FAE]  }
0x2c: {  	s7 =	sld [smem:$0x3FAF]  }
0x2d: {  	s3 =	simm.s32 $0x108;
	s8 =	sld [smem:$0x3FB0]  }
0x2e: {  	s3 =	simm.s32 @!p0 $0x1082;
	s9 =	sld [smem:$0x3FB1]  }
0x2f: {  	lr =	sadd.s32 s0, s3;
	s0 =	sld [smem:$0x3FA8]  }
0x30: {  	s3 =	sld [smem:$0x3FAB]  }
0x31: {  	[smem:$0x3FB4] =	sst s10  }
0x32: {  	s10 =	sld [smem:$0x3FB2];
	_ =	sdelay $0x3  }
0x33: {  	p0 =	seq.s32 s10, $0x1;
	s10 =	sld [smem:$0x3FB4];
	_ =	sdelay $0x3  }
0x34: {  	[smem:$0x3FB4] =	sst s10  }
0x35: {  	s10 =	sld [smem:$0x3FB3];
	_ =	sdelay $0x3  }
0x36: {  	p1 =	seq.s32 s10, $0x1;
	s10 =	sld [smem:$0x3FB4];
	_ =	sdelay $0x3  }
0x37: {  	[smem:$0x3FB4] =	sst s10  }
0x38: {  	s10 =	sld [smem:$0x3FB5]  }
0x39: {  	_ = 	snop;
	(pc) =	sbr.ind lr, $3  }
0x3a: {  	_ = 	snop  }
0x3b: {  	_ = 	snop  }
0x3c: {  	p2 =	seq.s32 s10, $0x1;
	s10 =	sld [smem:$0x3FB4]  }
0x3d: {  	_ =	shalt  }
0x3e: {  	_ =	shalt  }
0x3f: {  	_ =	shalt  }
0x40: {  	_ =	shalt  }
0x41: {  	_ =	shalt  }
0x42: {  	_ =	shalt  }
0x43: {  	_ =	shalt  }
0x44: {  	_ =	shalt  }
0x45: {  	_ =	shalt  }
0x46: {  	_ =	shalt  }
0x47: {  	_ =	shalt  }
0x48: {  	_ =	shalt  }
0x49: {  	_ =	shalt  }
0x4a: {  	_ =	shalt  }
0x4b: {  	_ =	shalt  }
0x4c: {  	_ =	shalt  }
0x4d: {  	_ =	shalt  }
0x4e: {  	_ =	shalt  }
0x4f: {  	_ =	shalt  }
0x50: {  	_ =	shalt  }
0x51: {  	_ =	shalt  }
0x52: {  	_ =	shalt  }
0x53: {  	_ =	shalt  }
0x54: {  	_ =	shalt  }
0x55: {  	_ =	shalt  }
0x56: {  	_ =	shalt  }
0x57: {  	_ =	shalt  }
0x58: {  	_ =	shalt  }
0x59: {  	_ =	shalt  }
0x5a: {  	_ =	shalt  }
0x5b: {  	_ =	shalt  }
0x5c: {  	_ =	shalt  }
0x5d: {  	_ =	shalt  }
0x5e: {  	_ =	shalt  }
0x5f: {  	_ =	shalt  }
0x60: {  	_ =	shalt  }
0x61: {  	_ =	shalt  }
0x62: {  	_ =	shalt  }
0x63: {  	_ =	shalt  }
0x64: {  	_ =	shalt  }
0x65: {  	_ =	shalt  }
0x66: {  	_ =	shalt  }
0x67: {  	_ =	shalt  }
0x68: {  	_ =	shalt  }
0x69: {  	_ =	shalt  }
0x6a: {  	_ =	shalt  }
0x6b: {  	_ =	shalt  }
0x6c: {  	_ =	shalt  }
0x6d: {  	_ =	shalt  }
0x6e: {  	_ =	shalt  }
0x6f: {  	_ =	shalt  }
0x70: {  	_ =	shalt  }
0x71: {  	_ =	shalt  }
0x72: {  	_ =	shalt  }
0x73: {  	_ =	shalt  }
0x74: {  	_ =	shalt  }
0x75: {  	_ =	shalt  }
0x76: {  	_ =	shalt  }
0x77: {  	_ =	shalt  }
0x78: {  	_ =	shalt  }
0x79: {  	_ =	shalt  }
0x7a: {  	_ =	shalt  }
0x7b: {  	_ =	shalt  }
0x7c: {  	_ =	shalt  }
0x7d: {  	_ =	shalt  }
0x7e: {  	_ =	shalt  }
0x7f: {  	_ =	shalt  }
0x80: {  	_ =	shalt  }
0x81: {  	_ =	shalt  }
0x82: {  	_ =	shalt  }
0x83: {  	_ =	shalt  }
0x84: {  	_ =	shalt  }
0x85: {  	_ =	shalt  }
0x86: {  	_ =	shalt  }
0x87: {  	_ =	shalt  }
.Lfunc_end0:
.L_simem_size_0:
called_computation.2_lowered:
.L_overlay_start_0:
0x88: {  	s2 =	sld [smem:$0x3FD9]  }
0x89: {  	s3 =	sld [smem:$0x3FFE];
	_ =	sdelay $0x1  }
0x8a: {  	s1 =	srdreg.scid  }
0x8b: {  	s0 =	sand.u32 $0x1, s1  }
0x8c: {  	s17 =	sshll.u32 s0, $0xA;
	s2 =	sadd.s32 s3, s2  }
0x8d: {  	s2 =	sadd.s32 s2, s17  }
0x8e: {  	[smem:$0x3FC0] =	sst s2  }
0x8f: {  	_ = 	snop  }
0x90: {  	s2 =	sld [smem:$0x3FD0];
	(tm) =	ssettm $0x1  }
0x91: {  	s18 =	sld [smem:$0x3FFB];
	_ =	sdelay $0x3  }
0x92: {  	_ =	strace s18  }
0x93: {  	s3 =	sld [smem:$0x3FFC];
	_ =	sdelay $0x3  }
0x94: {  	_ =	strace s3  }
0x95: {  	s3 =	sld [smem:$0x3FFD];
	_ =	sdelay $0x3  }
0x96: {  	_ =	strace s3  }
0x97: {  	_ =	strace $0x8FFFFFFF  }
0x98: {  	s19 =	sld [smem:$0x3FDB];
	_ =	sdelay $0x1  }
0x99: {  	s4 =	simm.s32 $_scs_section_size  }
0x9a: {  	s5 =	simm.s32 $_size__tile_overlayer_lowered;
	s6 =	simm.s32 $_tile_overlayer_lowered  }
0x9b: {  	s22 =	simm.s32 $0x1BFF;
	s21 =	sshll.u32 s6, $0x1;
	s3 =	sadd.s32 s4, s19  }
0x9c: {  	s7 =	simm.s32 $0x0;
	s20 =	sshll.u32 s5, $0x1;
	s5 =	sadd.s32 s21, s3  }
0x9d: {  	[timem:s7], [sflag:s22] =	dma.local [hbm:s5], s20  }
0x9e: {  	_ =	swait.ge [sflag:s22], s20  }
0x9f: {  	s4 =	ssub.s32 $0x0, s20;
	[sflag:s22] =	ssyncset.done $0x0  }
0xa0: {  	[sflag:s22] =	ssyncadd.s32 s4;
	_ =	sdelay $0x1  }
0xa1: {  	s23 =	simm.s32 $0x1B8B  }
0xa2: {  	_ =	swait.ge [sflag:s23], $0x1  }
0xa3: {  	[sflag:s23] =	ssyncset.done $0x0  }
0xa4: {  	s25 =	simm.s32 $0x1B8E;
	s24 =	sld [smem:$0x3FFE];
	[sflag:s23] =	ssyncadd.s32 $0xFFFFFFFF  }
0xa5: {  	s26 =	simm.s32 $execute0_lowered;
	[smem:$0x3FD2] =	sst s25  }
0xa6: {  	s5 =	sshll.u32 s26, $0x1;
	_ =	strace $0x8000004C;
	[dreg:$0x1] =	wrdreg $0xFFFFFFFF  }
0xa7: {  	s28 =	simm.s32 $_size_execute0_lowered;
	s3 =	sadd.s32 s3, s5;
	[dreg:$0x0] =	wrdreg $0x0  }
0xa8: {  	s5 =	sshll.u32 s28, $0x1;
	[dreg:$0x2] =	wrdreg s3  }
0xa9: {  	[dreg:$0x3] =	wrdreg s5  }
0xaa: {  	[dreg:$0x4] =	wrdreg $0xC0  }
0xab: {  	_ =	task [dreg:s7], $0x5FFFF  }
0xac: {  	[dreg:$0x1] =	wrdreg $0xFFFFFFFF  }
0xad: {  	[dreg:$0x0] =	wrdreg $0x60  }
0xae: {  	[dreg:$0x2] =	wrdreg s2  }
0xaf: {  	[dreg:$0x3] =	wrdreg s24  }
0xb0: {  	[dreg:$0x4] =	wrdreg $0x8A000  }
0xb1: {  	[dreg:$0x5] =	wrdreg $0x9  }
0xb2: {  	_ =	task.clear_ibuf [dreg:s7], $0x6FFFF;
	_ =	strace $0x9000004C  }
0xb3: {  	s29 =	simm.s32 $0x9;
	_ =	strace $0x8000004E  }
0xb4: {  	_ =	swait.ge [sflag:s29], $0x1  }
0xb5: {  	[sflag:s29] =	ssyncadd.s32 $0xFFFFFFFF  }
0xb6: {  	_ =	strace $0x9000004E  }
0xb7: {  	_ =	sfence  }
0xb8: {  	s30 =	sld [smem:$0x0];
	_ =	sdelay $0x2  }
0xb9: {  	s31 =	sshll.u32 s1, $0xD;
	s1 =	sshrl.u32 s1, $0x2  }
0xba: {  	s3 =	sand.u32 $0x4000, s31;
	s1 =	sadd.s32 s1, s30  }
0xbb: {  	s0 =	sor.u32 s3, s0;
	s1 =	sshll.u32 s1, $0x11  }
0xbc: {  	s0 =	sor.u32 s1, s0  }
0xbd: {  	s0 =	sadd.s32 $0x8F2B, s0  }
0xbe: {  	[sflag:s0] =	ssyncadd.remote.s32 $0x1  }
0xbf: {  	_ =	sfence.sel $0xFFFF  }
0xc0: {  	[dreg:$0x0] =	wrdreg $0xFFFFFFFF;
	(pc) =	sbr.abs _section_cstart, $3  }
0xc1: {  	[dreg:$0x1] =	wrdreg $0xFFFFFFFF  }
0xc2: {  	_ =	task.clear_ibuf [dreg:s7], $0x2FFFF;
	_ =	strace $0x9FFFFFFF  }
0xc3: {  	(tm) =	ssettm $0x7FFFFFFF  }
tec
execute0_lowered:
.L_overlay_start_1:
0x0: {  	(tag) =	ssettag $0x1  }
0x1: {  	s1 =	rddreg [dreg:$0x0]  }
0x2: {  	s6 =	rddreg [dreg:$0x1]  }
0x3: {  	s3 =	rddreg [dreg:$0x2]  }
0x4: {  	s0 =	rddreg [dreg:$0x3];
	s4 =	simm.s32 $0x0;
	s2 =	stileid.u32  }
0x5: {  	s8 =	srdreg.scid;
	s14 =	simm.s32 $0x3;
	s16 =	simm.s32 $0x800  }
0x6: {  	s17 =	simm.s32 $0xA00;
	s18 =	simm.s32 $0x900;
	s19 =	simm.s32 $0x4A00  }
0x7: {  	s20 =	simm.s32 $0x1;
	s21 =	simm.s32 $0x880;
	s22 =	simm.s32 $0x2  }
0x8: {  	s23 =	simm.s32 $0x980;
	s24 =	simm.s32 $0x4;
	s25 =	simm.s32 $0x0  }
0x9: {  	[smem:$0x7FF] =	sst s4;
	s7 =	smul.u32 $0x500, s2;
	s5 =	sadd.s32 $0x9800, s6  }
0xa: {  	s15 =	sand.u32 $0x1, s8;
	s29 =	smul.u32 $0x50000, s2;
	s9 =	sadd.s32 $0x31800, s6  }
0xb: {  	s11 =	sadd.s32 $0x59800, s6;
	s13 =	smul.u32 $0x2800, s2;
	s31 =	sshll.u32 s2, $0x6  }
0xc: {  	_ =	strace $0x8000004D;
	s10 =	ssub.s32 $0x2, s15;
	p0 =	seq.s32 s15, $0x0  }
0xd: {  	s7 =	sadd.s32 s7, s6;
	s30 =	sshrl.u32 s10, $0x1;
	s8 =	sshrl.u32 s29, $0x2  }
.Ltmp0:
0xe: {  	s11 =	smov.u32 @p0 s9;
	s10 =	ssub.s32 s10, s30;
	(pc) =	sbr.rel .LBB2_1-.Ltmp0, $4  }
0xf: {  	s12 =	sadd.s32 s8, s3;
	s6 =	sadd.s32 $0x4800, s7;
	s8 =	smov.u32 s5  }
0x10: {  	s11 =	sadd.s32 s11, s13;
	s7 =	smax.u32 s10, $0x1;
	s8 =	smov.u32 @p0 s1  }
0x11: {  	s10 =	sor.u32 $0x1C05, s31;
	s12 =	sshrl.u32 s12, $0x3;
	p0 =	sne.s32 s15, $0x0  }
0x12: {  	s15 =	simm.s32 $0x80;
	s9 =	sadd.s32 s8, s13;
	s13 =	simm.s32 $0x5  }
.LBB2_9:
0x13: {  	_ =	swait.ge [sflag:s22], $0x4000  }
0x14: {  	[sflag:s22] =	ssyncset.done $0x0  }
0x15: {  	[sflag:s22] =	ssyncadd.s32 $0xFFFFC000  }
0x16: {  	[spmem:s3] =	stream.indirect.scatter.add.f32 [tilespmem:s19], [sflag:$0x4], $0x80, s23, s15, $0xb8;
	[tilespmem:$0x1CA00] =	vst v63  }
0x17: {  	_ =	swait.ge [sflag:s14], $0x4000  }
0x18: {  	[sflag:s14] =	ssyncset.done $0x0  }
0x19: {  	[sflag:s14] =	ssyncadd.s32 $0xFFFFC000  }
0x1a: {  	_ =	swait.ge [sflag:s24], $0x4000  }
0x1b: {  	s25 =	sadd.s32 $0x1, s25;
	[sflag:s24] =	ssyncset.done $0x0  }
0x1c: {  	p1 =	sne.s32 s25, s7;
	[sflag:s24] =	ssyncadd.s32 $0xFFFFC000  }
.Ltmp1:
0x1d: {  	[bflag:$0x0] =	sbarrier.arrive $0xFFFF;
	(pc) =	sbr.rel @!p1 .LBB2_10-.Ltmp1, $4  }
0x1e: {  	[hbm:s11], [sflag:s10] =	dma.local [spmem:s12], $0x2800  }
0x1f: {  	_ =	swait.ge [sflag:s13], $0x2800  }
0x20: {  	[sflag:s13] =	ssyncset.done $0x0  }
0x21: {  	[sflag:s13] =	ssyncadd.s32 $0xFFFFD800  }
.LBB2_1:
0x22: {  	[spmem:s12], [sflag:s10] =	dma.local [hbm:s9], $0x2800  }
0x23: {  	_ =	swait.ge [sflag:s13], $0x2800  }
0x24: {  	[sflag:s13] =	ssyncset.done $0x0  }
0x25: {  	[sflag:s13] =	ssyncadd.s32 $0xFFFFD800  }
0x26: {  	[tilespmem:s4], [sflag:$0x5] =	stream.linear.gather [hbm4b:s6+s4], $0x800, $0x38;
	[tilespmem:$0x1CA00] =	vst v63  }
.Ltmp2:
0x27: {  	_ =	swait.ge [sflag:s13], $0x800;
	(pc) =	sbr.rel .LBB2_2-.Ltmp2, $4  }
0x28: {  	[sflag:s13] =	ssyncset.done $0x0  }
0x29: {  	[sflag:s13] =	ssyncadd.s32 $0xFFFFF800  }
0x2a: {  	[bflag:$0x0] =	sbarrier.arrive $0xFFFF  }
0x2b: {  	s26 =	simm.s32 $0x0;
	s28 =	smov.u32 s6;
	s29 =	simm.s32 $0x0  }
.LBB2_8:
0x2c: {  	v0 =	vld [tilespmem:s30+$0x80];
	_ =	sdelay $0x4  }
0x2d: {  	v1 =	vand.u32 $0x3FFF, v0  }
0x2e: {  	v0 =	vshrl.u32 v0, $0xE;
	[tilespmem:$0x900] =	vst v1  }
0x2f: {  	[tilespmem:$0x980] =	vst v0  }
0x30: {  	v0 =	vld [tilespmem:s30+$0x90];
	_ =	sdelay $0x4  }
0x31: {  	v57 =	vand.u32 $0x3FFF, v0  }
0x32: {  	v0 =	vshrl.u32 v0, $0xE;
	[tilespmem:$0x910] =	vst v57  }
0x33: {  	[tilespmem:$0x990] =	vst v0  }
0x34: {  	v0 =	vld [tilespmem:s30+$0xA0];
	_ =	sdelay $0x4  }
0x35: {  	v58 =	vand.u32 $0x3FFF, v0  }
0x36: {  	v0 =	vshrl.u32 v0, $0xE;
	[tilespmem:$0x920] =	vst v58  }
0x37: {  	[tilespmem:$0x9A0] =	vst v0  }
0x38: {  	v0 =	vld [tilespmem:s30+$0xB0];
	_ =	sdelay $0x4  }
0x39: {  	v59 =	vand.u32 $0x3FFF, v0  }
0x3a: {  	v0 =	vshrl.u32 v0, $0xE;
	[tilespmem:$0x930] =	vst v59  }
0x3b: {  	[tilespmem:$0x9B0] =	vst v0  }
0x3c: {  	v0 =	vld [tilespmem:s30+$0xC0];
	_ =	sdelay $0x4  }
0x3d: {  	v60 =	vand.u32 $0x3FFF, v0  }
0x3e: {  	v0 =	vshrl.u32 v0, $0xE;
	[tilespmem:$0x940] =	vst v60  }
0x3f: {  	[tilespmem:$0x9C0] =	vst v0  }
0x40: {  	v0 =	vld [tilespmem:s30+$0xD0];
	_ =	sdelay $0x4  }
0x41: {  	v61 =	vand.u32 $0x3FFF, v0  }
0x42: {  	v0 =	vshrl.u32 v0, $0xE;
	[tilespmem:$0x950] =	vst v61  }
0x43: {  	[tilespmem:$0x9D0] =	vst v0  }
0x44: {  	v0 =	vld [tilespmem:s30+$0xE0];
	_ =	sdelay $0x4  }
0x45: {  	v62 =	vand.u32 $0x3FFF, v0  }
0x46: {  	v0 =	vshrl.u32 v0, $0xE;
	[tilespmem:$0x960] =	vst v62  }
0x47: {  	[tilespmem:$0x9E0] =	vst v0  }
0x48: {  	v0 =	vld [tilespmem:s30+$0xF0];
	_ =	sdelay $0x4  }
0x49: {  	v63 =	vand.u32 $0x3FFF, v0  }
0x4a: {  	s29 =	sadd.s32 $0x1, s29;
	v0 =	vshrl.u32 v0, $0xE;
	[tilespmem:$0x970] =	vst v63  }
0x4b: {  	p1 =	sne.s32 s29, $0x28;
	[tilespmem:$0x9F0] =	vst v0  }
0x4c: {  	[tilespmem:s19], [sflag:$0x2] =	stream.indirect.gather [hbm4b:s8+s15], $0x80, s18, s15, $0xb8;
	[tilespmem:$0x1CA00] =	vst v63  }
.Ltmp3:
0x4d: {  	_ = 	snop;
	(pc) =	sbr.rel @!p1 .LBB2_9-.Ltmp3, $4  }
0x4e: {  	_ =	swait.ge [sflag:s20], $0x4000  }
0x4f: {  	[sflag:s20] =	ssyncset.done $0x0  }
0x50: {  	s28 =	sadd.s32 $0x20, s28;
	s26 =	sadd.s32 $0x100, s26;
	[sflag:s20] =	ssyncadd.s32 $0xFFFFC000  }
0x51: {  	[spmem:s3] =	stream.indirect.scatter.add.f32 [tilespmem:s17], [sflag:$0x3], $0x80, s21, s15, $0xb8;
	[tilespmem:$0x1CA00] =	vst v63  }
.LBB2_2:
0x52: {  	s30 =	sadd.s32 $0xFFFFFFF8, s29  }
0x53: {  	p1 =	sgt.u32 s30, $0x18  }
0x54: {  	s31 =	simm.s32 @!p1 $0x1  }
0x55: {  	s30 =	sshll.u32 @!p1 s31, s30  }
0x56: {  	s30 =	sand.u32 @!p1 $0x1010101, s30  }
0x57: {  	p2 =	sne.s32 @!p1 s30, $0x0  }
0x58: {  	p1 =	por p1, !p2  }
.Ltmp4:
0x59: {  	_ = 	snop;
	(pc) =	sbr.rel @p1 .LBB2_3-.Ltmp4, $1  }
0x5a: {  	_ =	sdelay $0x3  }
0x5b: {  	[tilespmem:s4], [sflag:$0x5] =	stream.linear.gather [hbm4b:s28+s4], $0x800, $0x38;
	[tilespmem:$0x1CA00] =	vst v63  }
0x5c: {  	_ =	swait.ge [sflag:s13], $0x800  }
0x5d: {  	[sflag:s13] =	ssyncset.done $0x0  }
0x5e: {  	[sflag:s13] =	ssyncadd.s32 $0xFFFFF800  }
.LBB2_5:
0x5f: {  	_ =	swait.ge [sflag:s14], $0x4000  }
0x60: {  	[sflag:s14] =	ssyncset.done $0x0  }
0x61: {  	[sflag:s14] =	ssyncadd.s32 $0xFFFFC000  }
.LBB2_6:
0x62: {  	s30 =	sand.u32 $0x700, s26  }
0x63: {  	v0 =	vld [tilespmem:s30+$0x0];
	_ =	sdelay $0x4  }
0x64: {  	v1 =	vand.u32 $0x3FFF, v0  }
0x65: {  	v0 =	vshrl.u32 v0, $0xE;
	[tilespmem:$0x800] =	vst v1  }
0x66: {  	[tilespmem:$0x880] =	vst v0  }
0x67: {  	v0 =	vld [tilespmem:s30+$0x10];
	_ =	sdelay $0x4  }
0x68: {  	v57 =	vand.u32 $0x3FFF, v0  }
0x69: {  	v0 =	vshrl.u32 v0, $0xE;
	[tilespmem:$0x810] =	vst v57  }
0x6a: {  	[tilespmem:$0x890] =	vst v0  }
0x6b: {  	v0 =	vld [tilespmem:s30+$0x20];
	_ =	sdelay $0x4  }
0x6c: {  	v58 =	vand.u32 $0x3FFF, v0  }
0x6d: {  	v0 =	vshrl.u32 v0, $0xE;
	[tilespmem:$0x820] =	vst v58  }
0x6e: {  	[tilespmem:$0x8A0] =	vst v0  }
0x6f: {  	v0 =	vld [tilespmem:s30+$0x30];
	_ =	sdelay $0x4  }
0x70: {  	v59 =	vand.u32 $0x3FFF, v0  }
0x71: {  	v0 =	vshrl.u32 v0, $0xE;
	[tilespmem:$0x830] =	vst v59  }
0x72: {  	[tilespmem:$0x8B0] =	vst v0  }
0x73: {  	v0 =	vld [tilespmem:s30+$0x40];
	_ =	sdelay $0x4  }
0x74: {  	v60 =	vand.u32 $0x3FFF, v0  }
0x75: {  	v0 =	vshrl.u32 v0, $0xE;
	[tilespmem:$0x840] =	vst v60  }
0x76: {  	[tilespmem:$0x8C0] =	vst v0  }
0x77: {  	v0 =	vld [tilespmem:s30+$0x50];
	_ =	sdelay $0x4  }
0x78: {  	v61 =	vand.u32 $0x3FFF, v0  }
0x79: {  	v0 =	vshrl.u32 v0, $0xE;
	[tilespmem:$0x850] =	vst v61  }
0x7a: {  	[tilespmem:$0x8D0] =	vst v0  }
0x7b: {  	v0 =	vld [tilespmem:s30+$0x60];
	_ =	sdelay $0x4  }
0x7c: {  	v62 =	vand.u32 $0x3FFF, v0  }
0x7d: {  	v0 =	vshrl.u32 v0, $0xE;
	[tilespmem:$0x860] =	vst v62  }
0x7e: {  	[tilespmem:$0x8E0] =	vst v0  }
0x7f: {  	v0 =	vld [tilespmem:s30+$0x70];
	_ =	sdelay $0x4  }
0x80: {  	p1 =	seq.s32 s29, $0x0;
	v63 =	vand.u32 $0x3FFF, v0  }
.Ltmp5:
0x81: {  	v0 =	vshrl.u32 v0, $0xE;
	[tilespmem:$0x870] =	vst v63;
	(pc) =	sbr.rel @p1 .LBB2_8-.Ltmp5, $4  }
0x82: {  	[tilespmem:$0x8F0] =	vst v0  }
0x83: {  	[tilespmem:s17], [sflag:$0x1] =	stream.indirect.gather @p0 [hbm4b:s5+s15], $0x80, s16, s15, $0xb8;
	[tilespmem:$0x1CA00] =	vst v63  }
0x84: {  	_ = 	snop  }
0x85: {  	[tilespmem:s17], [sflag:$0x1] =	stream.indirect.gather @!p0 [hbm4b:s1+s15], $0x80, s16, s15, $0xb8;
	[tilespmem:$0x1CA00] =	vst v63  }
0x86: {  	_ =	swait.ge [sflag:s22], $0x4000  }
0x87: {  	[sflag:s22] =	ssyncset.done $0x0  }
.Ltmp6:
0x88: {  	[sflag:s22] =	ssyncadd.s32 $0xFFFFC000;
	(pc) =	sbr.rel .LBB2_8-.Ltmp6, $4  }
0x89: {  	[spmem:s3] =	stream.indirect.scatter.add.f32 [tilespmem:s19], [sflag:$0x4], $0x80, s23, s15, $0xb8;
	[tilespmem:$0x1CA00] =	vst v63  }
0x8a: {  	_ =	swait.ge [sflag:s24], $0x4000  }
0x8b: {  	[sflag:s24] =	ssyncset.done $0x0  }
0x8c: {  	[sflag:s24] =	ssyncadd.s32 $0xFFFFC000  }
.LBB2_3:
0x8d: {  	p1 =	seq.s32 s29, $0x0  }
.Ltmp7:
0x8e: {  	_ = 	snop;
	(pc) =	sbr.rel @p1 .LBB2_6-.Ltmp7, $4  }
.Ltmp8:
0x8f: {  	_ = 	snop;
	(pc) =	sbr.rel @!p1 .LBB2_5-.Ltmp8, $4  }
0x90: {  	_ = 	snop  }
0x91: {  	_ = 	snop  }
0x92: {  	_ = 	snop  }
0x93: {  	_ = 	snop  }
.LBB2_10:
0x94: {  	_ =	sfence.sel $0x180000  }
0x95: {  	[bflag:$0x0] =	sbarrier.arrive $0xFFFF  }
0x96: {  	p0 =	sne.s32 s2, $0x0;
	_ =	strace $0x9000004D  }
0x97: {  	s0 =	sadd.s32 @!p0 $0x100000, s0;
	[bflag:$0x2] =	sbarrier.arrive $0xFFFF  }
0x98: {  	[sflag:s0] =	ssyncadd.tile.s32 @!p0 $0x1;
	_ =	shalt  }
.Lfunc_end2:
_tile_overlayer_lowered:
.L_overlay_start_2:
0x99: {  	(tag) =	ssettag $0x2  }
0x9a: {  	s0 =	rddreg [dreg:$0x0];
	s2 =	stileid.u32  }
0x9b: {  	s1 =	rddreg [dreg:$0x1];
	p0 =	sne.s32 s2, $0x0  }
0x9c: {  	s3 =	rddreg [dreg:$0x2];
	[bflag:$0x3] =	sbarrier.arrive $0xFFFF;
	s2 =	simm.s32 @!p0 $0x1C05  }
0x9d: {  	[timem:s3], [sflag:s2] =	dma.local @!p0 [hbm:s0], s1  }
0x9e: {  	s0 =	simm.s32 @!p0 $0x5  }
0x9f: {  	_ =	swait.ge @!p0 [sflag:s0], s1  }
0xa0: {  	s1 =	ssub.s32 @!p0 $0x0, s1;
	[sflag:s0] =	ssyncset.done @!p0 $0x0  }
0xa1: {  	[sflag:s0] =	ssyncadd.s32 @!p0 s1  }
0xa2: {  	[bflag:$0x3] =	sbarrier.arrive $0xFFFF  }
0xa3: {  	_ =	shalt  }

// kernel: kernel.19.cloned.1.call-start
scs
__scs_entry_jumppad:
0x0: {  	(pc) =	sbr.rel $0x88, $3  }
0x1: {  	(tag) =	ssettag $0x0;
	lr =	simm.s32 $0x1  }
0x2: {  	[smem:$0x3F99] =	sst lr;
	_ =	strace $0xD0000000  }
0x3: {  	_ = 	snop  }
0x4: {  	_ = 	snop  }
0x5: {  	_ = 	snop  }
0x6: {  	_ = 	snop  }
0x7: {  	_ = 	snop  }
__scs_overlays_trampoline_lowered:
0x8: {  	[smem:$0x3FA8] =	sst s0  }
0x9: {  	[smem:$0x3FA9] =	sst s1  }
0xa: {  	[smem:$0x3FAA] =	sst s2  }
0xb: {  	[smem:$0x3FAB] =	sst s3  }
0xc: {  	[smem:$0x3FAC] =	sst s4  }
0xd: {  	[smem:$0x3FAD] =	sst s5  }
0xe: {  	[smem:$0x3FAE] =	sst s6  }
0xf: {  	[smem:$0x3FAF] =	sst s7  }
0x10: {  	[smem:$0x3FB0] =	sst s8  }
0x11: {  	[smem:$0x3FB1] =	sst s9;
	s0 =	simm.s32 @!p0 $0x0  }
0x12: {  	s1 =	sld [smem:$0x3F97];
	s0 =	simm.s32 @p0 $0x1  }
0x13: {  	[smem:$0x3FB2] =	sst s0;
	s0 =	simm.s32 @!p1 $0x0  }
0x14: {  	s2 =	sld [smem:$0x3F96];
	s0 =	simm.s32 @p1 $0x1  }
0x15: {  	[smem:$0x3FB3] =	sst s0;
	s0 =	simm.s32 @!p2 $0x0  }
0x16: {  	s3 =	sld [smem:$0x3FDB];
	s0 =	simm.s32 @p2 $0x1  }
0x17: {  	s4 =	simm.s32 $0x1BF5;
	[smem:$0x3FB5] =	sst s0  }
0x18: {  	s0 =	sld [smem:$0x3F98];
	_ =	swait.ge [sflag:s4], $0x0  }
0x19: {  	s7 =	sld [smem:$0x3F99]  }
0x1a: {  	s8 =	sadd.s32 $0xFFFFE003, lr  }
0x1b: {  	s9 =	sadd.s32 $0xFFFFFEF7, lr;
	s5 =	simm.s32 $0xFFFFFFFF;
	p2 =	slt.u32 s8, $0xFFFFF086  }
0x1c: {  	p1 =	slt.u32 s9, $0xF7A;
	s5 =	simm.s32 @!p2 $0x0  }
0x1d: {  	s5 =	simm.s32 @p1 $0x1;
	p0 =	seq.s32 s7, s2  }
0x1e: {  	s7 =	smul.u32 @!p0 $0xF7A, s2;
	p2 =	seq.s32 @!p0 s5, $0x0  }
0x1f: {  	s9 =	smul.u32 $0xF7A, s1;
	s8 =	simm.s32 @!p0 $0x1BF5;
	p2 =	por !p2, p0  }
0x20: {  	[sflag:s8] =	ssyncset.s32 @!p0 $0xFFFFF086;
	s6 =	sadd.s32 @!p0 s3, s7;
	s7 =	simm.s32 @!p0 $0x108  }
0x21: {  	s3 =	sadd.s32 s3, s9;
	s6 =	sadd.s32 @!p0 $0x88, s6;
	s7 =	simm.s32 @p2 $0x1082  }
0x22: {  	[simem:s7], [sflag:s8] =	dma.local @!p0 [hbm:s6], $0xF7A  }
0x23: {  	s9 =	sor.u32 $0xD0000000, s2;
	s6 =	simm.s32 $0x108;
	_ =	swait.ge @!p0 [sflag:s8], $0x0  }
0x24: {  	s3 =	sadd.s32 $0x88, s3;
	s6 =	simm.s32 @!p1 $0x1082;
	[sflag:s4] =	ssyncset.s32 $0xFFFFF086  }
0x25: {  	[simem:s6], [sflag:s4] =	dma.local [hbm:s3], $0xF7A  }
0x26: {  	[smem:$0x3F99] =	sst s1;
	(tag) =	ssettag s2;
	_ =	strace s9  }
0x27: {  	s1 =	sld [smem:$0x3FA9]  }
0x28: {  	s2 =	sld [smem:$0x3FAA]  }
0x29: {  	s4 =	sld [smem:$0x3FAC]  }
0x2a: {  	p0 =	seq.s32 s5, $0x0;
	s5 =	sld [smem:$0x3FAD]  }
0x2b: {  	s6 =	sld [smem:$0x3FAE]  }
0x2c: {  	s7 =	sld [smem:$0x3FAF]  }
0x2d: {  	s3 =	simm.s32 $0x108;
	s8 =	sld [smem:$0x3FB0]  }
0x2e: {  	s3 =	simm.s32 @!p0 $0x1082;
	s9 =	sld [smem:$0x3FB1]  }
0x2f: {  	lr =	sadd.s32 s0, s3;
	s0 =	sld [smem:$0x3FA8]  }
0x30: {  	s3 =	sld [smem:$0x3FAB]  }
0x31: {  	[smem:$0x3FB4] =	sst s10  }
0x32: {  	s10 =	sld [smem:$0x3FB2];
	_ =	sdelay $0x3  }
0x33: {  	p0 =	seq.s32 s10, $0x1;
	s10 =	sld [smem:$0x3FB4];
	_ =	sdelay $0x3  }
0x34: {  	[smem:$0x3FB4] =	sst s10  }
0x35: {  	s10 =	sld [smem:$0x3FB3];
	_ =	sdelay $0x3  }
0x36: {  	p1 =	seq.s32 s10, $0x1;
	s10 =	sld [smem:$0x3FB4];
	_ =	sdelay $0x3  }
0x37: {  	[smem:$0x3FB4] =	sst s10  }
0x38: {  	s10 =	sld [smem:$0x3FB5]  }
0x39: {  	_ = 	snop;
	(pc) =	sbr.ind lr, $3  }
0x3a: {  	_ = 	snop  }
0x3b: {  	_ = 	snop  }
0x3c: {  	p2 =	seq.s32 s10, $0x1;
	s10 =	sld [smem:$0x3FB4]  }
0x3d: {  	_ =	shalt  }
0x3e: {  	_ =	shalt  }
0x3f: {  	_ =	shalt  }
0x40: {  	_ =	shalt  }
0x41: {  	_ =	shalt  }
0x42: {  	_ =	shalt  }
0x43: {  	_ =	shalt  }
0x44: {  	_ =	shalt  }
0x45: {  	_ =	shalt  }
0x46: {  	_ =	shalt  }
0x47: {  	_ =	shalt  }
0x48: {  	_ =	shalt  }
0x49: {  	_ =	shalt  }
0x4a: {  	_ =	shalt  }
0x4b: {  	_ =	shalt  }
0x4c: {  	_ =	shalt  }
0x4d: {  	_ =	shalt  }
0x4e: {  	_ =	shalt  }
0x4f: {  	_ =	shalt  }
0x50: {  	_ =	shalt  }
0x51: {  	_ =	shalt  }
0x52: {  	_ =	shalt  }
0x53: {  	_ =	shalt  }
0x54: {  	_ =	shalt  }
0x55: {  	_ =	shalt  }
0x56: {  	_ =	shalt  }
0x57: {  	_ =	shalt  }
0x58: {  	_ =	shalt  }
0x59: {  	_ =	shalt  }
0x5a: {  	_ =	shalt  }
0x5b: {  	_ =	shalt  }
0x5c: {  	_ =	shalt  }
0x5d: {  	_ =	shalt  }
0x5e: {  	_ =	shalt  }
0x5f: {  	_ =	shalt  }
0x60: {  	_ =	shalt  }
0x61: {  	_ =	shalt  }
0x62: {  	_ =	shalt  }
0x63: {  	_ =	shalt  }
0x64: {  	_ =	shalt  }
0x65: {  	_ =	shalt  }
0x66: {  	_ =	shalt  }
0x67: {  	_ =	shalt  }
0x68: {  	_ =	shalt  }
0x69: {  	_ =	shalt  }
0x6a: {  	_ =	shalt  }
0x6b: {  	_ =	shalt  }
0x6c: {  	_ =	shalt  }
0x6d: {  	_ =	shalt  }
0x6e: {  	_ =	shalt  }
0x6f: {  	_ =	shalt  }
0x70: {  	_ =	shalt  }
0x71: {  	_ =	shalt  }
0x72: {  	_ =	shalt  }
0x73: {  	_ =	shalt  }
0x74: {  	_ =	shalt  }
0x75: {  	_ =	shalt  }
0x76: {  	_ =	shalt  }
0x77: {  	_ =	shalt  }
0x78: {  	_ =	shalt  }
0x79: {  	_ =	shalt  }
0x7a: {  	_ =	shalt  }
0x7b: {  	_ =	shalt  }
0x7c: {  	_ =	shalt  }
0x7d: {  	_ =	shalt  }
0x7e: {  	_ =	shalt  }
0x7f: {  	_ =	shalt  }
0x80: {  	_ =	shalt  }
0x81: {  	_ =	shalt  }
0x82: {  	_ =	shalt  }
0x83: {  	_ =	shalt  }
0x84: {  	_ =	shalt  }
0x85: {  	_ =	shalt  }
0x86: {  	_ =	shalt  }
0x87: {  	_ =	shalt  }
.Lfunc_end0:
.L_simem_size_0:
called_computation.3_lowered:
.L_overlay_start_0:
0x88: {  	s2 =	sld [smem:$0x3FD9]  }
0x89: {  	s3 =	sld [smem:$0x3FFE];
	_ =	sdelay $0x1  }
0x8a: {  	s1 =	srdreg.scid  }
0x8b: {  	s0 =	sand.u32 $0x1, s1  }
0x8c: {  	s17 =	sshll.u32 s0, $0xA;
	s2 =	sadd.s32 s3, s2  }
0x8d: {  	s2 =	sadd.s32 s2, s17  }
0x8e: {  	[smem:$0x3FC0] =	sst s2  }
0x8f: {  	_ = 	snop  }
0x90: {  	s2 =	sld [smem:$0x3FD0];
	(tm) =	ssettm $0x1  }
0x91: {  	s18 =	sld [smem:$0x3FFB];
	_ =	sdelay $0x3  }
0x92: {  	_ =	strace s18  }
0x93: {  	s3 =	sld [smem:$0x3FFC];
	_ =	sdelay $0x3  }
0x94: {  	_ =	strace s3  }
0x95: {  	s3 =	sld [smem:$0x3FFD];
	_ =	sdelay $0x3  }
0x96: {  	_ =	strace s3  }
0x97: {  	_ =	strace $0x8FFFFFFF  }
0x98: {  	s19 =	sld [smem:$0x3FDB];
	_ =	sdelay $0x1  }
0x99: {  	s4 =	simm.s32 $_scs_section_size  }
0x9a: {  	s5 =	simm.s32 $_size__tile_overlayer_lowered;
	s6 =	simm.s32 $_tile_overlayer_lowered  }
0x9b: {  	s22 =	simm.s32 $0x1BFF;
	s21 =	sshll.u32 s6, $0x1;
	s3 =	sadd.s32 s4, s19  }
0x9c: {  	s7 =	simm.s32 $0x0;
	s20 =	sshll.u32 s5, $0x1;
	s5 =	sadd.s32 s21, s3  }
0x9d: {  	[timem:s7], [sflag:s22] =	dma.local [hbm:s5], s20  }
0x9e: {  	_ =	swait.ge [sflag:s22], s20  }
0x9f: {  	s4 =	ssub.s32 $0x0, s20;
	[sflag:s22] =	ssyncset.done $0x0  }
0xa0: {  	[sflag:s22] =	ssyncadd.s32 s4;
	_ =	sdelay $0x1  }
0xa1: {  	s23 =	simm.s32 $0x1B8B  }
0xa2: {  	_ =	swait.ge [sflag:s23], $0x1  }
0xa3: {  	[sflag:s23] =	ssyncset.done $0x0  }
0xa4: {  	s25 =	simm.s32 $0x1B8E;
	s24 =	sld [smem:$0x3FFE];
	[sflag:s23] =	ssyncadd.s32 $0xFFFFFFFF  }
0xa5: {  	s26 =	simm.s32 $execute0_lowered;
	[smem:$0x3FD2] =	sst s25  }
0xa6: {  	s5 =	sshll.u32 s26, $0x1;
	_ =	strace $0x8000004F;
	[dreg:$0x1] =	wrdreg $0xFFFFFFFF  }
0xa7: {  	s28 =	simm.s32 $_size_execute0_lowered;
	s3 =	sadd.s32 s3, s5;
	[dreg:$0x0] =	wrdreg $0x0  }
0xa8: {  	s5 =	sshll.u32 s28, $0x1;
	[dreg:$0x2] =	wrdreg s3  }
0xa9: {  	[dreg:$0x3] =	wrdreg s5  }
0xaa: {  	[dreg:$0x4] =	wrdreg $0xC0  }
0xab: {  	_ =	task [dreg:s7], $0x5FFFF  }
0xac: {  	[dreg:$0x1] =	wrdreg $0xFFFFFFFF  }
0xad: {  	[dreg:$0x0] =	wrdreg $0x60  }
0xae: {  	[dreg:$0x2] =	wrdreg s2  }
0xaf: {  	[dreg:$0x3] =	wrdreg s24  }
0xb0: {  	[dreg:$0x4] =	wrdreg $0x8A000  }
0xb1: {  	[dreg:$0x5] =	wrdreg $0x9  }
0xb2: {  	_ =	task.clear_ibuf [dreg:s7], $0x6FFFF;
	_ =	strace $0x9000004F  }
0xb3: {  	s29 =	simm.s32 $0x9;
	_ =	strace $0x80000051  }
0xb4: {  	_ =	swait.ge [sflag:s29], $0x1  }
0xb5: {  	[sflag:s29] =	ssyncadd.s32 $0xFFFFFFFF  }
0xb6: {  	_ =	strace $0x90000051  }
0xb7: {  	_ =	sfence  }
0xb8: {  	s30 =	sld [smem:$0x0];
	_ =	sdelay $0x2  }
0xb9: {  	s31 =	sshll.u32 s1, $0xD;
	s1 =	sshrl.u32 s1, $0x2  }
0xba: {  	s3 =	sand.u32 $0x4000, s31;
	s1 =	sadd.s32 s1, s30  }
0xbb: {  	s0 =	sor.u32 s3, s0;
	s1 =	sshll.u32 s1, $0x11  }
0xbc: {  	s0 =	sor.u32 s1, s0  }
0xbd: {  	s0 =	sadd.s32 $0x8F2B, s0  }
0xbe: {  	[sflag:s0] =	ssyncadd.remote.s32 $0x1  }
0xbf: {  	_ =	sfence.sel $0xFFFF  }
0xc0: {  	[dreg:$0x0] =	wrdreg $0xFFFFFFFF;
	(pc) =	sbr.abs _section_cstart, $3  }
0xc1: {  	[dreg:$0x1] =	wrdreg $0xFFFFFFFF  }
0xc2: {  	_ =	task.clear_ibuf [dreg:s7], $0x2FFFF;
	_ =	strace $0x9FFFFFFF  }
0xc3: {  	(tm) =	ssettm $0x7FFFFFFF  }
tec
execute0_lowered:
.L_overlay_start_1:
0x0: {  	(tag) =	ssettag $0x1  }
0x1: {  	s1 =	rddreg [dreg:$0x0]  }
0x2: {  	s6 =	rddreg [dreg:$0x1]  }
0x3: {  	s3 =	rddreg [dreg:$0x2]  }
0x4: {  	s0 =	rddreg [dreg:$0x3];
	s4 =	simm.s32 $0x0;
	s2 =	stileid.u32  }
0x5: {  	s8 =	srdreg.scid;
	s14 =	simm.s32 $0x3;
	s16 =	simm.s32 $0x800  }
0x6: {  	s17 =	simm.s32 $0xA00;
	s18 =	simm.s32 $0x900;
	s19 =	simm.s32 $0x4A00  }
0x7: {  	s20 =	simm.s32 $0x1;
	s21 =	simm.s32 $0x880;
	s22 =	simm.s32 $0x2  }
0x8: {  	s23 =	simm.s32 $0x980;
	s24 =	simm.s32 $0x4;
	s25 =	simm.s32 $0x0  }
0x9: {  	[smem:$0x7FF] =	sst s4;
	s7 =	smul.u32 $0x500, s2;
	s5 =	sadd.s32 $0x9800, s6  }
0xa: {  	s15 =	sand.u32 $0x1, s8;
	s29 =	smul.u32 $0x50000, s2;
	s9 =	sadd.s32 $0x31800, s6  }
0xb: {  	s11 =	sadd.s32 $0x59800, s6;
	s13 =	smul.u32 $0x2800, s2;
	s31 =	sshll.u32 s2, $0x6  }
0xc: {  	_ =	strace $0x80000050;
	s10 =	ssub.s32 $0x2, s15;
	p0 =	seq.s32 s15, $0x0  }
0xd: {  	s7 =	sadd.s32 s7, s6;
	s30 =	sshrl.u32 s10, $0x1;
	s8 =	sshrl.u32 s29, $0x2  }
.Ltmp0:
0xe: {  	s11 =	smov.u32 @p0 s9;
	s10 =	ssub.s32 s10, s30;
	(pc) =	sbr.rel .LBB2_1-.Ltmp0, $4  }
0xf: {  	s12 =	sadd.s32 s8, s3;
	s6 =	sadd.s32 $0x4800, s7;
	s8 =	smov.u32 s5  }
0x10: {  	s11 =	sadd.s32 s11, s13;
	s7 =	smax.u32 s10, $0x1;
	s8 =	smov.u32 @p0 s1  }
0x11: {  	s10 =	sor.u32 $0x1C05, s31;
	s12 =	sshrl.u32 s12, $0x3;
	p0 =	sne.s32 s15, $0x0  }
0x12: {  	s15 =	simm.s32 $0x80;
	s9 =	sadd.s32 s8, s13;
	s13 =	simm.s32 $0x5  }
.LBB2_9:
0x13: {  	_ =	swait.ge [sflag:s22], $0x4000  }
0x14: {  	[sflag:s22] =	ssyncset.done $0x0  }
0x15: {  	[sflag:s22] =	ssyncadd.s32 $0xFFFFC000  }
0x16: {  	[spmem:s3] =	stream.indirect.scatter.add.f32 [tilespmem:s19], [sflag:$0x4], $0x80, s23, s15, $0xb8;
	[tilespmem:$0x1CA00] =	vst v63  }
0x17: {  	_ =	swait.ge [sflag:s14], $0x4000  }
0x18: {  	[sflag:s14] =	ssyncset.done $0x0  }
0x19: {  	[sflag:s14] =	ssyncadd.s32 $0xFFFFC000  }
0x1a: {  	_ =	swait.ge [sflag:s24], $0x4000  }
0x1b: {  	s25 =	sadd.s32 $0x1, s25;
	[sflag:s24] =	ssyncset.done $0x0  }
0x1c: {  	p1 =	sne.s32 s25, s7;
	[sflag:s24] =	ssyncadd.s32 $0xFFFFC000  }
.Ltmp1:
0x1d: {  	[bflag:$0x0] =	sbarrier.arrive $0xFFFF;
	(pc) =	sbr.rel @!p1 .LBB2_10-.Ltmp1, $4  }
0x1e: {  	[hbm:s11], [sflag:s10] =	dma.local [spmem:s12], $0x2800  }
0x1f: {  	_ =	swait.ge [sflag:s13], $0x2800  }
0x20: {  	[sflag:s13] =	ssyncset.done $0x0  }
0x21: {  	[sflag:s13] =	ssyncadd.s32 $0xFFFFD800  }
.LBB2_1:
0x22: {  	[spmem:s12], [sflag:s10] =	dma.local [hbm:s9], $0x2800  }
0x23: {  	_ =	swait.ge [sflag:s13], $0x2800  }
0x24: {  	[sflag:s13] =	ssyncset.done $0x0  }
0x25: {  	[sflag:s13] =	ssyncadd.s32 $0xFFFFD800  }
0x26: {  	[tilespmem:s4], [sflag:$0x5] =	stream.linear.gather [hbm4b:s6+s4], $0x800, $0x38;
	[tilespmem:$0x1CA00] =	vst v63  }
.Ltmp2:
0x27: {  	_ =	swait.ge [sflag:s13], $0x800;
	(pc) =	sbr.rel .LBB2_2-.Ltmp2, $4  }
0x28: {  	[sflag:s13] =	ssyncset.done $0x0  }
0x29: {  	[sflag:s13] =	ssyncadd.s32 $0xFFFFF800  }
0x2a: {  	[bflag:$0x0] =	sbarrier.arrive $0xFFFF  }
0x2b: {  	s26 =	simm.s32 $0x0;
	s28 =	smov.u32 s6;
	s29 =	simm.s32 $0x0  }
.LBB2_8:
0x2c: {  	v0 =	vld [tilespmem:s30+$0x80];
	_ =	sdelay $0x4  }
0x2d: {  	v1 =	vand.u32 $0x3FFF, v0  }
0x2e: {  	v0 =	vshrl.u32 v0, $0xE;
	[tilespmem:$0x900] =	vst v1  }
0x2f: {  	[tilespmem:$0x980] =	vst v0  }
0x30: {  	v0 =	vld [tilespmem:s30+$0x90];
	_ =	sdelay $0x4  }
0x31: {  	v57 =	vand.u32 $0x3FFF, v0  }
0x32: {  	v0 =	vshrl.u32 v0, $0xE;
	[tilespmem:$0x910] =	vst v57  }
0x33: {  	[tilespmem:$0x990] =	vst v0  }
0x34: {  	v0 =	vld [tilespmem:s30+$0xA0];
	_ =	sdelay $0x4  }
0x35: {  	v58 =	vand.u32 $0x3FFF, v0  }
0x36: {  	v0 =	vshrl.u32 v0, $0xE;
	[tilespmem:$0x920] =	vst v58  }
0x37: {  	[tilespmem:$0x9A0] =	vst v0  }
0x38: {  	v0 =	vld [tilespmem:s30+$0xB0];
	_ =	sdelay $0x4  }
0x39: {  	v59 =	vand.u32 $0x3FFF, v0  }
0x3a: {  	v0 =	vshrl.u32 v0, $0xE;
	[tilespmem:$0x930] =	vst v59  }
0x3b: {  	[tilespmem:$0x9B0] =	vst v0  }
0x3c: {  	v0 =	vld [tilespmem:s30+$0xC0];
	_ =	sdelay $0x4  }
0x3d: {  	v60 =	vand.u32 $0x3FFF, v0  }
0x3e: {  	v0 =	vshrl.u32 v0, $0xE;
	[tilespmem:$0x940] =	vst v60  }
0x3f: {  	[tilespmem:$0x9C0] =	vst v0  }
0x40: {  	v0 =	vld [tilespmem:s30+$0xD0];
	_ =	sdelay $0x4  }
0x41: {  	v61 =	vand.u32 $0x3FFF, v0  }
0x42: {  	v0 =	vshrl.u32 v0, $0xE;
	[tilespmem:$0x950] =	vst v61  }
0x43: {  	[tilespmem:$0x9D0] =	vst v0  }
0x44: {  	v0 =	vld [tilespmem:s30+$0xE0];
	_ =	sdelay $0x4  }
0x45: {  	v62 =	vand.u32 $0x3FFF, v0  }
0x46: {  	v0 =	vshrl.u32 v0, $0xE;
	[tilespmem:$0x960] =	vst v62  }
0x47: {  	[tilespmem:$0x9E0] =	vst v0  }
0x48: {  	v0 =	vld [tilespmem:s30+$0xF0];
	_ =	sdelay $0x4  }
0x49: {  	v63 =	vand.u32 $0x3FFF, v0  }
0x4a: {  	s29 =	sadd.s32 $0x1, s29;
	v0 =	vshrl.u32 v0, $0xE;
	[tilespmem:$0x970] =	vst v63  }
0x4b: {  	p1 =	sne.s32 s29, $0x28;
	[tilespmem:$0x9F0] =	vst v0  }
0x4c: {  	[tilespmem:s19], [sflag:$0x2] =	stream.indirect.gather [hbm4b:s8+s15], $0x80, s18, s15, $0xb8;
	[tilespmem:$0x1CA00] =	vst v63  }
.Ltmp3:
0x4d: {  	_ = 	snop;
	(pc) =	sbr.rel @!p1 .LBB2_9-.Ltmp3, $4  }
0x4e: {  	_ =	swait.ge [sflag:s20], $0x4000  }
0x4f: {  	[sflag:s20] =	ssyncset.done $0x0  }
0x50: {  	s28 =	sadd.s32 $0x20, s28;
	s26 =	sadd.s32 $0x100, s26;
	[sflag:s20] =	ssyncadd.s32 $0xFFFFC000  }
0x51: {  	[spmem:s3] =	stream.indirect.scatter.add.f32 [tilespmem:s17], [sflag:$0x3], $0x80, s21, s15, $0xb8;
	[tilespmem:$0x1CA00] =	vst v63  }
.LBB2_2:
0x52: {  	s30 =	sadd.s32 $0xFFFFFFF8, s29  }
0x53: {  	p1 =	sgt.u32 s30, $0x18  }
0x54: {  	s31 =	simm.s32 @!p1 $0x1  }
0x55: {  	s30 =	sshll.u32 @!p1 s31, s30  }
0x56: {  	s30 =	sand.u32 @!p1 $0x1010101, s30  }
0x57: {  	p2 =	sne.s32 @!p1 s30, $0x0  }
0x58: {  	p1 =	por p1, !p2  }
.Ltmp4:
0x59: {  	_ = 	snop;
	(pc) =	sbr.rel @p1 .LBB2_3-.Ltmp4, $1  }
0x5a: {  	_ =	sdelay $0x3  }
0x5b: {  	[tilespmem:s4], [sflag:$0x5] =	stream.linear.gather [hbm4b:s28+s4], $0x800, $0x38;
	[tilespmem:$0x1CA00] =	vst v63  }
0x5c: {  	_ =	swait.ge [sflag:s13], $0x800  }
0x5d: {  	[sflag:s13] =	ssyncset.done $0x0  }
0x5e: {  	[sflag:s13] =	ssyncadd.s32 $0xFFFFF800  }
.LBB2_5:
0x5f: {  	_ =	swait.ge [sflag:s14], $0x4000  }
0x60: {  	[sflag:s14] =	ssyncset.done $0x0  }
0x61: {  	[sflag:s14] =	ssyncadd.s32 $0xFFFFC000  }
.LBB2_6:
0x62: {  	s30 =	sand.u32 $0x700, s26  }
0x63: {  	v0 =	vld [tilespmem:s30+$0x0];
	_ =	sdelay $0x4  }
0x64: {  	v1 =	vand.u32 $0x3FFF, v0  }
0x65: {  	v0 =	vshrl.u32 v0, $0xE;
	[tilespmem:$0x800] =	vst v1  }
0x66: {  	[tilespmem:$0x880] =	vst v0  }
0x67: {  	v0 =	vld [tilespmem:s30+$0x10];
	_ =	sdelay $0x4  }
0x68: {  	v57 =	vand.u32 $0x3FFF, v0  }
0x69: {  	v0 =	vshrl.u32 v0, $0xE;
	[tilespmem:$0x810] =	vst v57  }
0x6a: {  	[tilespmem:$0x890] =	vst v0  }
0x6b: {  	v0 =	vld [tilespmem:s30+$0x20];
	_ =	sdelay $0x4  }
0x6c: {  	v58 =	vand.u32 $0x3FFF, v0  }
0x6d: {  	v0 =	vshrl.u32 v0, $0xE;
	[tilespmem:$0x820] =	vst v58  }
0x6e: {  	[tilespmem:$0x8A0] =	vst v0  }
0x6f: {  	v0 =	vld [tilespmem:s30+$0x30];
	_ =	sdelay $0x4  }
0x70: {  	v59 =	vand.u32 $0x3FFF, v0  }
0x71: {  	v0 =	vshrl.u32 v0, $0xE;
	[tilespmem:$0x830] =	vst v59  }
0x72: {  	[tilespmem:$0x8B0] =	vst v0  }
0x73: {  	v0 =	vld [tilespmem:s30+$0x40];
	_ =	sdelay $0x4  }
0x74: {  	v60 =	vand.u32 $0x3FFF, v0  }
0x75: {  	v0 =	vshrl.u32 v0, $0xE;
	[tilespmem:$0x840] =	vst v60  }
0x76: {  	[tilespmem:$0x8C0] =	vst v0  }
0x77: {  	v0 =	vld [tilespmem:s30+$0x50];
	_ =	sdelay $0x4  }
0x78: {  	v61 =	vand.u32 $0x3FFF, v0  }
0x79: {  	v0 =	vshrl.u32 v0, $0xE;
	[tilespmem:$0x850] =	vst v61  }
0x7a: {  	[tilespmem:$0x8D0] =	vst v0  }
0x7b: {  	v0 =	vld [tilespmem:s30+$0x60];
	_ =	sdelay $0x4  }
0x7c: {  	v62 =	vand.u32 $0x3FFF, v0  }
0x7d: {  	v0 =	vshrl.u32 v0, $0xE;
	[tilespmem:$0x860] =	vst v62  }
0x7e: {  	[tilespmem:$0x8E0] =	vst v0  }
0x7f: {  	v0 =	vld [tilespmem:s30+$0x70];
	_ =	sdelay $0x4  }
0x80: {  	p1 =	seq.s32 s29, $0x0;
	v63 =	vand.u32 $0x3FFF, v0  }
.Ltmp5:
0x81: {  	v0 =	vshrl.u32 v0, $0xE;
	[tilespmem:$0x870] =	vst v63;
	(pc) =	sbr.rel @p1 .LBB2_8-.Ltmp5, $4  }
0x82: {  	[tilespmem:$0x8F0] =	vst v0  }
0x83: {  	[tilespmem:s17], [sflag:$0x1] =	stream.indirect.gather @p0 [hbm4b:s5+s15], $0x80, s16, s15, $0xb8;
	[tilespmem:$0x1CA00] =	vst v63  }
0x84: {  	_ = 	snop  }
0x85: {  	[tilespmem:s17], [sflag:$0x1] =	stream.indirect.gather @!p0 [hbm4b:s1+s15], $0x80, s16, s15, $0xb8;
	[tilespmem:$0x1CA00] =	vst v63  }
0x86: {  	_ =	swait.ge [sflag:s22], $0x4000  }
0x87: {  	[sflag:s22] =	ssyncset.done $0x0  }
.Ltmp6:
0x88: {  	[sflag:s22] =	ssyncadd.s32 $0xFFFFC000;
	(pc) =	sbr.rel .LBB2_8-.Ltmp6, $4  }
0x89: {  	[spmem:s3] =	stream.indirect.scatter.add.f32 [tilespmem:s19], [sflag:$0x4], $0x80, s23, s15, $0xb8;
	[tilespmem:$0x1CA00] =	vst v63  }
0x8a: {  	_ =	swait.ge [sflag:s24], $0x4000  }
0x8b: {  	[sflag:s24] =	ssyncset.done $0x0  }
0x8c: {  	[sflag:s24] =	ssyncadd.s32 $0xFFFFC000  }
.LBB2_3:
0x8d: {  	p1 =	seq.s32 s29, $0x0  }
.Ltmp7:
0x8e: {  	_ = 	snop;
	(pc) =	sbr.rel @p1 .LBB2_6-.Ltmp7, $4  }
.Ltmp8:
0x8f: {  	_ = 	snop;
	(pc) =	sbr.rel @!p1 .LBB2_5-.Ltmp8, $4  }
0x90: {  	_ = 	snop  }
0x91: {  	_ = 	snop  }
0x92: {  	_ = 	snop  }
0x93: {  	_ = 	snop  }
.LBB2_10:
0x94: {  	_ =	sfence.sel $0x180000  }
0x95: {  	[bflag:$0x0] =	sbarrier.arrive $0xFFFF  }
0x96: {  	p0 =	sne.s32 s2, $0x0;
	_ =	strace $0x90000050  }
0x97: {  	s0 =	sadd.s32 @!p0 $0x100000, s0;
	[bflag:$0x2] =	sbarrier.arrive $0xFFFF  }
0x98: {  	[sflag:s0] =	ssyncadd.tile.s32 @!p0 $0x1;
	_ =	shalt  }
.Lfunc_end2:
_tile_overlayer_lowered:
.L_overlay_start_2:
0x99: {  	(tag) =	ssettag $0x2  }
0x9a: {  	s0 =	rddreg [dreg:$0x0];
	s2 =	stileid.u32  }
0x9b: {  	s1 =	rddreg [dreg:$0x1];
	p0 =	sne.s32 s2, $0x0  }
0x9c: {  	s3 =	rddreg [dreg:$0x2];
	[bflag:$0x3] =	sbarrier.arrive $0xFFFF;
	s2 =	simm.s32 @!p0 $0x1C05  }
0x9d: {  	[timem:s3], [sflag:s2] =	dma.local @!p0 [hbm:s0], s1  }
0x9e: {  	s0 =	simm.s32 @!p0 $0x5  }
0x9f: {  	_ =	swait.ge @!p0 [sflag:s0], s1  }
0xa0: {  	s1 =	ssub.s32 @!p0 $0x0, s1;
	[sflag:s0] =	ssyncset.done @!p0 $0x0  }
0xa1: {  	[sflag:s0] =	ssyncadd.s32 @!p0 s1  }
0xa2: {  	[bflag:$0x3] =	sbarrier.arrive $0xFFFF  }
0xa3: {  	_ =	shalt  }

</sc_bundles>
